<compile_context>
chip_gen: v7x
topology: tpu7x:2x2x1
jax: 0.10.2.dev20260603
libtpu: 0.0.44.dev20260713+nightly
codegen_flags: <defaults>
</compile_context>

<pallas_src>
import jax
import jax.numpy as jnp
from jax import lax
from jax.experimental import pallas as pl
from jax.experimental.pallas import tpu as pltpu
from jax.experimental.pallas import tpu_sc as plsc

BATCH = 16384
DIM = 32
NUM_WORKERS = 32
ROWS_PER_WORKER = BATCH // NUM_WORKERS
IDX_CHUNK = 128
NUM_CHUNKS = ROWS_PER_WORKER // IDX_CHUNK
LANES = 16


def _body(uidx_hbm, pidx_hbm, nidx_hbm, user_table, item_table, out_hbm,
          uidx_v, pidx_v, nidx_v, urows_v, prows_v, nrows_v, outbuf_v,
          *sems):
    cid = lax.axis_index("c")
    sid = lax.axis_index("s")
    wid = sid * 2 + cid
    base = wid * ROWS_PER_WORKER

    pltpu.sync_copy(uidx_hbm.at[wid], uidx_v)
    pltpu.sync_copy(pidx_hbm.at[wid], pidx_v)
    pltpu.sync_copy(nidx_hbm.at[wid], nidx_v)

    handles = []
    for j in range(NUM_CHUNKS):
        sl = pl.ds(j * IDX_CHUNK, IDX_CHUNK)
        handles.append((
            pltpu.async_copy(user_table.at[uidx_v.at[j]], urows_v.at[sl], sems[j]),
            pltpu.async_copy(item_table.at[pidx_v.at[j]], prows_v.at[sl], sems[j]),
            pltpu.async_copy(item_table.at[nidx_v.at[j]], nrows_v.at[sl], sems[j]),
        ))

    col0 = jnp.zeros((LANES,), jnp.int32)
    col1 = jnp.ones((LANES,), jnp.int32)
    lane_iota = lax.iota(jnp.int32, LANES)

    for j in range(NUM_CHUNKS):
        for h in handles[j]:
            h.wait()

        def chunk(cc, carry, j=j):
            lanes = j * IDX_CHUNK + cc * LANES + lane_iota
            accp = jnp.zeros((LANES,), jnp.float32)
            accn = jnp.zeros((LANES,), jnp.float32)
            for d in range(DIM):
                dvec = jnp.full((LANES,), d, jnp.int32)
                u = plsc.load_gather(urows_v, [lanes, dvec])
                p = plsc.load_gather(prows_v, [lanes, dvec])
                n = plsc.load_gather(nrows_v, [lanes, dvec])
                accp = accp + u * p
                accn = accn + u * n
            plsc.store_scatter(outbuf_v, [lanes, col0], accp)
            plsc.store_scatter(outbuf_v, [lanes, col1], accn)
            return carry

        lax.fori_loop(0, IDX_CHUNK // LANES, chunk, 0)

    pltpu.sync_copy(outbuf_v, out_hbm.at[pl.ds(base, ROWS_PER_WORKER)])


def kernel(user_inputs, pos_inputs, neg_inputs, user_table, item_table):
    mesh = plsc.VectorSubcoreMesh(core_axis_name="c", subcore_axis_name="s")
    run = pl.kernel(
        _body,
        out_type=jax.ShapeDtypeStruct((BATCH, 2), jnp.float32),
        mesh=mesh,
        scratch_types=[
            pltpu.VMEM((NUM_CHUNKS, IDX_CHUNK), jnp.int32),
            pltpu.VMEM((NUM_CHUNKS, IDX_CHUNK), jnp.int32),
            pltpu.VMEM((NUM_CHUNKS, IDX_CHUNK), jnp.int32),
            pltpu.VMEM((ROWS_PER_WORKER, DIM), jnp.float32),
            pltpu.VMEM((ROWS_PER_WORKER, DIM), jnp.float32),
            pltpu.VMEM((ROWS_PER_WORKER, DIM), jnp.float32),
            pltpu.VMEM((ROWS_PER_WORKER, 2), jnp.float32),
        ] + [pltpu.SemaphoreType.DMA] * NUM_CHUNKS,
        compiler_params=pltpu.CompilerParams(
            needs_layout_passes=False,
            use_tc_tiling_on_sc=False,
        ),
    )
    shape = (NUM_WORKERS, NUM_CHUNKS, IDX_CHUNK)
    return run(
        user_inputs.reshape(shape),
        pos_inputs.reshape(shape),
        neg_inputs.reshape(shape),
        user_table,
        item_table,
    )

# --- scband reference (transcript-rebuilt; emitter-appended) ---
"""Pipeline reference for scband-bpr-68908455297170 (READ-ONLY COPY).

The authoritative reference and input builder live on the scoring server;
editing this copy changes nothing except your own understanding.
"""

import jax, jax.numpy as jnp
import numpy as np

USER_VOCAB = 1000000
ITEM_VOCAB = 1000000
EMBED_DIM = 32
BATCH = 16384

def setup_inputs(seed: int = 0) -> dict:
    key = jax.random.key(seed)
    k1, k2, k3, k4, k5 = jax.random.split(key, 5)
    user_inputs = jax.random.randint(k1, (BATCH, 1), 0, USER_VOCAB, dtype=jnp.int64 if jax.config.jax_enable_x64 else jnp.int32)
    pos_inputs = jax.random.randint(k2, (BATCH, 1), 0, ITEM_VOCAB, dtype=jnp.int64 if jax.config.jax_enable_x64 else jnp.int32)
    neg_inputs = jax.random.randint(k3, (BATCH, 1), 0, ITEM_VOCAB, dtype=jnp.int64 if jax.config.jax_enable_x64 else jnp.int32)
    user_table = jax.random.normal(k4, (USER_VOCAB, EMBED_DIM), dtype=jnp.float32) * 0.05
    item_table = jax.random.normal(k5, (ITEM_VOCAB, EMBED_DIM), dtype=jnp.float32) * 0.05
    return {"user_inputs": user_inputs, "pos_inputs": pos_inputs, "neg_inputs": neg_inputs, "user_table": user_table, "item_table": item_table}

def reference(user_inputs, pos_inputs, neg_inputs, user_table, item_table):
    # Embedding lookups (gathers)
    user_embed = jnp.take(user_table, user_inputs, axis=0)  # [B, 1, D]
    pos_embed = jnp.take(item_table, pos_inputs, axis=0)    # [B, 1, D]
    neg_embed = jnp.take(item_table, neg_inputs, axis=0)    # [B, 1, D]
    # mode == 'inner'
    pos_scores = jnp.sum(user_embed * pos_embed, axis=-1)   # [B, 1]
    neg_scores = jnp.sum(user_embed * neg_embed, axis=-1)   # [B, 1]
    logits = jnp.concatenate([pos_scores, neg_scores], axis=-1)  # [B, 2]
    return logits

if __name__ == "__main__":
    import jax
    _d = setup_inputs()
    print(jax.jit(kernel)(*tuple(_d.values())))

</pallas_src>

<mosaic_0001>
#map = affine_map<(d0, d1) -> (0, 0, 0)>
#map1 = affine_map<(d0, d1) -> (0, 0)>
module attributes {stable_mosaic.version = 14 : i64} {
  func.func @_body(%arg0: i32, %arg1: i32, %arg2: memref<32x4x128xi32, #tpu.memory_space<hbm>>, %arg3: memref<32x4x128xi32, #tpu.memory_space<hbm>>, %arg4: memref<32x4x128xi32, #tpu.memory_space<hbm>>, %arg5: memref<1000000x32xf32, #tpu.memory_space<hbm>>, %arg6: memref<1000000x32xf32, #tpu.memory_space<hbm>>, %arg7: memref<16384x2xf32, #tpu.memory_space<hbm>>, %arg8: memref<4x128xi32, #tpu.memory_space<vmem>>, %arg9: memref<4x128xi32, #tpu.memory_space<vmem>>, %arg10: memref<4x128xi32, #tpu.memory_space<vmem>>, %arg11: memref<512x32xf32, #tpu.memory_space<vmem>>, %arg12: memref<512x32xf32, #tpu.memory_space<vmem>>, %arg13: memref<512x32xf32, #tpu.memory_space<vmem>>, %arg14: memref<512x2xf32, #tpu.memory_space<vmem>>, %arg15: memref<!tpu.dma_semaphore, #tpu.memory_space<semaphore_mem>>, %arg16: memref<!tpu.dma_semaphore, #tpu.memory_space<semaphore_mem>>, %arg17: memref<!tpu.dma_semaphore, #tpu.memory_space<semaphore_mem>>, %arg18: memref<!tpu.dma_semaphore, #tpu.memory_space<semaphore_mem>>) attributes {dimension_semantics = [#tpu.dimension_semantics<core_parallel>, #tpu.dimension_semantics<subcore_parallel>], iteration_bounds = array<i64: 2, 16>, scalar_prefetch = 0 : i64, scratch_operands = 11 : i64, tpu.core_type = #tpu.core_type<sc_vector_subcore>, window_params = [{transform_indices = #map}, {transform_indices = #map}, {transform_indices = #map}, {transform_indices = #map1}, {transform_indices = #map1}, {transform_indices = #map1}]} {
    %mul3A = arith.constant 2 : i32
    %mul3A_0 = arith.muli %arg1, %mul3A : i32
    %add3A = arith.addi %mul3A_0, %arg0 : i32
    %mul3A_1 = arith.constant 512 : i32
    %mul3A_2 = arith.muli %add3A, %mul3A_1 : i32
    "tpu.region"() ({
      %run_scoped3A = tpu.sem_alloc : memref<!tpu.dma_semaphore, #tpu.memory_space<semaphore_mem>>
      %dma_start3A_267 = arith.constant 0 : i32
      %dma_start3A_268 = arith.constant 0 : i32
      %dma_start3A_269 = tpu.memref_slice %arg2[%add3A, %dma_start3A_267, %dma_start3A_268] : memref<32x4x128xi32, #tpu.memory_space<hbm>> -> memref<1x4x128xi32, #tpu.memory_space<hbm>>
      %dma_start3A_270 = tpu.memref_squeeze %dma_start3A_269 : memref<1x4x128xi32, #tpu.memory_space<hbm>> -> memref<4x128xi32, #tpu.memory_space<hbm>>
      %dma_start3A_271 = arith.constant 0 : i32
      %dma_start3A_272 = arith.constant 0 : i32
      %dma_start3A_273 = tpu.memref_slice %arg2[%add3A, %dma_start3A_271, %dma_start3A_272] : memref<32x4x128xi32, #tpu.memory_space<hbm>> -> memref<1x4x128xi32, #tpu.memory_space<hbm>>
      %dma_start3A_274 = tpu.memref_squeeze %dma_start3A_273 : memref<1x4x128xi32, #tpu.memory_space<hbm>> -> memref<4x128xi32, #tpu.memory_space<hbm>>
      tpu.enqueue_dma source(%dma_start3A_274 : memref<4x128xi32, #tpu.memory_space<hbm>>) target(%arg8 : memref<4x128xi32, #tpu.memory_space<vmem>>) target_semaphore(%run_scoped3A : memref<!tpu.dma_semaphore, #tpu.memory_space<semaphore_mem>>)
      %dma_wait3A_275 = arith.constant 0 : i32
      %dma_wait3A_276 = arith.constant 0 : i32
      %dma_wait3A_277 = tpu.memref_slice %arg2[%add3A, %dma_wait3A_275, %dma_wait3A_276] : memref<32x4x128xi32, #tpu.memory_space<hbm>> -> memref<1x4x128xi32, #tpu.memory_space<hbm>>
      %dma_wait3A_278 = tpu.memref_squeeze %dma_wait3A_277 : memref<1x4x128xi32, #tpu.memory_space<hbm>> -> memref<4x128xi32, #tpu.memory_space<hbm>>
      %dma_wait3A_279 = arith.constant 0 : i32
      %dma_wait3A_280 = arith.constant 0 : i32
      %dma_wait3A_281 = tpu.memref_slice %arg2[%add3A, %dma_wait3A_279, %dma_wait3A_280] : memref<32x4x128xi32, #tpu.memory_space<hbm>> -> memref<1x4x128xi32, #tpu.memory_space<hbm>>
      %dma_wait3A_282 = tpu.memref_squeeze %dma_wait3A_281 : memref<1x4x128xi32, #tpu.memory_space<hbm>> -> memref<4x128xi32, #tpu.memory_space<hbm>>
      tpu.wait_dma2 semaphore(%run_scoped3A : memref<!tpu.dma_semaphore, #tpu.memory_space<semaphore_mem>>) src(%dma_wait3A_282 : memref<4x128xi32, #tpu.memory_space<hbm>>) dst(%arg8 : memref<4x128xi32, #tpu.memory_space<vmem>>)
      tpu.yield
    }) : () -> ()
    "tpu.region"() ({
      %run_scoped3A = tpu.sem_alloc : memref<!tpu.dma_semaphore, #tpu.memory_space<semaphore_mem>>
      %dma_start3A_267 = arith.constant 0 : i32
      %dma_start3A_268 = arith.constant 0 : i32
      %dma_start3A_269 = tpu.memref_slice %arg3[%add3A, %dma_start3A_267, %dma_start3A_268] : memref<32x4x128xi32, #tpu.memory_space<hbm>> -> memref<1x4x128xi32, #tpu.memory_space<hbm>>
      %dma_start3A_270 = tpu.memref_squeeze %dma_start3A_269 : memref<1x4x128xi32, #tpu.memory_space<hbm>> -> memref<4x128xi32, #tpu.memory_space<hbm>>
      %dma_start3A_271 = arith.constant 0 : i32
      %dma_start3A_272 = arith.constant 0 : i32
      %dma_start3A_273 = tpu.memref_slice %arg3[%add3A, %dma_start3A_271, %dma_start3A_272] : memref<32x4x128xi32, #tpu.memory_space<hbm>> -> memref<1x4x128xi32, #tpu.memory_space<hbm>>
      %dma_start3A_274 = tpu.memref_squeeze %dma_start3A_273 : memref<1x4x128xi32, #tpu.memory_space<hbm>> -> memref<4x128xi32, #tpu.memory_space<hbm>>
      tpu.enqueue_dma source(%dma_start3A_274 : memref<4x128xi32, #tpu.memory_space<hbm>>) target(%arg9 : memref<4x128xi32, #tpu.memory_space<vmem>>) target_semaphore(%run_scoped3A : memref<!tpu.dma_semaphore, #tpu.memory_space<semaphore_mem>>)
      %dma_wait3A_275 = arith.constant 0 : i32
      %dma_wait3A_276 = arith.constant 0 : i32
      %dma_wait3A_277 = tpu.memref_slice %arg3[%add3A, %dma_wait3A_275, %dma_wait3A_276] : memref<32x4x128xi32, #tpu.memory_space<hbm>> -> memref<1x4x128xi32, #tpu.memory_space<hbm>>
      %dma_wait3A_278 = tpu.memref_squeeze %dma_wait3A_277 : memref<1x4x128xi32, #tpu.memory_space<hbm>> -> memref<4x128xi32, #tpu.memory_space<hbm>>
      %dma_wait3A_279 = arith.constant 0 : i32
      %dma_wait3A_280 = arith.constant 0 : i32
      %dma_wait3A_281 = tpu.memref_slice %arg3[%add3A, %dma_wait3A_279, %dma_wait3A_280] : memref<32x4x128xi32, #tpu.memory_space<hbm>> -> memref<1x4x128xi32, #tpu.memory_space<hbm>>
      %dma_wait3A_282 = tpu.memref_squeeze %dma_wait3A_281 : memref<1x4x128xi32, #tpu.memory_space<hbm>> -> memref<4x128xi32, #tpu.memory_space<hbm>>
      tpu.wait_dma2 semaphore(%run_scoped3A : memref<!tpu.dma_semaphore, #tpu.memory_space<semaphore_mem>>) src(%dma_wait3A_282 : memref<4x128xi32, #tpu.memory_space<hbm>>) dst(%arg9 : memref<4x128xi32, #tpu.memory_space<vmem>>)
      tpu.yield
    }) : () -> ()
    "tpu.region"() ({
      %run_scoped3A = tpu.sem_alloc : memref<!tpu.dma_semaphore, #tpu.memory_space<semaphore_mem>>
      %dma_start3A_267 = arith.constant 0 : i32
      %dma_start3A_268 = arith.constant 0 : i32
      %dma_start3A_269 = tpu.memref_slice %arg4[%add3A, %dma_start3A_267, %dma_start3A_268] : memref<32x4x128xi32, #tpu.memory_space<hbm>> -> memref<1x4x128xi32, #tpu.memory_space<hbm>>
      %dma_start3A_270 = tpu.memref_squeeze %dma_start3A_269 : memref<1x4x128xi32, #tpu.memory_space<hbm>> -> memref<4x128xi32, #tpu.memory_space<hbm>>
      %dma_start3A_271 = arith.constant 0 : i32
      %dma_start3A_272 = arith.constant 0 : i32
      %dma_start3A_273 = tpu.memref_slice %arg4[%add3A, %dma_start3A_271, %dma_start3A_272] : memref<32x4x128xi32, #tpu.memory_space<hbm>> -> memref<1x4x128xi32, #tpu.memory_space<hbm>>
      %dma_start3A_274 = tpu.memref_squeeze %dma_start3A_273 : memref<1x4x128xi32, #tpu.memory_space<hbm>> -> memref<4x128xi32, #tpu.memory_space<hbm>>
      tpu.enqueue_dma source(%dma_start3A_274 : memref<4x128xi32, #tpu.memory_space<hbm>>) target(%arg10 : memref<4x128xi32, #tpu.memory_space<vmem>>) target_semaphore(%run_scoped3A : memref<!tpu.dma_semaphore, #tpu.memory_space<semaphore_mem>>)
      %dma_wait3A_275 = arith.constant 0 : i32
      %dma_wait3A_276 = arith.constant 0 : i32
      %dma_wait3A_277 = tpu.memref_slice %arg4[%add3A, %dma_wait3A_275, %dma_wait3A_276] : memref<32x4x128xi32, #tpu.memory_space<hbm>> -> memref<1x4x128xi32, #tpu.memory_space<hbm>>
      %dma_wait3A_278 = tpu.memref_squeeze %dma_wait3A_277 : memref<1x4x128xi32, #tpu.memory_space<hbm>> -> memref<4x128xi32, #tpu.memory_space<hbm>>
      %dma_wait3A_279 = arith.constant 0 : i32
      %dma_wait3A_280 = arith.constant 0 : i32
      %dma_wait3A_281 = tpu.memref_slice %arg4[%add3A, %dma_wait3A_279, %dma_wait3A_280] : memref<32x4x128xi32, #tpu.memory_space<hbm>> -> memref<1x4x128xi32, #tpu.memory_space<hbm>>
      %dma_wait3A_282 = tpu.memref_squeeze %dma_wait3A_281 : memref<1x4x128xi32, #tpu.memory_space<hbm>> -> memref<4x128xi32, #tpu.memory_space<hbm>>
      tpu.wait_dma2 semaphore(%run_scoped3A : memref<!tpu.dma_semaphore, #tpu.memory_space<semaphore_mem>>) src(%dma_wait3A_282 : memref<4x128xi32, #tpu.memory_space<hbm>>) dst(%arg10 : memref<4x128xi32, #tpu.memory_space<vmem>>)
      tpu.yield
    }) : () -> ()
    %dma_start3A = arith.constant 0 : i32
    %dma_start3A_3 = arith.constant 0 : i32
    %dma_start3A_4 = arith.constant 0 : i32
    %dma_start3A_5 = tpu.memref_slice %arg11[%dma_start3A_3, %dma_start3A_4] : memref<512x32xf32, #tpu.memory_space<vmem>> -> memref<128x32xf32, #tpu.memory_space<vmem>>
    %dma_start3A_6 = arith.constant 0 : i32
    %dma_start3A_7 = tpu.memref_slice %arg8[%dma_start3A, %dma_start3A_6] : memref<4x128xi32, #tpu.memory_space<vmem>> -> memref<1x128xi32, #tpu.memory_space<vmem>>
    %dma_start3A_8 = tpu.memref_squeeze %dma_start3A_7 : memref<1x128xi32, #tpu.memory_space<vmem>> -> memref<128xi32, #tpu.memory_space<vmem>>
    %dma_start3A_9 = arith.constant 0 : i32
    %dma_start3A_10 = arith.constant 0 : i32
    %dma_start3A_11 = tpu.memref_slice %arg5[%dma_start3A_9, %dma_start3A_10] : memref<1000000x32xf32, #tpu.memory_space<hbm>> -> memref<1000000x32xf32, #tpu.memory_space<hbm>>
    tpu.enqueue_indirect_dma source(%dma_start3A_11 : memref<1000000x32xf32, #tpu.memory_space<hbm>>) target(%dma_start3A_5 : memref<128x32xf32, #tpu.memory_space<vmem>>) offsets(%dma_start3A_8 : memref<128xi32, #tpu.memory_space<vmem>>) semaphore(%arg15 : memref<!tpu.dma_semaphore, #tpu.memory_space<semaphore_mem>>)
    %dma_start3A_12 = arith.constant 0 : i32
    %dma_start3A_13 = arith.constant 0 : i32
    %dma_start3A_14 = arith.constant 0 : i32
    %dma_start3A_15 = tpu.memref_slice %arg12[%dma_start3A_13, %dma_start3A_14] : memref<512x32xf32, #tpu.memory_space<vmem>> -> memref<128x32xf32, #tpu.memory_space<vmem>>
    %dma_start3A_16 = arith.constant 0 : i32
    %dma_start3A_17 = tpu.memref_slice %arg9[%dma_start3A_12, %dma_start3A_16] : memref<4x128xi32, #tpu.memory_space<vmem>> -> memref<1x128xi32, #tpu.memory_space<vmem>>
    %dma_start3A_18 = tpu.memref_squeeze %dma_start3A_17 : memref<1x128xi32, #tpu.memory_space<vmem>> -> memref<128xi32, #tpu.memory_space<vmem>>
    %dma_start3A_19 = arith.constant 0 : i32
    %dma_start3A_20 = arith.constant 0 : i32
    %dma_start3A_21 = tpu.memref_slice %arg6[%dma_start3A_19, %dma_start3A_20] : memref<1000000x32xf32, #tpu.memory_space<hbm>> -> memref<1000000x32xf32, #tpu.memory_space<hbm>>
    tpu.enqueue_indirect_dma source(%dma_start3A_21 : memref<1000000x32xf32, #tpu.memory_space<hbm>>) target(%dma_start3A_15 : memref<128x32xf32, #tpu.memory_space<vmem>>) offsets(%dma_start3A_18 : memref<128xi32, #tpu.memory_space<vmem>>) semaphore(%arg15 : memref<!tpu.dma_semaphore, #tpu.memory_space<semaphore_mem>>)
    %dma_start3A_22 = arith.constant 0 : i32
    %dma_start3A_23 = arith.constant 0 : i32
    %dma_start3A_24 = arith.constant 0 : i32
    %dma_start3A_25 = tpu.memref_slice %arg13[%dma_start3A_23, %dma_start3A_24] : memref<512x32xf32, #tpu.memory_space<vmem>> -> memref<128x32xf32, #tpu.memory_space<vmem>>
    %dma_start3A_26 = arith.constant 0 : i32
    %dma_start3A_27 = tpu.memref_slice %arg10[%dma_start3A_22, %dma_start3A_26] : memref<4x128xi32, #tpu.memory_space<vmem>> -> memref<1x128xi32, #tpu.memory_space<vmem>>
    %dma_start3A_28 = tpu.memref_squeeze %dma_start3A_27 : memref<1x128xi32, #tpu.memory_space<vmem>> -> memref<128xi32, #tpu.memory_space<vmem>>
    %dma_start3A_29 = arith.constant 0 : i32
    %dma_start3A_30 = arith.constant 0 : i32
    %dma_start3A_31 = tpu.memref_slice %arg6[%dma_start3A_29, %dma_start3A_30] : memref<1000000x32xf32, #tpu.memory_space<hbm>> -> memref<1000000x32xf32, #tpu.memory_space<hbm>>
    tpu.enqueue_indirect_dma source(%dma_start3A_31 : memref<1000000x32xf32, #tpu.memory_space<hbm>>) target(%dma_start3A_25 : memref<128x32xf32, #tpu.memory_space<vmem>>) offsets(%dma_start3A_28 : memref<128xi32, #tpu.memory_space<vmem>>) semaphore(%arg15 : memref<!tpu.dma_semaphore, #tpu.memory_space<semaphore_mem>>)
    %dma_start3A_32 = arith.constant 1 : i32
    %dma_start3A_33 = arith.constant 128 : i32
    %dma_start3A_34 = arith.constant 0 : i32
    %dma_start3A_35 = tpu.memref_slice %arg11[%dma_start3A_33, %dma_start3A_34] : memref<512x32xf32, #tpu.memory_space<vmem>> -> memref<128x32xf32, #tpu.memory_space<vmem>>
    %dma_start3A_36 = arith.constant 0 : i32
    %dma_start3A_37 = tpu.memref_slice %arg8[%dma_start3A_32, %dma_start3A_36] : memref<4x128xi32, #tpu.memory_space<vmem>> -> memref<1x128xi32, #tpu.memory_space<vmem>>
    %dma_start3A_38 = tpu.memref_squeeze %dma_start3A_37 : memref<1x128xi32, #tpu.memory_space<vmem>> -> memref<128xi32, #tpu.memory_space<vmem>>
    %dma_start3A_39 = arith.constant 0 : i32
    %dma_start3A_40 = arith.constant 0 : i32
    %dma_start3A_41 = tpu.memref_slice %arg5[%dma_start3A_39, %dma_start3A_40] : memref<1000000x32xf32, #tpu.memory_space<hbm>> -> memref<1000000x32xf32, #tpu.memory_space<hbm>>
    tpu.enqueue_indirect_dma source(%dma_start3A_41 : memref<1000000x32xf32, #tpu.memory_space<hbm>>) target(%dma_start3A_35 : memref<128x32xf32, #tpu.memory_space<vmem>>) offsets(%dma_start3A_38 : memref<128xi32, #tpu.memory_space<vmem>>) semaphore(%arg16 : memref<!tpu.dma_semaphore, #tpu.memory_space<semaphore_mem>>)
    %dma_start3A_42 = arith.constant 1 : i32
    %dma_start3A_43 = arith.constant 128 : i32
    %dma_start3A_44 = arith.constant 0 : i32
    %dma_start3A_45 = tpu.memref_slice %arg12[%dma_start3A_43, %dma_start3A_44] : memref<512x32xf32, #tpu.memory_space<vmem>> -> memref<128x32xf32, #tpu.memory_space<vmem>>
    %dma_start3A_46 = arith.constant 0 : i32
    %dma_start3A_47 = tpu.memref_slice %arg9[%dma_start3A_42, %dma_start3A_46] : memref<4x128xi32, #tpu.memory_space<vmem>> -> memref<1x128xi32, #tpu.memory_space<vmem>>
    %dma_start3A_48 = tpu.memref_squeeze %dma_start3A_47 : memref<1x128xi32, #tpu.memory_space<vmem>> -> memref<128xi32, #tpu.memory_space<vmem>>
    %dma_start3A_49 = arith.constant 0 : i32
    %dma_start3A_50 = arith.constant 0 : i32
    %dma_start3A_51 = tpu.memref_slice %arg6[%dma_start3A_49, %dma_start3A_50] : memref<1000000x32xf32, #tpu.memory_space<hbm>> -> memref<1000000x32xf32, #tpu.memory_space<hbm>>
    tpu.enqueue_indirect_dma source(%dma_start3A_51 : memref<1000000x32xf32, #tpu.memory_space<hbm>>) target(%dma_start3A_45 : memref<128x32xf32, #tpu.memory_space<vmem>>) offsets(%dma_start3A_48 : memref<128xi32, #tpu.memory_space<vmem>>) semaphore(%arg16 : memref<!tpu.dma_semaphore, #tpu.memory_space<semaphore_mem>>)
    %dma_start3A_52 = arith.constant 1 : i32
    %dma_start3A_53 = arith.constant 128 : i32
    %dma_start3A_54 = arith.constant 0 : i32
    %dma_start3A_55 = tpu.memref_slice %arg13[%dma_start3A_53, %dma_start3A_54] : memref<512x32xf32, #tpu.memory_space<vmem>> -> memref<128x32xf32, #tpu.memory_space<vmem>>
    %dma_start3A_56 = arith.constant 0 : i32
    %dma_start3A_57 = tpu.memref_slice %arg10[%dma_start3A_52, %dma_start3A_56] : memref<4x128xi32, #tpu.memory_space<vmem>> -> memref<1x128xi32, #tpu.memory_space<vmem>>
    %dma_start3A_58 = tpu.memref_squeeze %dma_start3A_57 : memref<1x128xi32, #tpu.memory_space<vmem>> -> memref<128xi32, #tpu.memory_space<vmem>>
    %dma_start3A_59 = arith.constant 0 : i32
    %dma_start3A_60 = arith.constant 0 : i32
    %dma_start3A_61 = tpu.memref_slice %arg6[%dma_start3A_59, %dma_start3A_60] : memref<1000000x32xf32, #tpu.memory_space<hbm>> -> memref<1000000x32xf32, #tpu.memory_space<hbm>>
    tpu.enqueue_indirect_dma source(%dma_start3A_61 : memref<1000000x32xf32, #tpu.memory_space<hbm>>) target(%dma_start3A_55 : memref<128x32xf32, #tpu.memory_space<vmem>>) offsets(%dma_start3A_58 : memref<128xi32, #tpu.memory_space<vmem>>) semaphore(%arg16 : memref<!tpu.dma_semaphore, #tpu.memory_space<semaphore_mem>>)
    %dma_start3A_62 = arith.constant 2 : i32
    %dma_start3A_63 = arith.constant 256 : i32
    %dma_start3A_64 = arith.constant 0 : i32
    %dma_start3A_65 = tpu.memref_slice %arg11[%dma_start3A_63, %dma_start3A_64] : memref<512x32xf32, #tpu.memory_space<vmem>> -> memref<128x32xf32, #tpu.memory_space<vmem>>
    %dma_start3A_66 = arith.constant 0 : i32
    %dma_start3A_67 = tpu.memref_slice %arg8[%dma_start3A_62, %dma_start3A_66] : memref<4x128xi32, #tpu.memory_space<vmem>> -> memref<1x128xi32, #tpu.memory_space<vmem>>
    %dma_start3A_68 = tpu.memref_squeeze %dma_start3A_67 : memref<1x128xi32, #tpu.memory_space<vmem>> -> memref<128xi32, #tpu.memory_space<vmem>>
    %dma_start3A_69 = arith.constant 0 : i32
    %dma_start3A_70 = arith.constant 0 : i32
    %dma_start3A_71 = tpu.memref_slice %arg5[%dma_start3A_69, %dma_start3A_70] : memref<1000000x32xf32, #tpu.memory_space<hbm>> -> memref<1000000x32xf32, #tpu.memory_space<hbm>>
    tpu.enqueue_indirect_dma source(%dma_start3A_71 : memref<1000000x32xf32, #tpu.memory_space<hbm>>) target(%dma_start3A_65 : memref<128x32xf32, #tpu.memory_space<vmem>>) offsets(%dma_start3A_68 : memref<128xi32, #tpu.memory_space<vmem>>) semaphore(%arg17 : memref<!tpu.dma_semaphore, #tpu.memory_space<semaphore_mem>>)
    %dma_start3A_72 = arith.constant 2 : i32
    %dma_start3A_73 = arith.constant 256 : i32
    %dma_start3A_74 = arith.constant 0 : i32
    %dma_start3A_75 = tpu.memref_slice %arg12[%dma_start3A_73, %dma_start3A_74] : memref<512x32xf32, #tpu.memory_space<vmem>> -> memref<128x32xf32, #tpu.memory_space<vmem>>
    %dma_start3A_76 = arith.constant 0 : i32
    %dma_start3A_77 = tpu.memref_slice %arg9[%dma_start3A_72, %dma_start3A_76] : memref<4x128xi32, #tpu.memory_space<vmem>> -> memref<1x128xi32, #tpu.memory_space<vmem>>
    %dma_start3A_78 = tpu.memref_squeeze %dma_start3A_77 : memref<1x128xi32, #tpu.memory_space<vmem>> -> memref<128xi32, #tpu.memory_space<vmem>>
    %dma_start3A_79 = arith.constant 0 : i32
    %dma_start3A_80 = arith.constant 0 : i32
    %dma_start3A_81 = tpu.memref_slice %arg6[%dma_start3A_79, %dma_start3A_80] : memref<1000000x32xf32, #tpu.memory_space<hbm>> -> memref<1000000x32xf32, #tpu.memory_space<hbm>>
    tpu.enqueue_indirect_dma source(%dma_start3A_81 : memref<1000000x32xf32, #tpu.memory_space<hbm>>) target(%dma_start3A_75 : memref<128x32xf32, #tpu.memory_space<vmem>>) offsets(%dma_start3A_78 : memref<128xi32, #tpu.memory_space<vmem>>) semaphore(%arg17 : memref<!tpu.dma_semaphore, #tpu.memory_space<semaphore_mem>>)
    %dma_start3A_82 = arith.constant 2 : i32
    %dma_start3A_83 = arith.constant 256 : i32
    %dma_start3A_84 = arith.constant 0 : i32
    %dma_start3A_85 = tpu.memref_slice %arg13[%dma_start3A_83, %dma_start3A_84] : memref<512x32xf32, #tpu.memory_space<vmem>> -> memref<128x32xf32, #tpu.memory_space<vmem>>
    %dma_start3A_86 = arith.constant 0 : i32
    %dma_start3A_87 = tpu.memref_slice %arg10[%dma_start3A_82, %dma_start3A_86] : memref<4x128xi32, #tpu.memory_space<vmem>> -> memref<1x128xi32, #tpu.memory_space<vmem>>
    %dma_start3A_88 = tpu.memref_squeeze %dma_start3A_87 : memref<1x128xi32, #tpu.memory_space<vmem>> -> memref<128xi32, #tpu.memory_space<vmem>>
    %dma_start3A_89 = arith.constant 0 : i32
    %dma_start3A_90 = arith.constant 0 : i32
    %dma_start3A_91 = tpu.memref_slice %arg6[%dma_start3A_89, %dma_start3A_90] : memref<1000000x32xf32, #tpu.memory_space<hbm>> -> memref<1000000x32xf32, #tpu.memory_space<hbm>>
    tpu.enqueue_indirect_dma source(%dma_start3A_91 : memref<1000000x32xf32, #tpu.memory_space<hbm>>) target(%dma_start3A_85 : memref<128x32xf32, #tpu.memory_space<vmem>>) offsets(%dma_start3A_88 : memref<128xi32, #tpu.memory_space<vmem>>) semaphore(%arg17 : memref<!tpu.dma_semaphore, #tpu.memory_space<semaphore_mem>>)
    %dma_start3A_92 = arith.constant 3 : i32
    %dma_start3A_93 = arith.constant 384 : i32
    %dma_start3A_94 = arith.constant 0 : i32
    %dma_start3A_95 = tpu.memref_slice %arg11[%dma_start3A_93, %dma_start3A_94] : memref<512x32xf32, #tpu.memory_space<vmem>> -> memref<128x32xf32, #tpu.memory_space<vmem>>
    %dma_start3A_96 = arith.constant 0 : i32
    %dma_start3A_97 = tpu.memref_slice %arg8[%dma_start3A_92, %dma_start3A_96] : memref<4x128xi32, #tpu.memory_space<vmem>> -> memref<1x128xi32, #tpu.memory_space<vmem>>
    %dma_start3A_98 = tpu.memref_squeeze %dma_start3A_97 : memref<1x128xi32, #tpu.memory_space<vmem>> -> memref<128xi32, #tpu.memory_space<vmem>>
    %dma_start3A_99 = arith.constant 0 : i32
    %dma_start3A_100 = arith.constant 0 : i32
    %dma_start3A_101 = tpu.memref_slice %arg5[%dma_start3A_99, %dma_start3A_100] : memref<1000000x32xf32, #tpu.memory_space<hbm>> -> memref<1000000x32xf32, #tpu.memory_space<hbm>>
    tpu.enqueue_indirect_dma source(%dma_start3A_101 : memref<1000000x32xf32, #tpu.memory_space<hbm>>) target(%dma_start3A_95 : memref<128x32xf32, #tpu.memory_space<vmem>>) offsets(%dma_start3A_98 : memref<128xi32, #tpu.memory_space<vmem>>) semaphore(%arg18 : memref<!tpu.dma_semaphore, #tpu.memory_space<semaphore_mem>>)
    %dma_start3A_102 = arith.constant 3 : i32
    %dma_start3A_103 = arith.constant 384 : i32
    %dma_start3A_104 = arith.constant 0 : i32
    %dma_start3A_105 = tpu.memref_slice %arg12[%dma_start3A_103, %dma_start3A_104] : memref<512x32xf32, #tpu.memory_space<vmem>> -> memref<128x32xf32, #tpu.memory_space<vmem>>
    %dma_start3A_106 = arith.constant 0 : i32
    %dma_start3A_107 = tpu.memref_slice %arg9[%dma_start3A_102, %dma_start3A_106] : memref<4x128xi32, #tpu.memory_space<vmem>> -> memref<1x128xi32, #tpu.memory_space<vmem>>
    %dma_start3A_108 = tpu.memref_squeeze %dma_start3A_107 : memref<1x128xi32, #tpu.memory_space<vmem>> -> memref<128xi32, #tpu.memory_space<vmem>>
    %dma_start3A_109 = arith.constant 0 : i32
    %dma_start3A_110 = arith.constant 0 : i32
    %dma_start3A_111 = tpu.memref_slice %arg6[%dma_start3A_109, %dma_start3A_110] : memref<1000000x32xf32, #tpu.memory_space<hbm>> -> memref<1000000x32xf32, #tpu.memory_space<hbm>>
    tpu.enqueue_indirect_dma source(%dma_start3A_111 : memref<1000000x32xf32, #tpu.memory_space<hbm>>) target(%dma_start3A_105 : memref<128x32xf32, #tpu.memory_space<vmem>>) offsets(%dma_start3A_108 : memref<128xi32, #tpu.memory_space<vmem>>) semaphore(%arg18 : memref<!tpu.dma_semaphore, #tpu.memory_space<semaphore_mem>>)
    %dma_start3A_112 = arith.constant 3 : i32
    %dma_start3A_113 = arith.constant 384 : i32
    %dma_start3A_114 = arith.constant 0 : i32
    %dma_start3A_115 = tpu.memref_slice %arg13[%dma_start3A_113, %dma_start3A_114] : memref<512x32xf32, #tpu.memory_space<vmem>> -> memref<128x32xf32, #tpu.memory_space<vmem>>
    %dma_start3A_116 = arith.constant 0 : i32
    %dma_start3A_117 = tpu.memref_slice %arg10[%dma_start3A_112, %dma_start3A_116] : memref<4x128xi32, #tpu.memory_space<vmem>> -> memref<1x128xi32, #tpu.memory_space<vmem>>
    %dma_start3A_118 = tpu.memref_squeeze %dma_start3A_117 : memref<1x128xi32, #tpu.memory_space<vmem>> -> memref<128xi32, #tpu.memory_space<vmem>>
    %dma_start3A_119 = arith.constant 0 : i32
    %dma_start3A_120 = arith.constant 0 : i32
    %dma_start3A_121 = tpu.memref_slice %arg6[%dma_start3A_119, %dma_start3A_120] : memref<1000000x32xf32, #tpu.memory_space<hbm>> -> memref<1000000x32xf32, #tpu.memory_space<hbm>>
    tpu.enqueue_indirect_dma source(%dma_start3A_121 : memref<1000000x32xf32, #tpu.memory_space<hbm>>) target(%dma_start3A_115 : memref<128x32xf32, #tpu.memory_space<vmem>>) offsets(%dma_start3A_118 : memref<128xi32, #tpu.memory_space<vmem>>) semaphore(%arg18 : memref<!tpu.dma_semaphore, #tpu.memory_space<semaphore_mem>>)
    %broadcast_in_dim3A = arith.constant 0 : i32
    %broadcast_in_dim3A_122 = vector.broadcast %broadcast_in_dim3A : i32 to vector<16xi32>
    %broadcast_in_dim3A_123 = arith.constant 1 : i32
    %broadcast_in_dim3A_124 = vector.broadcast %broadcast_in_dim3A_123 : i32 to vector<16xi32>
    %iota3A = tpu.iota {dimensions = array<i32: 0>} : vector<16xi32>
    %dma_wait3A = arith.constant 0 : i32
    %dma_wait3A_125 = arith.constant 0 : i32
    %dma_wait3A_126 = arith.constant 0 : i32
    %dma_wait3A_127 = tpu.memref_slice %arg11[%dma_wait3A_125, %dma_wait3A_126] : memref<512x32xf32, #tpu.memory_space<vmem>> -> memref<128x32xf32, #tpu.memory_space<vmem>>
    %dma_wait3A_128 = arith.constant 0 : i32
    %dma_wait3A_129 = tpu.memref_slice %arg8[%dma_wait3A, %dma_wait3A_128] : memref<4x128xi32, #tpu.memory_space<vmem>> -> memref<1x128xi32, #tpu.memory_space<vmem>>
    %dma_wait3A_130 = tpu.memref_squeeze %dma_wait3A_129 : memref<1x128xi32, #tpu.memory_space<vmem>> -> memref<128xi32, #tpu.memory_space<vmem>>
    %dma_wait3A_131 = arith.constant 0 : i32
    %dma_wait3A_132 = arith.constant 0 : i32
    %dma_wait3A_133 = tpu.memref_slice %arg5[%dma_wait3A_131, %dma_wait3A_132] : memref<1000000x32xf32, #tpu.memory_space<hbm>> -> memref<1000000x32xf32, #tpu.memory_space<hbm>>
    tpu.wait_indirect_dma semaphore(%arg15 : memref<!tpu.dma_semaphore, #tpu.memory_space<semaphore_mem>>) src(%dma_wait3A_133 : memref<1000000x32xf32, #tpu.memory_space<hbm>>) dst(%dma_wait3A_127 : memref<128x32xf32, #tpu.memory_space<vmem>>)
    %dma_wait3A_134 = arith.constant 0 : i32
    %dma_wait3A_135 = arith.constant 0 : i32
    %dma_wait3A_136 = arith.constant 0 : i32
    %dma_wait3A_137 = tpu.memref_slice %arg12[%dma_wait3A_135, %dma_wait3A_136] : memref<512x32xf32, #tpu.memory_space<vmem>> -> memref<128x32xf32, #tpu.memory_space<vmem>>
    %dma_wait3A_138 = arith.constant 0 : i32
    %dma_wait3A_139 = tpu.memref_slice %arg9[%dma_wait3A_134, %dma_wait3A_138] : memref<4x128xi32, #tpu.memory_space<vmem>> -> memref<1x128xi32, #tpu.memory_space<vmem>>
    %dma_wait3A_140 = tpu.memref_squeeze %dma_wait3A_139 : memref<1x128xi32, #tpu.memory_space<vmem>> -> memref<128xi32, #tpu.memory_space<vmem>>
    %dma_wait3A_141 = arith.constant 0 : i32
    %dma_wait3A_142 = arith.constant 0 : i32
    %dma_wait3A_143 = tpu.memref_slice %arg6[%dma_wait3A_141, %dma_wait3A_142] : memref<1000000x32xf32, #tpu.memory_space<hbm>> -> memref<1000000x32xf32, #tpu.memory_space<hbm>>
    tpu.wait_indirect_dma semaphore(%arg15 : memref<!tpu.dma_semaphore, #tpu.memory_space<semaphore_mem>>) src(%dma_wait3A_143 : memref<1000000x32xf32, #tpu.memory_space<hbm>>) dst(%dma_wait3A_137 : memref<128x32xf32, #tpu.memory_space<vmem>>)
    %dma_wait3A_144 = arith.constant 0 : i32
    %dma_wait3A_145 = arith.constant 0 : i32
    %dma_wait3A_146 = arith.constant 0 : i32
    %dma_wait3A_147 = tpu.memref_slice %arg13[%dma_wait3A_145, %dma_wait3A_146] : memref<512x32xf32, #tpu.memory_space<vmem>> -> memref<128x32xf32, #tpu.memory_space<vmem>>
    %dma_wait3A_148 = arith.constant 0 : i32
    %dma_wait3A_149 = tpu.memref_slice %arg10[%dma_wait3A_144, %dma_wait3A_148] : memref<4x128xi32, #tpu.memory_space<vmem>> -> memref<1x128xi32, #tpu.memory_space<vmem>>
    %dma_wait3A_150 = tpu.memref_squeeze %dma_wait3A_149 : memref<1x128xi32, #tpu.memory_space<vmem>> -> memref<128xi32, #tpu.memory_space<vmem>>
    %dma_wait3A_151 = arith.constant 0 : i32
    %dma_wait3A_152 = arith.constant 0 : i32
    %dma_wait3A_153 = tpu.memref_slice %arg6[%dma_wait3A_151, %dma_wait3A_152] : memref<1000000x32xf32, #tpu.memory_space<hbm>> -> memref<1000000x32xf32, #tpu.memory_space<hbm>>
    tpu.wait_indirect_dma semaphore(%arg15 : memref<!tpu.dma_semaphore, #tpu.memory_space<semaphore_mem>>) src(%dma_wait3A_153 : memref<1000000x32xf32, #tpu.memory_space<hbm>>) dst(%dma_wait3A_147 : memref<128x32xf32, #tpu.memory_space<vmem>>)
    %scan3A = arith.constant 0 : i32
    %scan3A_154 = arith.constant 0 : i32
    %scan3A_155 = arith.constant 8 : i32
    %scan3A_156 = arith.addi %scan3A_154, %scan3A_155 : i32
    %scan3A_157 = arith.constant 1 : i32
    scf.for %scan3A_267 = %scan3A_154 to %scan3A_156 step %scan3A_157  : i32 {
      %mul3A_268 = arith.constant 16 : i32
      %mul3A_269 = arith.muli %scan3A_267, %mul3A_268 : i32
      %add3A_270 = arith.constant 0 : i32
      %add3A_271 = arith.addi %add3A_270, %mul3A_269 : i32
      %add3A_272 = vector.broadcast %add3A_271 : i32 to vector<16xi32>
      %add3A_273 = arith.addi %add3A_272, %iota3A : vector<16xi32>
      %broadcast_in_dim3A_274 = arith.constant 0.000000e+00 : f32
      %broadcast_in_dim3A_275 = vector.broadcast %broadcast_in_dim3A_274 : f32 to vector<16xf32>
      %broadcast_in_dim3A_276 = arith.constant 0.000000e+00 : f32
      %broadcast_in_dim3A_277 = vector.broadcast %broadcast_in_dim3A_276 : f32 to vector<16xf32>
      %broadcast_in_dim3A_278 = arith.constant 0 : i32
      %broadcast_in_dim3A_279 = vector.broadcast %broadcast_in_dim3A_278 : i32 to vector<16xi32>
      %gather3A = tpu.vector_load_idx %arg11[%add3A_273, %broadcast_in_dim3A_279] : memref<512x32xf32, #tpu.memory_space<vmem>>[vector<16xi32>, vector<16xi32>], vector<16xf32>,
      %gather3A_280 = tpu.vector_load_idx %arg12[%add3A_273, %broadcast_in_dim3A_279] : memref<512x32xf32, #tpu.memory_space<vmem>>[vector<16xi32>, vector<16xi32>], vector<16xf32>,
      %gather3A_281 = tpu.vector_load_idx %arg13[%add3A_273, %broadcast_in_dim3A_279] : memref<512x32xf32, #tpu.memory_space<vmem>>[vector<16xi32>, vector<16xi32>], vector<16xf32>,
      %mul3A_282 = arith.mulf %gather3A, %gather3A_280 : vector<16xf32>
      %add3A_283 = arith.addf %broadcast_in_dim3A_275, %mul3A_282 : vector<16xf32>
      %mul3A_284 = arith.mulf %gather3A, %gather3A_281 : vector<16xf32>
      %add3A_285 = arith.addf %broadcast_in_dim3A_277, %mul3A_284 : vector<16xf32>
      %broadcast_in_dim3A_286 = arith.constant 1 : i32
      %broadcast_in_dim3A_287 = vector.broadcast %broadcast_in_dim3A_286 : i32 to vector<16xi32>
      %gather3A_288 = tpu.vector_load_idx %arg11[%add3A_273, %broadcast_in_dim3A_287] : memref<512x32xf32, #tpu.memory_space<vmem>>[vector<16xi32>, vector<16xi32>], vector<16xf32>,
      %gather3A_289 = tpu.vector_load_idx %arg12[%add3A_273, %broadcast_in_dim3A_287] : memref<512x32xf32, #tpu.memory_space<vmem>>[vector<16xi32>, vector<16xi32>], vector<16xf32>,
      %gather3A_290 = tpu.vector_load_idx %arg13[%add3A_273, %broadcast_in_dim3A_287] : memref<512x32xf32, #tpu.memory_space<vmem>>[vector<16xi32>, vector<16xi32>], vector<16xf32>,
      %mul3A_291 = arith.mulf %gather3A_288, %gather3A_289 : vector<16xf32>
      %add3A_292 = arith.addf %add3A_283, %mul3A_291 : vector<16xf32>
      %mul3A_293 = arith.mulf %gather3A_288, %gather3A_290 : vector<16xf32>
      %add3A_294 = arith.addf %add3A_285, %mul3A_293 : vector<16xf32>
      %broadcast_in_dim3A_295 = arith.constant 2 : i32
      %broadcast_in_dim3A_296 = vector.broadcast %broadcast_in_dim3A_295 : i32 to vector<16xi32>
      %gather3A_297 = tpu.vector_load_idx %arg11[%add3A_273, %broadcast_in_dim3A_296] : memref<512x32xf32, #tpu.memory_space<vmem>>[vector<16xi32>, vector<16xi32>], vector<16xf32>,
      %gather3A_298 = tpu.vector_load_idx %arg12[%add3A_273, %broadcast_in_dim3A_296] : memref<512x32xf32, #tpu.memory_space<vmem>>[vector<16xi32>, vector<16xi32>], vector<16xf32>,
      %gather3A_299 = tpu.vector_load_idx %arg13[%add3A_273, %broadcast_in_dim3A_296] : memref<512x32xf32, #tpu.memory_space<vmem>>[vector<16xi32>, vector<16xi32>], vector<16xf32>,
      %mul3A_300 = arith.mulf %gather3A_297, %gather3A_298 : vector<16xf32>
      %add3A_301 = arith.addf %add3A_292, %mul3A_300 : vector<16xf32>
      %mul3A_302 = arith.mulf %gather3A_297, %gather3A_299 : vector<16xf32>
      %add3A_303 = arith.addf %add3A_294, %mul3A_302 : vector<16xf32>
      %broadcast_in_dim3A_304 = arith.constant 3 : i32
      %broadcast_in_dim3A_305 = vector.broadcast %broadcast_in_dim3A_304 : i32 to vector<16xi32>
      %gather3A_306 = tpu.vector_load_idx %arg11[%add3A_273, %broadcast_in_dim3A_305] : memref<512x32xf32, #tpu.memory_space<vmem>>[vector<16xi32>, vector<16xi32>], vector<16xf32>,
      %gather3A_307 = tpu.vector_load_idx %arg12[%add3A_273, %broadcast_in_dim3A_305] : memref<512x32xf32, #tpu.memory_space<vmem>>[vector<16xi32>, vector<16xi32>], vector<16xf32>,
      %gather3A_308 = tpu.vector_load_idx %arg13[%add3A_273, %broadcast_in_dim3A_305] : memref<512x32xf32, #tpu.memory_space<vmem>>[vector<16xi32>, vector<16xi32>], vector<16xf32>,
      %mul3A_309 = arith.mulf %gather3A_306, %gather3A_307 : vector<16xf32>
      %add3A_310 = arith.addf %add3A_301, %mul3A_309 : vector<16xf32>
      %mul3A_311 = arith.mulf %gather3A_306, %gather3A_308 : vector<16xf32>
      %add3A_312 = arith.addf %add3A_303, %mul3A_311 : vector<16xf32>
      %broadcast_in_dim3A_313 = arith.constant 4 : i32
      %broadcast_in_dim3A_314 = vector.broadcast %broadcast_in_dim3A_313 : i32 to vector<16xi32>
      %gather3A_315 = tpu.vector_load_idx %arg11[%add3A_273, %broadcast_in_dim3A_314] : memref<512x32xf32, #tpu.memory_space<vmem>>[vector<16xi32>, vector<16xi32>], vector<16xf32>,
      %gather3A_316 = tpu.vector_load_idx %arg12[%add3A_273, %broadcast_in_dim3A_314] : memref<512x32xf32, #tpu.memory_space<vmem>>[vector<16xi32>, vector<16xi32>], vector<16xf32>,
      %gather3A_317 = tpu.vector_load_idx %arg13[%add3A_273, %broadcast_in_dim3A_314] : memref<512x32xf32, #tpu.memory_space<vmem>>[vector<16xi32>, vector<16xi32>], vector<16xf32>,
      %mul3A_318 = arith.mulf %gather3A_315, %gather3A_316 : vector<16xf32>
      %add3A_319 = arith.addf %add3A_310, %mul3A_318 : vector<16xf32>
      %mul3A_320 = arith.mulf %gather3A_315, %gather3A_317 : vector<16xf32>
      %add3A_321 = arith.addf %add3A_312, %mul3A_320 : vector<16xf32>
      %broadcast_in_dim3A_322 = arith.constant 5 : i32
      %broadcast_in_dim3A_323 = vector.broadcast %broadcast_in_dim3A_322 : i32 to vector<16xi32>
      %gather3A_324 = tpu.vector_load_idx %arg11[%add3A_273, %broadcast_in_dim3A_323] : memref<512x32xf32, #tpu.memory_space<vmem>>[vector<16xi32>, vector<16xi32>], vector<16xf32>,
      %gather3A_325 = tpu.vector_load_idx %arg12[%add3A_273, %broadcast_in_dim3A_323] : memref<512x32xf32, #tpu.memory_space<vmem>>[vector<16xi32>, vector<16xi32>], vector<16xf32>,
      %gather3A_326 = tpu.vector_load_idx %arg13[%add3A_273, %broadcast_in_dim3A_323] : memref<512x32xf32, #tpu.memory_space<vmem>>[vector<16xi32>, vector<16xi32>], vector<16xf32>,
      %mul3A_327 = arith.mulf %gather3A_324, %gather3A_325 : vector<16xf32>
      %add3A_328 = arith.addf %add3A_319, %mul3A_327 : vector<16xf32>
      %mul3A_329 = arith.mulf %gather3A_324, %gather3A_326 : vector<16xf32>
      %add3A_330 = arith.addf %add3A_321, %mul3A_329 : vector<16xf32>
      %broadcast_in_dim3A_331 = arith.constant 6 : i32
      %broadcast_in_dim3A_332 = vector.broadcast %broadcast_in_dim3A_331 : i32 to vector<16xi32>
      %gather3A_333 = tpu.vector_load_idx %arg11[%add3A_273, %broadcast_in_dim3A_332] : memref<512x32xf32, #tpu.memory_space<vmem>>[vector<16xi32>, vector<16xi32>], vector<16xf32>,
      %gather3A_334 = tpu.vector_load_idx %arg12[%add3A_273, %broadcast_in_dim3A_332] : memref<512x32xf32, #tpu.memory_space<vmem>>[vector<16xi32>, vector<16xi32>], vector<16xf32>,
      %gather3A_335 = tpu.vector_load_idx %arg13[%add3A_273, %broadcast_in_dim3A_332] : memref<512x32xf32, #tpu.memory_space<vmem>>[vector<16xi32>, vector<16xi32>], vector<16xf32>,
      %mul3A_336 = arith.mulf %gather3A_333, %gather3A_334 : vector<16xf32>
      %add3A_337 = arith.addf %add3A_328, %mul3A_336 : vector<16xf32>
      %mul3A_338 = arith.mulf %gather3A_333, %gather3A_335 : vector<16xf32>
      %add3A_339 = arith.addf %add3A_330, %mul3A_338 : vector<16xf32>
      %broadcast_in_dim3A_340 = arith.constant 7 : i32
      %broadcast_in_dim3A_341 = vector.broadcast %broadcast_in_dim3A_340 : i32 to vector<16xi32>
      %gather3A_342 = tpu.vector_load_idx %arg11[%add3A_273, %broadcast_in_dim3A_341] : memref<512x32xf32, #tpu.memory_space<vmem>>[vector<16xi32>, vector<16xi32>], vector<16xf32>,
      %gather3A_343 = tpu.vector_load_idx %arg12[%add3A_273, %broadcast_in_dim3A_341] : memref<512x32xf32, #tpu.memory_space<vmem>>[vector<16xi32>, vector<16xi32>], vector<16xf32>,
      %gather3A_344 = tpu.vector_load_idx %arg13[%add3A_273, %broadcast_in_dim3A_341] : memref<512x32xf32, #tpu.memory_space<vmem>>[vector<16xi32>, vector<16xi32>], vector<16xf32>,
      %mul3A_345 = arith.mulf %gather3A_342, %gather3A_343 : vector<16xf32>
      %add3A_346 = arith.addf %add3A_337, %mul3A_345 : vector<16xf32>
      %mul3A_347 = arith.mulf %gather3A_342, %gather3A_344 : vector<16xf32>
      %add3A_348 = arith.addf %add3A_339, %mul3A_347 : vector<16xf32>
      %broadcast_in_dim3A_349 = arith.constant 8 : i32
      %broadcast_in_dim3A_350 = vector.broadcast %broadcast_in_dim3A_349 : i32 to vector<16xi32>
      %gather3A_351 = tpu.vector_load_idx %arg11[%add3A_273, %broadcast_in_dim3A_350] : memref<512x32xf32, #tpu.memory_space<vmem>>[vector<16xi32>, vector<16xi32>], vector<16xf32>,
      %gather3A_352 = tpu.vector_load_idx %arg12[%add3A_273, %broadcast_in_dim3A_350] : memref<512x32xf32, #tpu.memory_space<vmem>>[vector<16xi32>, vector<16xi32>], vector<16xf32>,
      %gather3A_353 = tpu.vector_load_idx %arg13[%add3A_273, %broadcast_in_dim3A_350] : memref<512x32xf32, #tpu.memory_space<vmem>>[vector<16xi32>, vector<16xi32>], vector<16xf32>,
      %mul3A_354 = arith.mulf %gather3A_351, %gather3A_352 : vector<16xf32>
      %add3A_355 = arith.addf %add3A_346, %mul3A_354 : vector<16xf32>
      %mul3A_356 = arith.mulf %gather3A_351, %gather3A_353 : vector<16xf32>
      %add3A_357 = arith.addf %add3A_348, %mul3A_356 : vector<16xf32>
      %broadcast_in_dim3A_358 = arith.constant 9 : i32
      %broadcast_in_dim3A_359 = vector.broadcast %broadcast_in_dim3A_358 : i32 to vector<16xi32>
      %gather3A_360 = tpu.vector_load_idx %arg11[%add3A_273, %broadcast_in_dim3A_359] : memref<512x32xf32, #tpu.memory_space<vmem>>[vector<16xi32>, vector<16xi32>], vector<16xf32>,
      %gather3A_361 = tpu.vector_load_idx %arg12[%add3A_273, %broadcast_in_dim3A_359] : memref<512x32xf32, #tpu.memory_space<vmem>>[vector<16xi32>, vector<16xi32>], vector<16xf32>,
      %gather3A_362 = tpu.vector_load_idx %arg13[%add3A_273, %broadcast_in_dim3A_359] : memref<512x32xf32, #tpu.memory_space<vmem>>[vector<16xi32>, vector<16xi32>], vector<16xf32>,
      %mul3A_363 = arith.mulf %gather3A_360, %gather3A_361 : vector<16xf32>
      %add3A_364 = arith.addf %add3A_355, %mul3A_363 : vector<16xf32>
      %mul3A_365 = arith.mulf %gather3A_360, %gather3A_362 : vector<16xf32>
      %add3A_366 = arith.addf %add3A_357, %mul3A_365 : vector<16xf32>
      %broadcast_in_dim3A_367 = arith.constant 10 : i32
      %broadcast_in_dim3A_368 = vector.broadcast %broadcast_in_dim3A_367 : i32 to vector<16xi32>
      %gather3A_369 = tpu.vector_load_idx %arg11[%add3A_273, %broadcast_in_dim3A_368] : memref<512x32xf32, #tpu.memory_space<vmem>>[vector<16xi32>, vector<16xi32>], vector<16xf32>,
      %gather3A_370 = tpu.vector_load_idx %arg12[%add3A_273, %broadcast_in_dim3A_368] : memref<512x32xf32, #tpu.memory_space<vmem>>[vector<16xi32>, vector<16xi32>], vector<16xf32>,
      %gather3A_371 = tpu.vector_load_idx %arg13[%add3A_273, %broadcast_in_dim3A_368] : memref<512x32xf32, #tpu.memory_space<vmem>>[vector<16xi32>, vector<16xi32>], vector<16xf32>,
      %mul3A_372 = arith.mulf %gather3A_369, %gather3A_370 : vector<16xf32>
      %add3A_373 = arith.addf %add3A_364, %mul3A_372 : vector<16xf32>
      %mul3A_374 = arith.mulf %gather3A_369, %gather3A_371 : vector<16xf32>
      %add3A_375 = arith.addf %add3A_366, %mul3A_374 : vector<16xf32>
      %broadcast_in_dim3A_376 = arith.constant 11 : i32
      %broadcast_in_dim3A_377 = vector.broadcast %broadcast_in_dim3A_376 : i32 to vector<16xi32>
      %gather3A_378 = tpu.vector_load_idx %arg11[%add3A_273, %broadcast_in_dim3A_377] : memref<512x32xf32, #tpu.memory_space<vmem>>[vector<16xi32>, vector<16xi32>], vector<16xf32>,
      %gather3A_379 = tpu.vector_load_idx %arg12[%add3A_273, %broadcast_in_dim3A_377] : memref<512x32xf32, #tpu.memory_space<vmem>>[vector<16xi32>, vector<16xi32>], vector<16xf32>,
      %gather3A_380 = tpu.vector_load_idx %arg13[%add3A_273, %broadcast_in_dim3A_377] : memref<512x32xf32, #tpu.memory_space<vmem>>[vector<16xi32>, vector<16xi32>], vector<16xf32>,
      %mul3A_381 = arith.mulf %gather3A_378, %gather3A_379 : vector<16xf32>
      %add3A_382 = arith.addf %add3A_373, %mul3A_381 : vector<16xf32>
      %mul3A_383 = arith.mulf %gather3A_378, %gather3A_380 : vector<16xf32>
      %add3A_384 = arith.addf %add3A_375, %mul3A_383 : vector<16xf32>
      %broadcast_in_dim3A_385 = arith.constant 12 : i32
      %broadcast_in_dim3A_386 = vector.broadcast %broadcast_in_dim3A_385 : i32 to vector<16xi32>
      %gather3A_387 = tpu.vector_load_idx %arg11[%add3A_273, %broadcast_in_dim3A_386] : memref<512x32xf32, #tpu.memory_space<vmem>>[vector<16xi32>, vector<16xi32>], vector<16xf32>,
      %gather3A_388 = tpu.vector_load_idx %arg12[%add3A_273, %broadcast_in_dim3A_386] : memref<512x32xf32, #tpu.memory_space<vmem>>[vector<16xi32>, vector<16xi32>], vector<16xf32>,
      %gather3A_389 = tpu.vector_load_idx %arg13[%add3A_273, %broadcast_in_dim3A_386] : memref<512x32xf32, #tpu.memory_space<vmem>>[vector<16xi32>, vector<16xi32>], vector<16xf32>,
      %mul3A_390 = arith.mulf %gather3A_387, %gather3A_388 : vector<16xf32>
      %add3A_391 = arith.addf %add3A_382, %mul3A_390 : vector<16xf32>
      %mul3A_392 = arith.mulf %gather3A_387, %gather3A_389 : vector<16xf32>
      %add3A_393 = arith.addf %add3A_384, %mul3A_392 : vector<16xf32>
      %broadcast_in_dim3A_394 = arith.constant 13 : i32
      %broadcast_in_dim3A_395 = vector.broadcast %broadcast_in_dim3A_394 : i32 to vector<16xi32>
      %gather3A_396 = tpu.vector_load_idx %arg11[%add3A_273, %broadcast_in_dim3A_395] : memref<512x32xf32, #tpu.memory_space<vmem>>[vector<16xi32>, vector<16xi32>], vector<16xf32>,
      %gather3A_397 = tpu.vector_load_idx %arg12[%add3A_273, %broadcast_in_dim3A_395] : memref<512x32xf32, #tpu.memory_space<vmem>>[vector<16xi32>, vector<16xi32>], vector<16xf32>,
      %gather3A_398 = tpu.vector_load_idx %arg13[%add3A_273, %broadcast_in_dim3A_395] : memref<512x32xf32, #tpu.memory_space<vmem>>[vector<16xi32>, vector<16xi32>], vector<16xf32>,
      %mul3A_399 = arith.mulf %gather3A_396, %gather3A_397 : vector<16xf32>
      %add3A_400 = arith.addf %add3A_391, %mul3A_399 : vector<16xf32>
      %mul3A_401 = arith.mulf %gather3A_396, %gather3A_398 : vector<16xf32>
      %add3A_402 = arith.addf %add3A_393, %mul3A_401 : vector<16xf32>
      %broadcast_in_dim3A_403 = arith.constant 14 : i32
      %broadcast_in_dim3A_404 = vector.broadcast %broadcast_in_dim3A_403 : i32 to vector<16xi32>
      %gather3A_405 = tpu.vector_load_idx %arg11[%add3A_273, %broadcast_in_dim3A_404] : memref<512x32xf32, #tpu.memory_space<vmem>>[vector<16xi32>, vector<16xi32>], vector<16xf32>,
      %gather3A_406 = tpu.vector_load_idx %arg12[%add3A_273, %broadcast_in_dim3A_404] : memref<512x32xf32, #tpu.memory_space<vmem>>[vector<16xi32>, vector<16xi32>], vector<16xf32>,
      %gather3A_407 = tpu.vector_load_idx %arg13[%add3A_273, %broadcast_in_dim3A_404] : memref<512x32xf32, #tpu.memory_space<vmem>>[vector<16xi32>, vector<16xi32>], vector<16xf32>,
      %mul3A_408 = arith.mulf %gather3A_405, %gather3A_406 : vector<16xf32>
      %add3A_409 = arith.addf %add3A_400, %mul3A_408 : vector<16xf32>
      %mul3A_410 = arith.mulf %gather3A_405, %gather3A_407 : vector<16xf32>
      %add3A_411 = arith.addf %add3A_402, %mul3A_410 : vector<16xf32>
      %broadcast_in_dim3A_412 = arith.constant 15 : i32
      %broadcast_in_dim3A_413 = vector.broadcast %broadcast_in_dim3A_412 : i32 to vector<16xi32>
      %gather3A_414 = tpu.vector_load_idx %arg11[%add3A_273, %broadcast_in_dim3A_413] : memref<512x32xf32, #tpu.memory_space<vmem>>[vector<16xi32>, vector<16xi32>], vector<16xf32>,
      %gather3A_415 = tpu.vector_load_idx %arg12[%add3A_273, %broadcast_in_dim3A_413] : memref<512x32xf32, #tpu.memory_space<vmem>>[vector<16xi32>, vector<16xi32>], vector<16xf32>,
      %gather3A_416 = tpu.vector_load_idx %arg13[%add3A_273, %broadcast_in_dim3A_413] : memref<512x32xf32, #tpu.memory_space<vmem>>[vector<16xi32>, vector<16xi32>], vector<16xf32>,
      %mul3A_417 = arith.mulf %gather3A_414, %gather3A_415 : vector<16xf32>
      %add3A_418 = arith.addf %add3A_409, %mul3A_417 : vector<16xf32>
      %mul3A_419 = arith.mulf %gather3A_414, %gather3A_416 : vector<16xf32>
      %add3A_420 = arith.addf %add3A_411, %mul3A_419 : vector<16xf32>
      %broadcast_in_dim3A_421 = arith.constant 16 : i32
      %broadcast_in_dim3A_422 = vector.broadcast %broadcast_in_dim3A_421 : i32 to vector<16xi32>
      %gather3A_423 = tpu.vector_load_idx %arg11[%add3A_273, %broadcast_in_dim3A_422] : memref<512x32xf32, #tpu.memory_space<vmem>>[vector<16xi32>, vector<16xi32>], vector<16xf32>,
      %gather3A_424 = tpu.vector_load_idx %arg12[%add3A_273, %broadcast_in_dim3A_422] : memref<512x32xf32, #tpu.memory_space<vmem>>[vector<16xi32>, vector<16xi32>], vector<16xf32>,
      %gather3A_425 = tpu.vector_load_idx %arg13[%add3A_273, %broadcast_in_dim3A_422] : memref<512x32xf32, #tpu.memory_space<vmem>>[vector<16xi32>, vector<16xi32>], vector<16xf32>,
      %mul3A_426 = arith.mulf %gather3A_423, %gather3A_424 : vector<16xf32>
      %add3A_427 = arith.addf %add3A_418, %mul3A_426 : vector<16xf32>
      %mul3A_428 = arith.mulf %gather3A_423, %gather3A_425 : vector<16xf32>
      %add3A_429 = arith.addf %add3A_420, %mul3A_428 : vector<16xf32>
      %broadcast_in_dim3A_430 = arith.constant 17 : i32
      %broadcast_in_dim3A_431 = vector.broadcast %broadcast_in_dim3A_430 : i32 to vector<16xi32>
      %gather3A_432 = tpu.vector_load_idx %arg11[%add3A_273, %broadcast_in_dim3A_431] : memref<512x32xf32, #tpu.memory_space<vmem>>[vector<16xi32>, vector<16xi32>], vector<16xf32>,
      %gather3A_433 = tpu.vector_load_idx %arg12[%add3A_273, %broadcast_in_dim3A_431] : memref<512x32xf32, #tpu.memory_space<vmem>>[vector<16xi32>, vector<16xi32>], vector<16xf32>,
      %gather3A_434 = tpu.vector_load_idx %arg13[%add3A_273, %broadcast_in_dim3A_431] : memref<512x32xf32, #tpu.memory_space<vmem>>[vector<16xi32>, vector<16xi32>], vector<16xf32>,
      %mul3A_435 = arith.mulf %gather3A_432, %gather3A_433 : vector<16xf32>
      %add3A_436 = arith.addf %add3A_427, %mul3A_435 : vector<16xf32>
      %mul3A_437 = arith.mulf %gather3A_432, %gather3A_434 : vector<16xf32>
      %add3A_438 = arith.addf %add3A_429, %mul3A_437 : vector<16xf32>
      %broadcast_in_dim3A_439 = arith.constant 18 : i32
      %broadcast_in_dim3A_440 = vector.broadcast %broadcast_in_dim3A_439 : i32 to vector<16xi32>
      %gather3A_441 = tpu.vector_load_idx %arg11[%add3A_273, %broadcast_in_dim3A_440] : memref<512x32xf32, #tpu.memory_space<vmem>>[vector<16xi32>, vector<16xi32>], vector<16xf32>,
      %gather3A_442 = tpu.vector_load_idx %arg12[%add3A_273, %broadcast_in_dim3A_440] : memref<512x32xf32, #tpu.memory_space<vmem>>[vector<16xi32>, vector<16xi32>], vector<16xf32>,
      %gather3A_443 = tpu.vector_load_idx %arg13[%add3A_273, %broadcast_in_dim3A_440] : memref<512x32xf32, #tpu.memory_space<vmem>>[vector<16xi32>, vector<16xi32>], vector<16xf32>,
      %mul3A_444 = arith.mulf %gather3A_441, %gather3A_442 : vector<16xf32>
      %add3A_445 = arith.addf %add3A_436, %mul3A_444 : vector<16xf32>
      %mul3A_446 = arith.mulf %gather3A_441, %gather3A_443 : vector<16xf32>
      %add3A_447 = arith.addf %add3A_438, %mul3A_446 : vector<16xf32>
      %broadcast_in_dim3A_448 = arith.constant 19 : i32
      %broadcast_in_dim3A_449 = vector.broadcast %broadcast_in_dim3A_448 : i32 to vector<16xi32>
      %gather3A_450 = tpu.vector_load_idx %arg11[%add3A_273, %broadcast_in_dim3A_449] : memref<512x32xf32, #tpu.memory_space<vmem>>[vector<16xi32>, vector<16xi32>], vector<16xf32>,
      %gather3A_451 = tpu.vector_load_idx %arg12[%add3A_273, %broadcast_in_dim3A_449] : memref<512x32xf32, #tpu.memory_space<vmem>>[vector<16xi32>, vector<16xi32>], vector<16xf32>,
      %gather3A_452 = tpu.vector_load_idx %arg13[%add3A_273, %broadcast_in_dim3A_449] : memref<512x32xf32, #tpu.memory_space<vmem>>[vector<16xi32>, vector<16xi32>], vector<16xf32>,
      %mul3A_453 = arith.mulf %gather3A_450, %gather3A_451 : vector<16xf32>
      %add3A_454 = arith.addf %add3A_445, %mul3A_453 : vector<16xf32>
      %mul3A_455 = arith.mulf %gather3A_450, %gather3A_452 : vector<16xf32>
      %add3A_456 = arith.addf %add3A_447, %mul3A_455 : vector<16xf32>
      %broadcast_in_dim3A_457 = arith.constant 20 : i32
      %broadcast_in_dim3A_458 = vector.broadcast %broadcast_in_dim3A_457 : i32 to vector<16xi32>
      %gather3A_459 = tpu.vector_load_idx %arg11[%add3A_273, %broadcast_in_dim3A_458] : memref<512x32xf32, #tpu.memory_space<vmem>>[vector<16xi32>, vector<16xi32>], vector<16xf32>,
      %gather3A_460 = tpu.vector_load_idx %arg12[%add3A_273, %broadcast_in_dim3A_458] : memref<512x32xf32, #tpu.memory_space<vmem>>[vector<16xi32>, vector<16xi32>], vector<16xf32>,
      %gather3A_461 = tpu.vector_load_idx %arg13[%add3A_273, %broadcast_in_dim3A_458] : memref<512x32xf32, #tpu.memory_space<vmem>>[vector<16xi32>, vector<16xi32>], vector<16xf32>,
      %mul3A_462 = arith.mulf %gather3A_459, %gather3A_460 : vector<16xf32>
      %add3A_463 = arith.addf %add3A_454, %mul3A_462 : vector<16xf32>
      %mul3A_464 = arith.mulf %gather3A_459, %gather3A_461 : vector<16xf32>
      %add3A_465 = arith.addf %add3A_456, %mul3A_464 : vector<16xf32>
      %broadcast_in_dim3A_466 = arith.constant 21 : i32
      %broadcast_in_dim3A_467 = vector.broadcast %broadcast_in_dim3A_466 : i32 to vector<16xi32>
      %gather3A_468 = tpu.vector_load_idx %arg11[%add3A_273, %broadcast_in_dim3A_467] : memref<512x32xf32, #tpu.memory_space<vmem>>[vector<16xi32>, vector<16xi32>], vector<16xf32>,
      %gather3A_469 = tpu.vector_load_idx %arg12[%add3A_273, %broadcast_in_dim3A_467] : memref<512x32xf32, #tpu.memory_space<vmem>>[vector<16xi32>, vector<16xi32>], vector<16xf32>,
      %gather3A_470 = tpu.vector_load_idx %arg13[%add3A_273, %broadcast_in_dim3A_467] : memref<512x32xf32, #tpu.memory_space<vmem>>[vector<16xi32>, vector<16xi32>], vector<16xf32>,
      %mul3A_471 = arith.mulf %gather3A_468, %gather3A_469 : vector<16xf32>
      %add3A_472 = arith.addf %add3A_463, %mul3A_471 : vector<16xf32>
      %mul3A_473 = arith.mulf %gather3A_468, %gather3A_470 : vector<16xf32>
      %add3A_474 = arith.addf %add3A_465, %mul3A_473 : vector<16xf32>
      %broadcast_in_dim3A_475 = arith.constant 22 : i32
      %broadcast_in_dim3A_476 = vector.broadcast %broadcast_in_dim3A_475 : i32 to vector<16xi32>
      %gather3A_477 = tpu.vector_load_idx %arg11[%add3A_273, %broadcast_in_dim3A_476] : memref<512x32xf32, #tpu.memory_space<vmem>>[vector<16xi32>, vector<16xi32>], vector<16xf32>,
      %gather3A_478 = tpu.vector_load_idx %arg12[%add3A_273, %broadcast_in_dim3A_476] : memref<512x32xf32, #tpu.memory_space<vmem>>[vector<16xi32>, vector<16xi32>], vector<16xf32>,
      %gather3A_479 = tpu.vector_load_idx %arg13[%add3A_273, %broadcast_in_dim3A_476] : memref<512x32xf32, #tpu.memory_space<vmem>>[vector<16xi32>, vector<16xi32>], vector<16xf32>,
      %mul3A_480 = arith.mulf %gather3A_477, %gather3A_478 : vector<16xf32>
      %add3A_481 = arith.addf %add3A_472, %mul3A_480 : vector<16xf32>
      %mul3A_482 = arith.mulf %gather3A_477, %gather3A_479 : vector<16xf32>
      %add3A_483 = arith.addf %add3A_474, %mul3A_482 : vector<16xf32>
      %broadcast_in_dim3A_484 = arith.constant 23 : i32
      %broadcast_in_dim3A_485 = vector.broadcast %broadcast_in_dim3A_484 : i32 to vector<16xi32>
      %gather3A_486 = tpu.vector_load_idx %arg11[%add3A_273, %broadcast_in_dim3A_485] : memref<512x32xf32, #tpu.memory_space<vmem>>[vector<16xi32>, vector<16xi32>], vector<16xf32>,
      %gather3A_487 = tpu.vector_load_idx %arg12[%add3A_273, %broadcast_in_dim3A_485] : memref<512x32xf32, #tpu.memory_space<vmem>>[vector<16xi32>, vector<16xi32>], vector<16xf32>,
      %gather3A_488 = tpu.vector_load_idx %arg13[%add3A_273, %broadcast_in_dim3A_485] : memref<512x32xf32, #tpu.memory_space<vmem>>[vector<16xi32>, vector<16xi32>], vector<16xf32>,
      %mul3A_489 = arith.mulf %gather3A_486, %gather3A_487 : vector<16xf32>
      %add3A_490 = arith.addf %add3A_481, %mul3A_489 : vector<16xf32>
      %mul3A_491 = arith.mulf %gather3A_486, %gather3A_488 : vector<16xf32>
      %add3A_492 = arith.addf %add3A_483, %mul3A_491 : vector<16xf32>
      %broadcast_in_dim3A_493 = arith.constant 24 : i32
      %broadcast_in_dim3A_494 = vector.broadcast %broadcast_in_dim3A_493 : i32 to vector<16xi32>
      %gather3A_495 = tpu.vector_load_idx %arg11[%add3A_273, %broadcast_in_dim3A_494] : memref<512x32xf32, #tpu.memory_space<vmem>>[vector<16xi32>, vector<16xi32>], vector<16xf32>,
      %gather3A_496 = tpu.vector_load_idx %arg12[%add3A_273, %broadcast_in_dim3A_494] : memref<512x32xf32, #tpu.memory_space<vmem>>[vector<16xi32>, vector<16xi32>], vector<16xf32>,
      %gather3A_497 = tpu.vector_load_idx %arg13[%add3A_273, %broadcast_in_dim3A_494] : memref<512x32xf32, #tpu.memory_space<vmem>>[vector<16xi32>, vector<16xi32>], vector<16xf32>,
      %mul3A_498 = arith.mulf %gather3A_495, %gather3A_496 : vector<16xf32>
      %add3A_499 = arith.addf %add3A_490, %mul3A_498 : vector<16xf32>
      %mul3A_500 = arith.mulf %gather3A_495, %gather3A_497 : vector<16xf32>
      %add3A_501 = arith.addf %add3A_492, %mul3A_500 : vector<16xf32>
      %broadcast_in_dim3A_502 = arith.constant 25 : i32
      %broadcast_in_dim3A_503 = vector.broadcast %broadcast_in_dim3A_502 : i32 to vector<16xi32>
      %gather3A_504 = tpu.vector_load_idx %arg11[%add3A_273, %broadcast_in_dim3A_503] : memref<512x32xf32, #tpu.memory_space<vmem>>[vector<16xi32>, vector<16xi32>], vector<16xf32>,
      %gather3A_505 = tpu.vector_load_idx %arg12[%add3A_273, %broadcast_in_dim3A_503] : memref<512x32xf32, #tpu.memory_space<vmem>>[vector<16xi32>, vector<16xi32>], vector<16xf32>,
      %gather3A_506 = tpu.vector_load_idx %arg13[%add3A_273, %broadcast_in_dim3A_503] : memref<512x32xf32, #tpu.memory_space<vmem>>[vector<16xi32>, vector<16xi32>], vector<16xf32>,
      %mul3A_507 = arith.mulf %gather3A_504, %gather3A_505 : vector<16xf32>
      %add3A_508 = arith.addf %add3A_499, %mul3A_507 : vector<16xf32>
      %mul3A_509 = arith.mulf %gather3A_504, %gather3A_506 : vector<16xf32>
      %add3A_510 = arith.addf %add3A_501, %mul3A_509 : vector<16xf32>
      %broadcast_in_dim3A_511 = arith.constant 26 : i32
      %broadcast_in_dim3A_512 = vector.broadcast %broadcast_in_dim3A_511 : i32 to vector<16xi32>
      %gather3A_513 = tpu.vector_load_idx %arg11[%add3A_273, %broadcast_in_dim3A_512] : memref<512x32xf32, #tpu.memory_space<vmem>>[vector<16xi32>, vector<16xi32>], vector<16xf32>,
      %gather3A_514 = tpu.vector_load_idx %arg12[%add3A_273, %broadcast_in_dim3A_512] : memref<512x32xf32, #tpu.memory_space<vmem>>[vector<16xi32>, vector<16xi32>], vector<16xf32>,
      %gather3A_515 = tpu.vector_load_idx %arg13[%add3A_273, %broadcast_in_dim3A_512] : memref<512x32xf32, #tpu.memory_space<vmem>>[vector<16xi32>, vector<16xi32>], vector<16xf32>,
      %mul3A_516 = arith.mulf %gather3A_513, %gather3A_514 : vector<16xf32>
      %add3A_517 = arith.addf %add3A_508, %mul3A_516 : vector<16xf32>
      %mul3A_518 = arith.mulf %gather3A_513, %gather3A_515 : vector<16xf32>
      %add3A_519 = arith.addf %add3A_510, %mul3A_518 : vector<16xf32>
      %broadcast_in_dim3A_520 = arith.constant 27 : i32
      %broadcast_in_dim3A_521 = vector.broadcast %broadcast_in_dim3A_520 : i32 to vector<16xi32>
      %gather3A_522 = tpu.vector_load_idx %arg11[%add3A_273, %broadcast_in_dim3A_521] : memref<512x32xf32, #tpu.memory_space<vmem>>[vector<16xi32>, vector<16xi32>], vector<16xf32>,
      %gather3A_523 = tpu.vector_load_idx %arg12[%add3A_273, %broadcast_in_dim3A_521] : memref<512x32xf32, #tpu.memory_space<vmem>>[vector<16xi32>, vector<16xi32>], vector<16xf32>,
      %gather3A_524 = tpu.vector_load_idx %arg13[%add3A_273, %broadcast_in_dim3A_521] : memref<512x32xf32, #tpu.memory_space<vmem>>[vector<16xi32>, vector<16xi32>], vector<16xf32>,
      %mul3A_525 = arith.mulf %gather3A_522, %gather3A_523 : vector<16xf32>
      %add3A_526 = arith.addf %add3A_517, %mul3A_525 : vector<16xf32>
      %mul3A_527 = arith.mulf %gather3A_522, %gather3A_524 : vector<16xf32>
      %add3A_528 = arith.addf %add3A_519, %mul3A_527 : vector<16xf32>
      %broadcast_in_dim3A_529 = arith.constant 28 : i32
      %broadcast_in_dim3A_530 = vector.broadcast %broadcast_in_dim3A_529 : i32 to vector<16xi32>
      %gather3A_531 = tpu.vector_load_idx %arg11[%add3A_273, %broadcast_in_dim3A_530] : memref<512x32xf32, #tpu.memory_space<vmem>>[vector<16xi32>, vector<16xi32>], vector<16xf32>,
      %gather3A_532 = tpu.vector_load_idx %arg12[%add3A_273, %broadcast_in_dim3A_530] : memref<512x32xf32, #tpu.memory_space<vmem>>[vector<16xi32>, vector<16xi32>], vector<16xf32>,
      %gather3A_533 = tpu.vector_load_idx %arg13[%add3A_273, %broadcast_in_dim3A_530] : memref<512x32xf32, #tpu.memory_space<vmem>>[vector<16xi32>, vector<16xi32>], vector<16xf32>,
      %mul3A_534 = arith.mulf %gather3A_531, %gather3A_532 : vector<16xf32>
      %add3A_535 = arith.addf %add3A_526, %mul3A_534 : vector<16xf32>
      %mul3A_536 = arith.mulf %gather3A_531, %gather3A_533 : vector<16xf32>
      %add3A_537 = arith.addf %add3A_528, %mul3A_536 : vector<16xf32>
      %broadcast_in_dim3A_538 = arith.constant 29 : i32
      %broadcast_in_dim3A_539 = vector.broadcast %broadcast_in_dim3A_538 : i32 to vector<16xi32>
      %gather3A_540 = tpu.vector_load_idx %arg11[%add3A_273, %broadcast_in_dim3A_539] : memref<512x32xf32, #tpu.memory_space<vmem>>[vector<16xi32>, vector<16xi32>], vector<16xf32>,
      %gather3A_541 = tpu.vector_load_idx %arg12[%add3A_273, %broadcast_in_dim3A_539] : memref<512x32xf32, #tpu.memory_space<vmem>>[vector<16xi32>, vector<16xi32>], vector<16xf32>,
      %gather3A_542 = tpu.vector_load_idx %arg13[%add3A_273, %broadcast_in_dim3A_539] : memref<512x32xf32, #tpu.memory_space<vmem>>[vector<16xi32>, vector<16xi32>], vector<16xf32>,
      %mul3A_543 = arith.mulf %gather3A_540, %gather3A_541 : vector<16xf32>
      %add3A_544 = arith.addf %add3A_535, %mul3A_543 : vector<16xf32>
      %mul3A_545 = arith.mulf %gather3A_540, %gather3A_542 : vector<16xf32>
      %add3A_546 = arith.addf %add3A_537, %mul3A_545 : vector<16xf32>
      %broadcast_in_dim3A_547 = arith.constant 30 : i32
      %broadcast_in_dim3A_548 = vector.broadcast %broadcast_in_dim3A_547 : i32 to vector<16xi32>
      %gather3A_549 = tpu.vector_load_idx %arg11[%add3A_273, %broadcast_in_dim3A_548] : memref<512x32xf32, #tpu.memory_space<vmem>>[vector<16xi32>, vector<16xi32>], vector<16xf32>,
      %gather3A_550 = tpu.vector_load_idx %arg12[%add3A_273, %broadcast_in_dim3A_548] : memref<512x32xf32, #tpu.memory_space<vmem>>[vector<16xi32>, vector<16xi32>], vector<16xf32>,
      %gather3A_551 = tpu.vector_load_idx %arg13[%add3A_273, %broadcast_in_dim3A_548] : memref<512x32xf32, #tpu.memory_space<vmem>>[vector<16xi32>, vector<16xi32>], vector<16xf32>,
      %mul3A_552 = arith.mulf %gather3A_549, %gather3A_550 : vector<16xf32>
      %add3A_553 = arith.addf %add3A_544, %mul3A_552 : vector<16xf32>
      %mul3A_554 = arith.mulf %gather3A_549, %gather3A_551 : vector<16xf32>
      %add3A_555 = arith.addf %add3A_546, %mul3A_554 : vector<16xf32>
      %broadcast_in_dim3A_556 = arith.constant 31 : i32
      %broadcast_in_dim3A_557 = vector.broadcast %broadcast_in_dim3A_556 : i32 to vector<16xi32>
      %gather3A_558 = tpu.vector_load_idx %arg11[%add3A_273, %broadcast_in_dim3A_557] : memref<512x32xf32, #tpu.memory_space<vmem>>[vector<16xi32>, vector<16xi32>], vector<16xf32>,
      %gather3A_559 = tpu.vector_load_idx %arg12[%add3A_273, %broadcast_in_dim3A_557] : memref<512x32xf32, #tpu.memory_space<vmem>>[vector<16xi32>, vector<16xi32>], vector<16xf32>,
      %gather3A_560 = tpu.vector_load_idx %arg13[%add3A_273, %broadcast_in_dim3A_557] : memref<512x32xf32, #tpu.memory_space<vmem>>[vector<16xi32>, vector<16xi32>], vector<16xf32>,
      %mul3A_561 = arith.mulf %gather3A_558, %gather3A_559 : vector<16xf32>
      %add3A_562 = arith.addf %add3A_553, %mul3A_561 : vector<16xf32>
      %mul3A_563 = arith.mulf %gather3A_558, %gather3A_560 : vector<16xf32>
      %add3A_564 = arith.addf %add3A_555, %mul3A_563 : vector<16xf32>
      tpu.vector_store_idx %arg14[%add3A_273, %broadcast_in_dim3A_122], %add3A_562 : memref<512x2xf32, #tpu.memory_space<vmem>>[vector<16xi32>, vector<16xi32>], vector<16xf32>,
      tpu.vector_store_idx %arg14[%add3A_273, %broadcast_in_dim3A_124], %add3A_564 : memref<512x2xf32, #tpu.memory_space<vmem>>[vector<16xi32>, vector<16xi32>], vector<16xf32>,
    }
    %scan3A_158 = arith.constant 8 : i32
    %dma_wait3A_159 = arith.constant 1 : i32
    %dma_wait3A_160 = arith.constant 128 : i32
    %dma_wait3A_161 = arith.constant 0 : i32
    %dma_wait3A_162 = tpu.memref_slice %arg11[%dma_wait3A_160, %dma_wait3A_161] : memref<512x32xf32, #tpu.memory_space<vmem>> -> memref<128x32xf32, #tpu.memory_space<vmem>>
    %dma_wait3A_163 = arith.constant 0 : i32
    %dma_wait3A_164 = tpu.memref_slice %arg8[%dma_wait3A_159, %dma_wait3A_163] : memref<4x128xi32, #tpu.memory_space<vmem>> -> memref<1x128xi32, #tpu.memory_space<vmem>>
    %dma_wait3A_165 = tpu.memref_squeeze %dma_wait3A_164 : memref<1x128xi32, #tpu.memory_space<vmem>> -> memref<128xi32, #tpu.memory_space<vmem>>
    %dma_wait3A_166 = arith.constant 0 : i32
    %dma_wait3A_167 = arith.constant 0 : i32
    %dma_wait3A_168 = tpu.memref_slice %arg5[%dma_wait3A_166, %dma_wait3A_167] : memref<1000000x32xf32, #tpu.memory_space<hbm>> -> memref<1000000x32xf32, #tpu.memory_space<hbm>>
    tpu.wait_indirect_dma semaphore(%arg16 : memref<!tpu.dma_semaphore, #tpu.memory_space<semaphore_mem>>) src(%dma_wait3A_168 : memref<1000000x32xf32, #tpu.memory_space<hbm>>) dst(%dma_wait3A_162 : memref<128x32xf32, #tpu.memory_space<vmem>>)
    %dma_wait3A_169 = arith.constant 1 : i32
    %dma_wait3A_170 = arith.constant 128 : i32
    %dma_wait3A_171 = arith.constant 0 : i32
    %dma_wait3A_172 = tpu.memref_slice %arg12[%dma_wait3A_170, %dma_wait3A_171] : memref<512x32xf32, #tpu.memory_space<vmem>> -> memref<128x32xf32, #tpu.memory_space<vmem>>
    %dma_wait3A_173 = arith.constant 0 : i32
    %dma_wait3A_174 = tpu.memref_slice %arg9[%dma_wait3A_169, %dma_wait3A_173] : memref<4x128xi32, #tpu.memory_space<vmem>> -> memref<1x128xi32, #tpu.memory_space<vmem>>
    %dma_wait3A_175 = tpu.memref_squeeze %dma_wait3A_174 : memref<1x128xi32, #tpu.memory_space<vmem>> -> memref<128xi32, #tpu.memory_space<vmem>>
    %dma_wait3A_176 = arith.constant 0 : i32
    %dma_wait3A_177 = arith.constant 0 : i32
    %dma_wait3A_178 = tpu.memref_slice %arg6[%dma_wait3A_176, %dma_wait3A_177] : memref<1000000x32xf32, #tpu.memory_space<hbm>> -> memref<1000000x32xf32, #tpu.memory_space<hbm>>
    tpu.wait_indirect_dma semaphore(%arg16 : memref<!tpu.dma_semaphore, #tpu.memory_space<semaphore_mem>>) src(%dma_wait3A_178 : memref<1000000x32xf32, #tpu.memory_space<hbm>>) dst(%dma_wait3A_172 : memref<128x32xf32, #tpu.memory_space<vmem>>)
    %dma_wait3A_179 = arith.constant 1 : i32
    %dma_wait3A_180 = arith.constant 128 : i32
    %dma_wait3A_181 = arith.constant 0 : i32
    %dma_wait3A_182 = tpu.memref_slice %arg13[%dma_wait3A_180, %dma_wait3A_181] : memref<512x32xf32, #tpu.memory_space<vmem>> -> memref<128x32xf32, #tpu.memory_space<vmem>>
    %dma_wait3A_183 = arith.constant 0 : i32
    %dma_wait3A_184 = tpu.memref_slice %arg10[%dma_wait3A_179, %dma_wait3A_183] : memref<4x128xi32, #tpu.memory_space<vmem>> -> memref<1x128xi32, #tpu.memory_space<vmem>>
    %dma_wait3A_185 = tpu.memref_squeeze %dma_wait3A_184 : memref<1x128xi32, #tpu.memory_space<vmem>> -> memref<128xi32, #tpu.memory_space<vmem>>
    %dma_wait3A_186 = arith.constant 0 : i32
    %dma_wait3A_187 = arith.constant 0 : i32
    %dma_wait3A_188 = tpu.memref_slice %arg6[%dma_wait3A_186, %dma_wait3A_187] : memref<1000000x32xf32, #tpu.memory_space<hbm>> -> memref<1000000x32xf32, #tpu.memory_space<hbm>>
    tpu.wait_indirect_dma semaphore(%arg16 : memref<!tpu.dma_semaphore, #tpu.memory_space<semaphore_mem>>) src(%dma_wait3A_188 : memref<1000000x32xf32, #tpu.memory_space<hbm>>) dst(%dma_wait3A_182 : memref<128x32xf32, #tpu.memory_space<vmem>>)
    %scan3A_189 = arith.constant 0 : i32
    %scan3A_190 = arith.constant 0 : i32
    %scan3A_191 = arith.constant 8 : i32
    %scan3A_192 = arith.addi %scan3A_190, %scan3A_191 : i32
    %scan3A_193 = arith.constant 1 : i32
    scf.for %scan3A_267 = %scan3A_190 to %scan3A_192 step %scan3A_193  : i32 {
      %mul3A_268 = arith.constant 16 : i32
      %mul3A_269 = arith.muli %scan3A_267, %mul3A_268 : i32
      %add3A_270 = arith.constant 128 : i32
      %add3A_271 = arith.addi %add3A_270, %mul3A_269 : i32
      %add3A_272 = vector.broadcast %add3A_271 : i32 to vector<16xi32>
      %add3A_273 = arith.addi %add3A_272, %iota3A : vector<16xi32>
      %broadcast_in_dim3A_274 = arith.constant 0.000000e+00 : f32
      %broadcast_in_dim3A_275 = vector.broadcast %broadcast_in_dim3A_274 : f32 to vector<16xf32>
      %broadcast_in_dim3A_276 = arith.constant 0.000000e+00 : f32
      %broadcast_in_dim3A_277 = vector.broadcast %broadcast_in_dim3A_276 : f32 to vector<16xf32>
      %broadcast_in_dim3A_278 = arith.constant 0 : i32
      %broadcast_in_dim3A_279 = vector.broadcast %broadcast_in_dim3A_278 : i32 to vector<16xi32>
      %gather3A = tpu.vector_load_idx %arg11[%add3A_273, %broadcast_in_dim3A_279] : memref<512x32xf32, #tpu.memory_space<vmem>>[vector<16xi32>, vector<16xi32>], vector<16xf32>,
      %gather3A_280 = tpu.vector_load_idx %arg12[%add3A_273, %broadcast_in_dim3A_279] : memref<512x32xf32, #tpu.memory_space<vmem>>[vector<16xi32>, vector<16xi32>], vector<16xf32>,
      %gather3A_281 = tpu.vector_load_idx %arg13[%add3A_273, %broadcast_in_dim3A_279] : memref<512x32xf32, #tpu.memory_space<vmem>>[vector<16xi32>, vector<16xi32>], vector<16xf32>,
      %mul3A_282 = arith.mulf %gather3A, %gather3A_280 : vector<16xf32>
      %add3A_283 = arith.addf %broadcast_in_dim3A_275, %mul3A_282 : vector<16xf32>
      %mul3A_284 = arith.mulf %gather3A, %gather3A_281 : vector<16xf32>
      %add3A_285 = arith.addf %broadcast_in_dim3A_277, %mul3A_284 : vector<16xf32>
      %broadcast_in_dim3A_286 = arith.constant 1 : i32
      %broadcast_in_dim3A_287 = vector.broadcast %broadcast_in_dim3A_286 : i32 to vector<16xi32>
      %gather3A_288 = tpu.vector_load_idx %arg11[%add3A_273, %broadcast_in_dim3A_287] : memref<512x32xf32, #tpu.memory_space<vmem>>[vector<16xi32>, vector<16xi32>], vector<16xf32>,
      %gather3A_289 = tpu.vector_load_idx %arg12[%add3A_273, %broadcast_in_dim3A_287] : memref<512x32xf32, #tpu.memory_space<vmem>>[vector<16xi32>, vector<16xi32>], vector<16xf32>,
      %gather3A_290 = tpu.vector_load_idx %arg13[%add3A_273, %broadcast_in_dim3A_287] : memref<512x32xf32, #tpu.memory_space<vmem>>[vector<16xi32>, vector<16xi32>], vector<16xf32>,
      %mul3A_291 = arith.mulf %gather3A_288, %gather3A_289 : vector<16xf32>
      %add3A_292 = arith.addf %add3A_283, %mul3A_291 : vector<16xf32>
      %mul3A_293 = arith.mulf %gather3A_288, %gather3A_290 : vector<16xf32>
      %add3A_294 = arith.addf %add3A_285, %mul3A_293 : vector<16xf32>
      %broadcast_in_dim3A_295 = arith.constant 2 : i32
      %broadcast_in_dim3A_296 = vector.broadcast %broadcast_in_dim3A_295 : i32 to vector<16xi32>
      %gather3A_297 = tpu.vector_load_idx %arg11[%add3A_273, %broadcast_in_dim3A_296] : memref<512x32xf32, #tpu.memory_space<vmem>>[vector<16xi32>, vector<16xi32>], vector<16xf32>,
      %gather3A_298 = tpu.vector_load_idx %arg12[%add3A_273, %broadcast_in_dim3A_296] : memref<512x32xf32, #tpu.memory_space<vmem>>[vector<16xi32>, vector<16xi32>], vector<16xf32>,
      %gather3A_299 = tpu.vector_load_idx %arg13[%add3A_273, %broadcast_in_dim3A_296] : memref<512x32xf32, #tpu.memory_space<vmem>>[vector<16xi32>, vector<16xi32>], vector<16xf32>,
      %mul3A_300 = arith.mulf %gather3A_297, %gather3A_298 : vector<16xf32>
      %add3A_301 = arith.addf %add3A_292, %mul3A_300 : vector<16xf32>
      %mul3A_302 = arith.mulf %gather3A_297, %gather3A_299 : vector<16xf32>
      %add3A_303 = arith.addf %add3A_294, %mul3A_302 : vector<16xf32>
      %broadcast_in_dim3A_304 = arith.constant 3 : i32
      %broadcast_in_dim3A_305 = vector.broadcast %broadcast_in_dim3A_304 : i32 to vector<16xi32>
      %gather3A_306 = tpu.vector_load_idx %arg11[%add3A_273, %broadcast_in_dim3A_305] : memref<512x32xf32, #tpu.memory_space<vmem>>[vector<16xi32>, vector<16xi32>], vector<16xf32>,
      %gather3A_307 = tpu.vector_load_idx %arg12[%add3A_273, %broadcast_in_dim3A_305] : memref<512x32xf32, #tpu.memory_space<vmem>>[vector<16xi32>, vector<16xi32>], vector<16xf32>,
      %gather3A_308 = tpu.vector_load_idx %arg13[%add3A_273, %broadcast_in_dim3A_305] : memref<512x32xf32, #tpu.memory_space<vmem>>[vector<16xi32>, vector<16xi32>], vector<16xf32>,
      %mul3A_309 = arith.mulf %gather3A_306, %gather3A_307 : vector<16xf32>
      %add3A_310 = arith.addf %add3A_301, %mul3A_309 : vector<16xf32>
      %mul3A_311 = arith.mulf %gather3A_306, %gather3A_308 : vector<16xf32>
      %add3A_312 = arith.addf %add3A_303, %mul3A_311 : vector<16xf32>
      %broadcast_in_dim3A_313 = arith.constant 4 : i32
      %broadcast_in_dim3A_314 = vector.broadcast %broadcast_in_dim3A_313 : i32 to vector<16xi32>
      %gather3A_315 = tpu.vector_load_idx %arg11[%add3A_273, %broadcast_in_dim3A_314] : memref<512x32xf32, #tpu.memory_space<vmem>>[vector<16xi32>, vector<16xi32>], vector<16xf32>,
      %gather3A_316 = tpu.vector_load_idx %arg12[%add3A_273, %broadcast_in_dim3A_314] : memref<512x32xf32, #tpu.memory_space<vmem>>[vector<16xi32>, vector<16xi32>], vector<16xf32>,
      %gather3A_317 = tpu.vector_load_idx %arg13[%add3A_273, %broadcast_in_dim3A_314] : memref<512x32xf32, #tpu.memory_space<vmem>>[vector<16xi32>, vector<16xi32>], vector<16xf32>,
      %mul3A_318 = arith.mulf %gather3A_315, %gather3A_316 : vector<16xf32>
      %add3A_319 = arith.addf %add3A_310, %mul3A_318 : vector<16xf32>
      %mul3A_320 = arith.mulf %gather3A_315, %gather3A_317 : vector<16xf32>
      %add3A_321 = arith.addf %add3A_312, %mul3A_320 : vector<16xf32>
      %broadcast_in_dim3A_322 = arith.constant 5 : i32
      %broadcast_in_dim3A_323 = vector.broadcast %broadcast_in_dim3A_322 : i32 to vector<16xi32>
      %gather3A_324 = tpu.vector_load_idx %arg11[%add3A_273, %broadcast_in_dim3A_323] : memref<512x32xf32, #tpu.memory_space<vmem>>[vector<16xi32>, vector<16xi32>], vector<16xf32>,
      %gather3A_325 = tpu.vector_load_idx %arg12[%add3A_273, %broadcast_in_dim3A_323] : memref<512x32xf32, #tpu.memory_space<vmem>>[vector<16xi32>, vector<16xi32>], vector<16xf32>,
      %gather3A_326 = tpu.vector_load_idx %arg13[%add3A_273, %broadcast_in_dim3A_323] : memref<512x32xf32, #tpu.memory_space<vmem>>[vector<16xi32>, vector<16xi32>], vector<16xf32>,
      %mul3A_327 = arith.mulf %gather3A_324, %gather3A_325 : vector<16xf32>
      %add3A_328 = arith.addf %add3A_319, %mul3A_327 : vector<16xf32>
      %mul3A_329 = arith.mulf %gather3A_324, %gather3A_326 : vector<16xf32>
      %add3A_330 = arith.addf %add3A_321, %mul3A_329 : vector<16xf32>
      %broadcast_in_dim3A_331 = arith.constant 6 : i32
      %broadcast_in_dim3A_332 = vector.broadcast %broadcast_in_dim3A_331 : i32 to vector<16xi32>
      %gather3A_333 = tpu.vector_load_idx %arg11[%add3A_273, %broadcast_in_dim3A_332] : memref<512x32xf32, #tpu.memory_space<vmem>>[vector<16xi32>, vector<16xi32>], vector<16xf32>,
      %gather3A_334 = tpu.vector_load_idx %arg12[%add3A_273, %broadcast_in_dim3A_332] : memref<512x32xf32, #tpu.memory_space<vmem>>[vector<16xi32>, vector<16xi32>], vector<16xf32>,
      %gather3A_335 = tpu.vector_load_idx %arg13[%add3A_273, %broadcast_in_dim3A_332] : memref<512x32xf32, #tpu.memory_space<vmem>>[vector<16xi32>, vector<16xi32>], vector<16xf32>,
      %mul3A_336 = arith.mulf %gather3A_333, %gather3A_334 : vector<16xf32>
      %add3A_337 = arith.addf %add3A_328, %mul3A_336 : vector<16xf32>
      %mul3A_338 = arith.mulf %gather3A_333, %gather3A_335 : vector<16xf32>
      %add3A_339 = arith.addf %add3A_330, %mul3A_338 : vector<16xf32>
      %broadcast_in_dim3A_340 = arith.constant 7 : i32
      %broadcast_in_dim3A_341 = vector.broadcast %broadcast_in_dim3A_340 : i32 to vector<16xi32>
      %gather3A_342 = tpu.vector_load_idx %arg11[%add3A_273, %broadcast_in_dim3A_341] : memref<512x32xf32, #tpu.memory_space<vmem>>[vector<16xi32>, vector<16xi32>], vector<16xf32>,
      %gather3A_343 = tpu.vector_load_idx %arg12[%add3A_273, %broadcast_in_dim3A_341] : memref<512x32xf32, #tpu.memory_space<vmem>>[vector<16xi32>, vector<16xi32>], vector<16xf32>,
      %gather3A_344 = tpu.vector_load_idx %arg13[%add3A_273, %broadcast_in_dim3A_341] : memref<512x32xf32, #tpu.memory_space<vmem>>[vector<16xi32>, vector<16xi32>], vector<16xf32>,
      %mul3A_345 = arith.mulf %gather3A_342, %gather3A_343 : vector<16xf32>
      %add3A_346 = arith.addf %add3A_337, %mul3A_345 : vector<16xf32>
      %mul3A_347 = arith.mulf %gather3A_342, %gather3A_344 : vector<16xf32>
      %add3A_348 = arith.addf %add3A_339, %mul3A_347 : vector<16xf32>
      %broadcast_in_dim3A_349 = arith.constant 8 : i32
      %broadcast_in_dim3A_350 = vector.broadcast %broadcast_in_dim3A_349 : i32 to vector<16xi32>
      %gather3A_351 = tpu.vector_load_idx %arg11[%add3A_273, %broadcast_in_dim3A_350] : memref<512x32xf32, #tpu.memory_space<vmem>>[vector<16xi32>, vector<16xi32>], vector<16xf32>,
      %gather3A_352 = tpu.vector_load_idx %arg12[%add3A_273, %broadcast_in_dim3A_350] : memref<512x32xf32, #tpu.memory_space<vmem>>[vector<16xi32>, vector<16xi32>], vector<16xf32>,
      %gather3A_353 = tpu.vector_load_idx %arg13[%add3A_273, %broadcast_in_dim3A_350] : memref<512x32xf32, #tpu.memory_space<vmem>>[vector<16xi32>, vector<16xi32>], vector<16xf32>,
      %mul3A_354 = arith.mulf %gather3A_351, %gather3A_352 : vector<16xf32>
      %add3A_355 = arith.addf %add3A_346, %mul3A_354 : vector<16xf32>
      %mul3A_356 = arith.mulf %gather3A_351, %gather3A_353 : vector<16xf32>
      %add3A_357 = arith.addf %add3A_348, %mul3A_356 : vector<16xf32>
      %broadcast_in_dim3A_358 = arith.constant 9 : i32
      %broadcast_in_dim3A_359 = vector.broadcast %broadcast_in_dim3A_358 : i32 to vector<16xi32>
      %gather3A_360 = tpu.vector_load_idx %arg11[%add3A_273, %broadcast_in_dim3A_359] : memref<512x32xf32, #tpu.memory_space<vmem>>[vector<16xi32>, vector<16xi32>], vector<16xf32>,
      %gather3A_361 = tpu.vector_load_idx %arg12[%add3A_273, %broadcast_in_dim3A_359] : memref<512x32xf32, #tpu.memory_space<vmem>>[vector<16xi32>, vector<16xi32>], vector<16xf32>,
      %gather3A_362 = tpu.vector_load_idx %arg13[%add3A_273, %broadcast_in_dim3A_359] : memref<512x32xf32, #tpu.memory_space<vmem>>[vector<16xi32>, vector<16xi32>], vector<16xf32>,
      %mul3A_363 = arith.mulf %gather3A_360, %gather3A_361 : vector<16xf32>
      %add3A_364 = arith.addf %add3A_355, %mul3A_363 : vector<16xf32>
      %mul3A_365 = arith.mulf %gather3A_360, %gather3A_362 : vector<16xf32>
      %add3A_366 = arith.addf %add3A_357, %mul3A_365 : vector<16xf32>
      %broadcast_in_dim3A_367 = arith.constant 10 : i32
      %broadcast_in_dim3A_368 = vector.broadcast %broadcast_in_dim3A_367 : i32 to vector<16xi32>
      %gather3A_369 = tpu.vector_load_idx %arg11[%add3A_273, %broadcast_in_dim3A_368] : memref<512x32xf32, #tpu.memory_space<vmem>>[vector<16xi32>, vector<16xi32>], vector<16xf32>,
      %gather3A_370 = tpu.vector_load_idx %arg12[%add3A_273, %broadcast_in_dim3A_368] : memref<512x32xf32, #tpu.memory_space<vmem>>[vector<16xi32>, vector<16xi32>], vector<16xf32>,
      %gather3A_371 = tpu.vector_load_idx %arg13[%add3A_273, %broadcast_in_dim3A_368] : memref<512x32xf32, #tpu.memory_space<vmem>>[vector<16xi32>, vector<16xi32>], vector<16xf32>,
      %mul3A_372 = arith.mulf %gather3A_369, %gather3A_370 : vector<16xf32>
      %add3A_373 = arith.addf %add3A_364, %mul3A_372 : vector<16xf32>
      %mul3A_374 = arith.mulf %gather3A_369, %gather3A_371 : vector<16xf32>
      %add3A_375 = arith.addf %add3A_366, %mul3A_374 : vector<16xf32>
      %broadcast_in_dim3A_376 = arith.constant 11 : i32
      %broadcast_in_dim3A_377 = vector.broadcast %broadcast_in_dim3A_376 : i32 to vector<16xi32>
      %gather3A_378 = tpu.vector_load_idx %arg11[%add3A_273, %broadcast_in_dim3A_377] : memref<512x32xf32, #tpu.memory_space<vmem>>[vector<16xi32>, vector<16xi32>], vector<16xf32>,
      %gather3A_379 = tpu.vector_load_idx %arg12[%add3A_273, %broadcast_in_dim3A_377] : memref<512x32xf32, #tpu.memory_space<vmem>>[vector<16xi32>, vector<16xi32>], vector<16xf32>,
      %gather3A_380 = tpu.vector_load_idx %arg13[%add3A_273, %broadcast_in_dim3A_377] : memref<512x32xf32, #tpu.memory_space<vmem>>[vector<16xi32>, vector<16xi32>], vector<16xf32>,
      %mul3A_381 = arith.mulf %gather3A_378, %gather3A_379 : vector<16xf32>
      %add3A_382 = arith.addf %add3A_373, %mul3A_381 : vector<16xf32>
      %mul3A_383 = arith.mulf %gather3A_378, %gather3A_380 : vector<16xf32>
      %add3A_384 = arith.addf %add3A_375, %mul3A_383 : vector<16xf32>
      %broadcast_in_dim3A_385 = arith.constant 12 : i32
      %broadcast_in_dim3A_386 = vector.broadcast %broadcast_in_dim3A_385 : i32 to vector<16xi32>
      %gather3A_387 = tpu.vector_load_idx %arg11[%add3A_273, %broadcast_in_dim3A_386] : memref<512x32xf32, #tpu.memory_space<vmem>>[vector<16xi32>, vector<16xi32>], vector<16xf32>,
      %gather3A_388 = tpu.vector_load_idx %arg12[%add3A_273, %broadcast_in_dim3A_386] : memref<512x32xf32, #tpu.memory_space<vmem>>[vector<16xi32>, vector<16xi32>], vector<16xf32>,
      %gather3A_389 = tpu.vector_load_idx %arg13[%add3A_273, %broadcast_in_dim3A_386] : memref<512x32xf32, #tpu.memory_space<vmem>>[vector<16xi32>, vector<16xi32>], vector<16xf32>,
      %mul3A_390 = arith.mulf %gather3A_387, %gather3A_388 : vector<16xf32>
      %add3A_391 = arith.addf %add3A_382, %mul3A_390 : vector<16xf32>
      %mul3A_392 = arith.mulf %gather3A_387, %gather3A_389 : vector<16xf32>
      %add3A_393 = arith.addf %add3A_384, %mul3A_392 : vector<16xf32>
      %broadcast_in_dim3A_394 = arith.constant 13 : i32
      %broadcast_in_dim3A_395 = vector.broadcast %broadcast_in_dim3A_394 : i32 to vector<16xi32>
      %gather3A_396 = tpu.vector_load_idx %arg11[%add3A_273, %broadcast_in_dim3A_395] : memref<512x32xf32, #tpu.memory_space<vmem>>[vector<16xi32>, vector<16xi32>], vector<16xf32>,
      %gather3A_397 = tpu.vector_load_idx %arg12[%add3A_273, %broadcast_in_dim3A_395] : memref<512x32xf32, #tpu.memory_space<vmem>>[vector<16xi32>, vector<16xi32>], vector<16xf32>,
      %gather3A_398 = tpu.vector_load_idx %arg13[%add3A_273, %broadcast_in_dim3A_395] : memref<512x32xf32, #tpu.memory_space<vmem>>[vector<16xi32>, vector<16xi32>], vector<16xf32>,
      %mul3A_399 = arith.mulf %gather3A_396, %gather3A_397 : vector<16xf32>
      %add3A_400 = arith.addf %add3A_391, %mul3A_399 : vector<16xf32>
      %mul3A_401 = arith.mulf %gather3A_396, %gather3A_398 : vector<16xf32>
      %add3A_402 = arith.addf %add3A_393, %mul3A_401 : vector<16xf32>
      %broadcast_in_dim3A_403 = arith.constant 14 : i32
      %broadcast_in_dim3A_404 = vector.broadcast %broadcast_in_dim3A_403 : i32 to vector<16xi32>
      %gather3A_405 = tpu.vector_load_idx %arg11[%add3A_273, %broadcast_in_dim3A_404] : memref<512x32xf32, #tpu.memory_space<vmem>>[vector<16xi32>, vector<16xi32>], vector<16xf32>,
      %gather3A_406 = tpu.vector_load_idx %arg12[%add3A_273, %broadcast_in_dim3A_404] : memref<512x32xf32, #tpu.memory_space<vmem>>[vector<16xi32>, vector<16xi32>], vector<16xf32>,
      %gather3A_407 = tpu.vector_load_idx %arg13[%add3A_273, %broadcast_in_dim3A_404] : memref<512x32xf32, #tpu.memory_space<vmem>>[vector<16xi32>, vector<16xi32>], vector<16xf32>,
      %mul3A_408 = arith.mulf %gather3A_405, %gather3A_406 : vector<16xf32>
      %add3A_409 = arith.addf %add3A_400, %mul3A_408 : vector<16xf32>
      %mul3A_410 = arith.mulf %gather3A_405, %gather3A_407 : vector<16xf32>
      %add3A_411 = arith.addf %add3A_402, %mul3A_410 : vector<16xf32>
      %broadcast_in_dim3A_412 = arith.constant 15 : i32
      %broadcast_in_dim3A_413 = vector.broadcast %broadcast_in_dim3A_412 : i32 to vector<16xi32>
      %gather3A_414 = tpu.vector_load_idx %arg11[%add3A_273, %broadcast_in_dim3A_413] : memref<512x32xf32, #tpu.memory_space<vmem>>[vector<16xi32>, vector<16xi32>], vector<16xf32>,
      %gather3A_415 = tpu.vector_load_idx %arg12[%add3A_273, %broadcast_in_dim3A_413] : memref<512x32xf32, #tpu.memory_space<vmem>>[vector<16xi32>, vector<16xi32>], vector<16xf32>,
      %gather3A_416 = tpu.vector_load_idx %arg13[%add3A_273, %broadcast_in_dim3A_413] : memref<512x32xf32, #tpu.memory_space<vmem>>[vector<16xi32>, vector<16xi32>], vector<16xf32>,
      %mul3A_417 = arith.mulf %gather3A_414, %gather3A_415 : vector<16xf32>
      %add3A_418 = arith.addf %add3A_409, %mul3A_417 : vector<16xf32>
      %mul3A_419 = arith.mulf %gather3A_414, %gather3A_416 : vector<16xf32>
      %add3A_420 = arith.addf %add3A_411, %mul3A_419 : vector<16xf32>
      %broadcast_in_dim3A_421 = arith.constant 16 : i32
      %broadcast_in_dim3A_422 = vector.broadcast %broadcast_in_dim3A_421 : i32 to vector<16xi32>
      %gather3A_423 = tpu.vector_load_idx %arg11[%add3A_273, %broadcast_in_dim3A_422] : memref<512x32xf32, #tpu.memory_space<vmem>>[vector<16xi32>, vector<16xi32>], vector<16xf32>,
      %gather3A_424 = tpu.vector_load_idx %arg12[%add3A_273, %broadcast_in_dim3A_422] : memref<512x32xf32, #tpu.memory_space<vmem>>[vector<16xi32>, vector<16xi32>], vector<16xf32>,
      %gather3A_425 = tpu.vector_load_idx %arg13[%add3A_273, %broadcast_in_dim3A_422] : memref<512x32xf32, #tpu.memory_space<vmem>>[vector<16xi32>, vector<16xi32>], vector<16xf32>,
      %mul3A_426 = arith.mulf %gather3A_423, %gather3A_424 : vector<16xf32>
      %add3A_427 = arith.addf %add3A_418, %mul3A_426 : vector<16xf32>
      %mul3A_428 = arith.mulf %gather3A_423, %gather3A_425 : vector<16xf32>
      %add3A_429 = arith.addf %add3A_420, %mul3A_428 : vector<16xf32>
      %broadcast_in_dim3A_430 = arith.constant 17 : i32
      %broadcast_in_dim3A_431 = vector.broadcast %broadcast_in_dim3A_430 : i32 to vector<16xi32>
      %gather3A_432 = tpu.vector_load_idx %arg11[%add3A_273, %broadcast_in_dim3A_431] : memref<512x32xf32, #tpu.memory_space<vmem>>[vector<16xi32>, vector<16xi32>], vector<16xf32>,
      %gather3A_433 = tpu.vector_load_idx %arg12[%add3A_273, %broadcast_in_dim3A_431] : memref<512x32xf32, #tpu.memory_space<vmem>>[vector<16xi32>, vector<16xi32>], vector<16xf32>,
      %gather3A_434 = tpu.vector_load_idx %arg13[%add3A_273, %broadcast_in_dim3A_431] : memref<512x32xf32, #tpu.memory_space<vmem>>[vector<16xi32>, vector<16xi32>], vector<16xf32>,
      %mul3A_435 = arith.mulf %gather3A_432, %gather3A_433 : vector<16xf32>
      %add3A_436 = arith.addf %add3A_427, %mul3A_435 : vector<16xf32>
      %mul3A_437 = arith.mulf %gather3A_432, %gather3A_434 : vector<16xf32>
      %add3A_438 = arith.addf %add3A_429, %mul3A_437 : vector<16xf32>
      %broadcast_in_dim3A_439 = arith.constant 18 : i32
      %broadcast_in_dim3A_440 = vector.broadcast %broadcast_in_dim3A_439 : i32 to vector<16xi32>
      %gather3A_441 = tpu.vector_load_idx %arg11[%add3A_273, %broadcast_in_dim3A_440] : memref<512x32xf32, #tpu.memory_space<vmem>>[vector<16xi32>, vector<16xi32>], vector<16xf32>,
      %gather3A_442 = tpu.vector_load_idx %arg12[%add3A_273, %broadcast_in_dim3A_440] : memref<512x32xf32, #tpu.memory_space<vmem>>[vector<16xi32>, vector<16xi32>], vector<16xf32>,
      %gather3A_443 = tpu.vector_load_idx %arg13[%add3A_273, %broadcast_in_dim3A_440] : memref<512x32xf32, #tpu.memory_space<vmem>>[vector<16xi32>, vector<16xi32>], vector<16xf32>,
      %mul3A_444 = arith.mulf %gather3A_441, %gather3A_442 : vector<16xf32>
      %add3A_445 = arith.addf %add3A_436, %mul3A_444 : vector<16xf32>
      %mul3A_446 = arith.mulf %gather3A_441, %gather3A_443 : vector<16xf32>
      %add3A_447 = arith.addf %add3A_438, %mul3A_446 : vector<16xf32>
      %broadcast_in_dim3A_448 = arith.constant 19 : i32
      %broadcast_in_dim3A_449 = vector.broadcast %broadcast_in_dim3A_448 : i32 to vector<16xi32>
      %gather3A_450 = tpu.vector_load_idx %arg11[%add3A_273, %broadcast_in_dim3A_449] : memref<512x32xf32, #tpu.memory_space<vmem>>[vector<16xi32>, vector<16xi32>], vector<16xf32>,
      %gather3A_451 = tpu.vector_load_idx %arg12[%add3A_273, %broadcast_in_dim3A_449] : memref<512x32xf32, #tpu.memory_space<vmem>>[vector<16xi32>, vector<16xi32>], vector<16xf32>,
      %gather3A_452 = tpu.vector_load_idx %arg13[%add3A_273, %broadcast_in_dim3A_449] : memref<512x32xf32, #tpu.memory_space<vmem>>[vector<16xi32>, vector<16xi32>], vector<16xf32>,
      %mul3A_453 = arith.mulf %gather3A_450, %gather3A_451 : vector<16xf32>
      %add3A_454 = arith.addf %add3A_445, %mul3A_453 : vector<16xf32>
      %mul3A_455 = arith.mulf %gather3A_450, %gather3A_452 : vector<16xf32>
      %add3A_456 = arith.addf %add3A_447, %mul3A_455 : vector<16xf32>
      %broadcast_in_dim3A_457 = arith.constant 20 : i32
      %broadcast_in_dim3A_458 = vector.broadcast %broadcast_in_dim3A_457 : i32 to vector<16xi32>
      %gather3A_459 = tpu.vector_load_idx %arg11[%add3A_273, %broadcast_in_dim3A_458] : memref<512x32xf32, #tpu.memory_space<vmem>>[vector<16xi32>, vector<16xi32>], vector<16xf32>,
      %gather3A_460 = tpu.vector_load_idx %arg12[%add3A_273, %broadcast_in_dim3A_458] : memref<512x32xf32, #tpu.memory_space<vmem>>[vector<16xi32>, vector<16xi32>], vector<16xf32>,
      %gather3A_461 = tpu.vector_load_idx %arg13[%add3A_273, %broadcast_in_dim3A_458] : memref<512x32xf32, #tpu.memory_space<vmem>>[vector<16xi32>, vector<16xi32>], vector<16xf32>,
      %mul3A_462 = arith.mulf %gather3A_459, %gather3A_460 : vector<16xf32>
      %add3A_463 = arith.addf %add3A_454, %mul3A_462 : vector<16xf32>
      %mul3A_464 = arith.mulf %gather3A_459, %gather3A_461 : vector<16xf32>
      %add3A_465 = arith.addf %add3A_456, %mul3A_464 : vector<16xf32>
      %broadcast_in_dim3A_466 = arith.constant 21 : i32
      %broadcast_in_dim3A_467 = vector.broadcast %broadcast_in_dim3A_466 : i32 to vector<16xi32>
      %gather3A_468 = tpu.vector_load_idx %arg11[%add3A_273, %broadcast_in_dim3A_467] : memref<512x32xf32, #tpu.memory_space<vmem>>[vector<16xi32>, vector<16xi32>], vector<16xf32>,
      %gather3A_469 = tpu.vector_load_idx %arg12[%add3A_273, %broadcast_in_dim3A_467] : memref<512x32xf32, #tpu.memory_space<vmem>>[vector<16xi32>, vector<16xi32>], vector<16xf32>,
      %gather3A_470 = tpu.vector_load_idx %arg13[%add3A_273, %broadcast_in_dim3A_467] : memref<512x32xf32, #tpu.memory_space<vmem>>[vector<16xi32>, vector<16xi32>], vector<16xf32>,
      %mul3A_471 = arith.mulf %gather3A_468, %gather3A_469 : vector<16xf32>
      %add3A_472 = arith.addf %add3A_463, %mul3A_471 : vector<16xf32>
      %mul3A_473 = arith.mulf %gather3A_468, %gather3A_470 : vector<16xf32>
      %add3A_474 = arith.addf %add3A_465, %mul3A_473 : vector<16xf32>
      %broadcast_in_dim3A_475 = arith.constant 22 : i32
      %broadcast_in_dim3A_476 = vector.broadcast %broadcast_in_dim3A_475 : i32 to vector<16xi32>
      %gather3A_477 = tpu.vector_load_idx %arg11[%add3A_273, %broadcast_in_dim3A_476] : memref<512x32xf32, #tpu.memory_space<vmem>>[vector<16xi32>, vector<16xi32>], vector<16xf32>,
      %gather3A_478 = tpu.vector_load_idx %arg12[%add3A_273, %broadcast_in_dim3A_476] : memref<512x32xf32, #tpu.memory_space<vmem>>[vector<16xi32>, vector<16xi32>], vector<16xf32>,
      %gather3A_479 = tpu.vector_load_idx %arg13[%add3A_273, %broadcast_in_dim3A_476] : memref<512x32xf32, #tpu.memory_space<vmem>>[vector<16xi32>, vector<16xi32>], vector<16xf32>,
      %mul3A_480 = arith.mulf %gather3A_477, %gather3A_478 : vector<16xf32>
      %add3A_481 = arith.addf %add3A_472, %mul3A_480 : vector<16xf32>
      %mul3A_482 = arith.mulf %gather3A_477, %gather3A_479 : vector<16xf32>
      %add3A_483 = arith.addf %add3A_474, %mul3A_482 : vector<16xf32>
      %broadcast_in_dim3A_484 = arith.constant 23 : i32
      %broadcast_in_dim3A_485 = vector.broadcast %broadcast_in_dim3A_484 : i32 to vector<16xi32>
      %gather3A_486 = tpu.vector_load_idx %arg11[%add3A_273, %broadcast_in_dim3A_485] : memref<512x32xf32, #tpu.memory_space<vmem>>[vector<16xi32>, vector<16xi32>], vector<16xf32>,
      %gather3A_487 = tpu.vector_load_idx %arg12[%add3A_273, %broadcast_in_dim3A_485] : memref<512x32xf32, #tpu.memory_space<vmem>>[vector<16xi32>, vector<16xi32>], vector<16xf32>,
      %gather3A_488 = tpu.vector_load_idx %arg13[%add3A_273, %broadcast_in_dim3A_485] : memref<512x32xf32, #tpu.memory_space<vmem>>[vector<16xi32>, vector<16xi32>], vector<16xf32>,
      %mul3A_489 = arith.mulf %gather3A_486, %gather3A_487 : vector<16xf32>
      %add3A_490 = arith.addf %add3A_481, %mul3A_489 : vector<16xf32>
      %mul3A_491 = arith.mulf %gather3A_486, %gather3A_488 : vector<16xf32>
      %add3A_492 = arith.addf %add3A_483, %mul3A_491 : vector<16xf32>
      %broadcast_in_dim3A_493 = arith.constant 24 : i32
      %broadcast_in_dim3A_494 = vector.broadcast %broadcast_in_dim3A_493 : i32 to vector<16xi32>
      %gather3A_495 = tpu.vector_load_idx %arg11[%add3A_273, %broadcast_in_dim3A_494] : memref<512x32xf32, #tpu.memory_space<vmem>>[vector<16xi32>, vector<16xi32>], vector<16xf32>,
      %gather3A_496 = tpu.vector_load_idx %arg12[%add3A_273, %broadcast_in_dim3A_494] : memref<512x32xf32, #tpu.memory_space<vmem>>[vector<16xi32>, vector<16xi32>], vector<16xf32>,
      %gather3A_497 = tpu.vector_load_idx %arg13[%add3A_273, %broadcast_in_dim3A_494] : memref<512x32xf32, #tpu.memory_space<vmem>>[vector<16xi32>, vector<16xi32>], vector<16xf32>,
      %mul3A_498 = arith.mulf %gather3A_495, %gather3A_496 : vector<16xf32>
      %add3A_499 = arith.addf %add3A_490, %mul3A_498 : vector<16xf32>
      %mul3A_500 = arith.mulf %gather3A_495, %gather3A_497 : vector<16xf32>
      %add3A_501 = arith.addf %add3A_492, %mul3A_500 : vector<16xf32>
      %broadcast_in_dim3A_502 = arith.constant 25 : i32
      %broadcast_in_dim3A_503 = vector.broadcast %broadcast_in_dim3A_502 : i32 to vector<16xi32>
      %gather3A_504 = tpu.vector_load_idx %arg11[%add3A_273, %broadcast_in_dim3A_503] : memref<512x32xf32, #tpu.memory_space<vmem>>[vector<16xi32>, vector<16xi32>], vector<16xf32>,
      %gather3A_505 = tpu.vector_load_idx %arg12[%add3A_273, %broadcast_in_dim3A_503] : memref<512x32xf32, #tpu.memory_space<vmem>>[vector<16xi32>, vector<16xi32>], vector<16xf32>,
      %gather3A_506 = tpu.vector_load_idx %arg13[%add3A_273, %broadcast_in_dim3A_503] : memref<512x32xf32, #tpu.memory_space<vmem>>[vector<16xi32>, vector<16xi32>], vector<16xf32>,
      %mul3A_507 = arith.mulf %gather3A_504, %gather3A_505 : vector<16xf32>
      %add3A_508 = arith.addf %add3A_499, %mul3A_507 : vector<16xf32>
      %mul3A_509 = arith.mulf %gather3A_504, %gather3A_506 : vector<16xf32>
      %add3A_510 = arith.addf %add3A_501, %mul3A_509 : vector<16xf32>
      %broadcast_in_dim3A_511 = arith.constant 26 : i32
      %broadcast_in_dim3A_512 = vector.broadcast %broadcast_in_dim3A_511 : i32 to vector<16xi32>
      %gather3A_513 = tpu.vector_load_idx %arg11[%add3A_273, %broadcast_in_dim3A_512] : memref<512x32xf32, #tpu.memory_space<vmem>>[vector<16xi32>, vector<16xi32>], vector<16xf32>,
      %gather3A_514 = tpu.vector_load_idx %arg12[%add3A_273, %broadcast_in_dim3A_512] : memref<512x32xf32, #tpu.memory_space<vmem>>[vector<16xi32>, vector<16xi32>], vector<16xf32>,
      %gather3A_515 = tpu.vector_load_idx %arg13[%add3A_273, %broadcast_in_dim3A_512] : memref<512x32xf32, #tpu.memory_space<vmem>>[vector<16xi32>, vector<16xi32>], vector<16xf32>,
      %mul3A_516 = arith.mulf %gather3A_513, %gather3A_514 : vector<16xf32>
      %add3A_517 = arith.addf %add3A_508, %mul3A_516 : vector<16xf32>
      %mul3A_518 = arith.mulf %gather3A_513, %gather3A_515 : vector<16xf32>
      %add3A_519 = arith.addf %add3A_510, %mul3A_518 : vector<16xf32>
      %broadcast_in_dim3A_520 = arith.constant 27 : i32
      %broadcast_in_dim3A_521 = vector.broadcast %broadcast_in_dim3A_520 : i32 to vector<16xi32>
      %gather3A_522 = tpu.vector_load_idx %arg11[%add3A_273, %broadcast_in_dim3A_521] : memref<512x32xf32, #tpu.memory_space<vmem>>[vector<16xi32>, vector<16xi32>], vector<16xf32>,
      %gather3A_523 = tpu.vector_load_idx %arg12[%add3A_273, %broadcast_in_dim3A_521] : memref<512x32xf32, #tpu.memory_space<vmem>>[vector<16xi32>, vector<16xi32>], vector<16xf32>,
      %gather3A_524 = tpu.vector_load_idx %arg13[%add3A_273, %broadcast_in_dim3A_521] : memref<512x32xf32, #tpu.memory_space<vmem>>[vector<16xi32>, vector<16xi32>], vector<16xf32>,
      %mul3A_525 = arith.mulf %gather3A_522, %gather3A_523 : vector<16xf32>
      %add3A_526 = arith.addf %add3A_517, %mul3A_525 : vector<16xf32>
      %mul3A_527 = arith.mulf %gather3A_522, %gather3A_524 : vector<16xf32>
      %add3A_528 = arith.addf %add3A_519, %mul3A_527 : vector<16xf32>
      %broadcast_in_dim3A_529 = arith.constant 28 : i32
      %broadcast_in_dim3A_530 = vector.broadcast %broadcast_in_dim3A_529 : i32 to vector<16xi32>
      %gather3A_531 = tpu.vector_load_idx %arg11[%add3A_273, %broadcast_in_dim3A_530] : memref<512x32xf32, #tpu.memory_space<vmem>>[vector<16xi32>, vector<16xi32>], vector<16xf32>,
      %gather3A_532 = tpu.vector_load_idx %arg12[%add3A_273, %broadcast_in_dim3A_530] : memref<512x32xf32, #tpu.memory_space<vmem>>[vector<16xi32>, vector<16xi32>], vector<16xf32>,
      %gather3A_533 = tpu.vector_load_idx %arg13[%add3A_273, %broadcast_in_dim3A_530] : memref<512x32xf32, #tpu.memory_space<vmem>>[vector<16xi32>, vector<16xi32>], vector<16xf32>,
      %mul3A_534 = arith.mulf %gather3A_531, %gather3A_532 : vector<16xf32>
      %add3A_535 = arith.addf %add3A_526, %mul3A_534 : vector<16xf32>
      %mul3A_536 = arith.mulf %gather3A_531, %gather3A_533 : vector<16xf32>
      %add3A_537 = arith.addf %add3A_528, %mul3A_536 : vector<16xf32>
      %broadcast_in_dim3A_538 = arith.constant 29 : i32
      %broadcast_in_dim3A_539 = vector.broadcast %broadcast_in_dim3A_538 : i32 to vector<16xi32>
      %gather3A_540 = tpu.vector_load_idx %arg11[%add3A_273, %broadcast_in_dim3A_539] : memref<512x32xf32, #tpu.memory_space<vmem>>[vector<16xi32>, vector<16xi32>], vector<16xf32>,
      %gather3A_541 = tpu.vector_load_idx %arg12[%add3A_273, %broadcast_in_dim3A_539] : memref<512x32xf32, #tpu.memory_space<vmem>>[vector<16xi32>, vector<16xi32>], vector<16xf32>,
      %gather3A_542 = tpu.vector_load_idx %arg13[%add3A_273, %broadcast_in_dim3A_539] : memref<512x32xf32, #tpu.memory_space<vmem>>[vector<16xi32>, vector<16xi32>], vector<16xf32>,
      %mul3A_543 = arith.mulf %gather3A_540, %gather3A_541 : vector<16xf32>
      %add3A_544 = arith.addf %add3A_535, %mul3A_543 : vector<16xf32>
      %mul3A_545 = arith.mulf %gather3A_540, %gather3A_542 : vector<16xf32>
      %add3A_546 = arith.addf %add3A_537, %mul3A_545 : vector<16xf32>
      %broadcast_in_dim3A_547 = arith.constant 30 : i32
      %broadcast_in_dim3A_548 = vector.broadcast %broadcast_in_dim3A_547 : i32 to vector<16xi32>
      %gather3A_549 = tpu.vector_load_idx %arg11[%add3A_273, %broadcast_in_dim3A_548] : memref<512x32xf32, #tpu.memory_space<vmem>>[vector<16xi32>, vector<16xi32>], vector<16xf32>,
      %gather3A_550 = tpu.vector_load_idx %arg12[%add3A_273, %broadcast_in_dim3A_548] : memref<512x32xf32, #tpu.memory_space<vmem>>[vector<16xi32>, vector<16xi32>], vector<16xf32>,
      %gather3A_551 = tpu.vector_load_idx %arg13[%add3A_273, %broadcast_in_dim3A_548] : memref<512x32xf32, #tpu.memory_space<vmem>>[vector<16xi32>, vector<16xi32>], vector<16xf32>,
      %mul3A_552 = arith.mulf %gather3A_549, %gather3A_550 : vector<16xf32>
      %add3A_553 = arith.addf %add3A_544, %mul3A_552 : vector<16xf32>
      %mul3A_554 = arith.mulf %gather3A_549, %gather3A_551 : vector<16xf32>
      %add3A_555 = arith.addf %add3A_546, %mul3A_554 : vector<16xf32>
      %broadcast_in_dim3A_556 = arith.constant 31 : i32
      %broadcast_in_dim3A_557 = vector.broadcast %broadcast_in_dim3A_556 : i32 to vector<16xi32>
      %gather3A_558 = tpu.vector_load_idx %arg11[%add3A_273, %broadcast_in_dim3A_557] : memref<512x32xf32, #tpu.memory_space<vmem>>[vector<16xi32>, vector<16xi32>], vector<16xf32>,
      %gather3A_559 = tpu.vector_load_idx %arg12[%add3A_273, %broadcast_in_dim3A_557] : memref<512x32xf32, #tpu.memory_space<vmem>>[vector<16xi32>, vector<16xi32>], vector<16xf32>,
      %gather3A_560 = tpu.vector_load_idx %arg13[%add3A_273, %broadcast_in_dim3A_557] : memref<512x32xf32, #tpu.memory_space<vmem>>[vector<16xi32>, vector<16xi32>], vector<16xf32>,
      %mul3A_561 = arith.mulf %gather3A_558, %gather3A_559 : vector<16xf32>
      %add3A_562 = arith.addf %add3A_553, %mul3A_561 : vector<16xf32>
      %mul3A_563 = arith.mulf %gather3A_558, %gather3A_560 : vector<16xf32>
      %add3A_564 = arith.addf %add3A_555, %mul3A_563 : vector<16xf32>
      tpu.vector_store_idx %arg14[%add3A_273, %broadcast_in_dim3A_122], %add3A_562 : memref<512x2xf32, #tpu.memory_space<vmem>>[vector<16xi32>, vector<16xi32>], vector<16xf32>,
      tpu.vector_store_idx %arg14[%add3A_273, %broadcast_in_dim3A_124], %add3A_564 : memref<512x2xf32, #tpu.memory_space<vmem>>[vector<16xi32>, vector<16xi32>], vector<16xf32>,
    }
    %scan3A_194 = arith.constant 8 : i32
    %dma_wait3A_195 = arith.constant 2 : i32
    %dma_wait3A_196 = arith.constant 256 : i32
    %dma_wait3A_197 = arith.constant 0 : i32
    %dma_wait3A_198 = tpu.memref_slice %arg11[%dma_wait3A_196, %dma_wait3A_197] : memref<512x32xf32, #tpu.memory_space<vmem>> -> memref<128x32xf32, #tpu.memory_space<vmem>>
    %dma_wait3A_199 = arith.constant 0 : i32
    %dma_wait3A_200 = tpu.memref_slice %arg8[%dma_wait3A_195, %dma_wait3A_199] : memref<4x128xi32, #tpu.memory_space<vmem>> -> memref<1x128xi32, #tpu.memory_space<vmem>>
    %dma_wait3A_201 = tpu.memref_squeeze %dma_wait3A_200 : memref<1x128xi32, #tpu.memory_space<vmem>> -> memref<128xi32, #tpu.memory_space<vmem>>
    %dma_wait3A_202 = arith.constant 0 : i32
    %dma_wait3A_203 = arith.constant 0 : i32
    %dma_wait3A_204 = tpu.memref_slice %arg5[%dma_wait3A_202, %dma_wait3A_203] : memref<1000000x32xf32, #tpu.memory_space<hbm>> -> memref<1000000x32xf32, #tpu.memory_space<hbm>>
    tpu.wait_indirect_dma semaphore(%arg17 : memref<!tpu.dma_semaphore, #tpu.memory_space<semaphore_mem>>) src(%dma_wait3A_204 : memref<1000000x32xf32, #tpu.memory_space<hbm>>) dst(%dma_wait3A_198 : memref<128x32xf32, #tpu.memory_space<vmem>>)
    %dma_wait3A_205 = arith.constant 2 : i32
    %dma_wait3A_206 = arith.constant 256 : i32
    %dma_wait3A_207 = arith.constant 0 : i32
    %dma_wait3A_208 = tpu.memref_slice %arg12[%dma_wait3A_206, %dma_wait3A_207] : memref<512x32xf32, #tpu.memory_space<vmem>> -> memref<128x32xf32, #tpu.memory_space<vmem>>
    %dma_wait3A_209 = arith.constant 0 : i32
    %dma_wait3A_210 = tpu.memref_slice %arg9[%dma_wait3A_205, %dma_wait3A_209] : memref<4x128xi32, #tpu.memory_space<vmem>> -> memref<1x128xi32, #tpu.memory_space<vmem>>
    %dma_wait3A_211 = tpu.memref_squeeze %dma_wait3A_210 : memref<1x128xi32, #tpu.memory_space<vmem>> -> memref<128xi32, #tpu.memory_space<vmem>>
    %dma_wait3A_212 = arith.constant 0 : i32
    %dma_wait3A_213 = arith.constant 0 : i32
    %dma_wait3A_214 = tpu.memref_slice %arg6[%dma_wait3A_212, %dma_wait3A_213] : memref<1000000x32xf32, #tpu.memory_space<hbm>> -> memref<1000000x32xf32, #tpu.memory_space<hbm>>
    tpu.wait_indirect_dma semaphore(%arg17 : memref<!tpu.dma_semaphore, #tpu.memory_space<semaphore_mem>>) src(%dma_wait3A_214 : memref<1000000x32xf32, #tpu.memory_space<hbm>>) dst(%dma_wait3A_208 : memref<128x32xf32, #tpu.memory_space<vmem>>)
    %dma_wait3A_215 = arith.constant 2 : i32
    %dma_wait3A_216 = arith.constant 256 : i32
    %dma_wait3A_217 = arith.constant 0 : i32
    %dma_wait3A_218 = tpu.memref_slice %arg13[%dma_wait3A_216, %dma_wait3A_217] : memref<512x32xf32, #tpu.memory_space<vmem>> -> memref<128x32xf32, #tpu.memory_space<vmem>>
    %dma_wait3A_219 = arith.constant 0 : i32
    %dma_wait3A_220 = tpu.memref_slice %arg10[%dma_wait3A_215, %dma_wait3A_219] : memref<4x128xi32, #tpu.memory_space<vmem>> -> memref<1x128xi32, #tpu.memory_space<vmem>>
    %dma_wait3A_221 = tpu.memref_squeeze %dma_wait3A_220 : memref<1x128xi32, #tpu.memory_space<vmem>> -> memref<128xi32, #tpu.memory_space<vmem>>
    %dma_wait3A_222 = arith.constant 0 : i32
    %dma_wait3A_223 = arith.constant 0 : i32
    %dma_wait3A_224 = tpu.memref_slice %arg6[%dma_wait3A_222, %dma_wait3A_223] : memref<1000000x32xf32, #tpu.memory_space<hbm>> -> memref<1000000x32xf32, #tpu.memory_space<hbm>>
    tpu.wait_indirect_dma semaphore(%arg17 : memref<!tpu.dma_semaphore, #tpu.memory_space<semaphore_mem>>) src(%dma_wait3A_224 : memref<1000000x32xf32, #tpu.memory_space<hbm>>) dst(%dma_wait3A_218 : memref<128x32xf32, #tpu.memory_space<vmem>>)
    %scan3A_225 = arith.constant 0 : i32
    %scan3A_226 = arith.constant 0 : i32
    %scan3A_227 = arith.constant 8 : i32
    %scan3A_228 = arith.addi %scan3A_226, %scan3A_227 : i32
    %scan3A_229 = arith.constant 1 : i32
    scf.for %scan3A_267 = %scan3A_226 to %scan3A_228 step %scan3A_229  : i32 {
      %mul3A_268 = arith.constant 16 : i32
      %mul3A_269 = arith.muli %scan3A_267, %mul3A_268 : i32
      %add3A_270 = arith.constant 256 : i32
      %add3A_271 = arith.addi %add3A_270, %mul3A_269 : i32
      %add3A_272 = vector.broadcast %add3A_271 : i32 to vector<16xi32>
      %add3A_273 = arith.addi %add3A_272, %iota3A : vector<16xi32>
      %broadcast_in_dim3A_274 = arith.constant 0.000000e+00 : f32
      %broadcast_in_dim3A_275 = vector.broadcast %broadcast_in_dim3A_274 : f32 to vector<16xf32>
      %broadcast_in_dim3A_276 = arith.constant 0.000000e+00 : f32
      %broadcast_in_dim3A_277 = vector.broadcast %broadcast_in_dim3A_276 : f32 to vector<16xf32>
      %broadcast_in_dim3A_278 = arith.constant 0 : i32
      %broadcast_in_dim3A_279 = vector.broadcast %broadcast_in_dim3A_278 : i32 to vector<16xi32>
      %gather3A = tpu.vector_load_idx %arg11[%add3A_273, %broadcast_in_dim3A_279] : memref<512x32xf32, #tpu.memory_space<vmem>>[vector<16xi32>, vector<16xi32>], vector<16xf32>,
      %gather3A_280 = tpu.vector_load_idx %arg12[%add3A_273, %broadcast_in_dim3A_279] : memref<512x32xf32, #tpu.memory_space<vmem>>[vector<16xi32>, vector<16xi32>], vector<16xf32>,
      %gather3A_281 = tpu.vector_load_idx %arg13[%add3A_273, %broadcast_in_dim3A_279] : memref<512x32xf32, #tpu.memory_space<vmem>>[vector<16xi32>, vector<16xi32>], vector<16xf32>,
      %mul3A_282 = arith.mulf %gather3A, %gather3A_280 : vector<16xf32>
      %add3A_283 = arith.addf %broadcast_in_dim3A_275, %mul3A_282 : vector<16xf32>
      %mul3A_284 = arith.mulf %gather3A, %gather3A_281 : vector<16xf32>
      %add3A_285 = arith.addf %broadcast_in_dim3A_277, %mul3A_284 : vector<16xf32>
      %broadcast_in_dim3A_286 = arith.constant 1 : i32
      %broadcast_in_dim3A_287 = vector.broadcast %broadcast_in_dim3A_286 : i32 to vector<16xi32>
      %gather3A_288 = tpu.vector_load_idx %arg11[%add3A_273, %broadcast_in_dim3A_287] : memref<512x32xf32, #tpu.memory_space<vmem>>[vector<16xi32>, vector<16xi32>], vector<16xf32>,
      %gather3A_289 = tpu.vector_load_idx %arg12[%add3A_273, %broadcast_in_dim3A_287] : memref<512x32xf32, #tpu.memory_space<vmem>>[vector<16xi32>, vector<16xi32>], vector<16xf32>,
      %gather3A_290 = tpu.vector_load_idx %arg13[%add3A_273, %broadcast_in_dim3A_287] : memref<512x32xf32, #tpu.memory_space<vmem>>[vector<16xi32>, vector<16xi32>], vector<16xf32>,
      %mul3A_291 = arith.mulf %gather3A_288, %gather3A_289 : vector<16xf32>
      %add3A_292 = arith.addf %add3A_283, %mul3A_291 : vector<16xf32>
      %mul3A_293 = arith.mulf %gather3A_288, %gather3A_290 : vector<16xf32>
      %add3A_294 = arith.addf %add3A_285, %mul3A_293 : vector<16xf32>
      %broadcast_in_dim3A_295 = arith.constant 2 : i32
      %broadcast_in_dim3A_296 = vector.broadcast %broadcast_in_dim3A_295 : i32 to vector<16xi32>
      %gather3A_297 = tpu.vector_load_idx %arg11[%add3A_273, %broadcast_in_dim3A_296] : memref<512x32xf32, #tpu.memory_space<vmem>>[vector<16xi32>, vector<16xi32>], vector<16xf32>,
      %gather3A_298 = tpu.vector_load_idx %arg12[%add3A_273, %broadcast_in_dim3A_296] : memref<512x32xf32, #tpu.memory_space<vmem>>[vector<16xi32>, vector<16xi32>], vector<16xf32>,
      %gather3A_299 = tpu.vector_load_idx %arg13[%add3A_273, %broadcast_in_dim3A_296] : memref<512x32xf32, #tpu.memory_space<vmem>>[vector<16xi32>, vector<16xi32>], vector<16xf32>,
      %mul3A_300 = arith.mulf %gather3A_297, %gather3A_298 : vector<16xf32>
      %add3A_301 = arith.addf %add3A_292, %mul3A_300 : vector<16xf32>
      %mul3A_302 = arith.mulf %gather3A_297, %gather3A_299 : vector<16xf32>
      %add3A_303 = arith.addf %add3A_294, %mul3A_302 : vector<16xf32>
      %broadcast_in_dim3A_304 = arith.constant 3 : i32
      %broadcast_in_dim3A_305 = vector.broadcast %broadcast_in_dim3A_304 : i32 to vector<16xi32>
      %gather3A_306 = tpu.vector_load_idx %arg11[%add3A_273, %broadcast_in_dim3A_305] : memref<512x32xf32, #tpu.memory_space<vmem>>[vector<16xi32>, vector<16xi32>], vector<16xf32>,
      %gather3A_307 = tpu.vector_load_idx %arg12[%add3A_273, %broadcast_in_dim3A_305] : memref<512x32xf32, #tpu.memory_space<vmem>>[vector<16xi32>, vector<16xi32>], vector<16xf32>,
      %gather3A_308 = tpu.vector_load_idx %arg13[%add3A_273, %broadcast_in_dim3A_305] : memref<512x32xf32, #tpu.memory_space<vmem>>[vector<16xi32>, vector<16xi32>], vector<16xf32>,
      %mul3A_309 = arith.mulf %gather3A_306, %gather3A_307 : vector<16xf32>
      %add3A_310 = arith.addf %add3A_301, %mul3A_309 : vector<16xf32>
      %mul3A_311 = arith.mulf %gather3A_306, %gather3A_308 : vector<16xf32>
      %add3A_312 = arith.addf %add3A_303, %mul3A_311 : vector<16xf32>
      %broadcast_in_dim3A_313 = arith.constant 4 : i32
      %broadcast_in_dim3A_314 = vector.broadcast %broadcast_in_dim3A_313 : i32 to vector<16xi32>
      %gather3A_315 = tpu.vector_load_idx %arg11[%add3A_273, %broadcast_in_dim3A_314] : memref<512x32xf32, #tpu.memory_space<vmem>>[vector<16xi32>, vector<16xi32>], vector<16xf32>,
      %gather3A_316 = tpu.vector_load_idx %arg12[%add3A_273, %broadcast_in_dim3A_314] : memref<512x32xf32, #tpu.memory_space<vmem>>[vector<16xi32>, vector<16xi32>], vector<16xf32>,
      %gather3A_317 = tpu.vector_load_idx %arg13[%add3A_273, %broadcast_in_dim3A_314] : memref<512x32xf32, #tpu.memory_space<vmem>>[vector<16xi32>, vector<16xi32>], vector<16xf32>,
      %mul3A_318 = arith.mulf %gather3A_315, %gather3A_316 : vector<16xf32>
      %add3A_319 = arith.addf %add3A_310, %mul3A_318 : vector<16xf32>
      %mul3A_320 = arith.mulf %gather3A_315, %gather3A_317 : vector<16xf32>
      %add3A_321 = arith.addf %add3A_312, %mul3A_320 : vector<16xf32>
      %broadcast_in_dim3A_322 = arith.constant 5 : i32
      %broadcast_in_dim3A_323 = vector.broadcast %broadcast_in_dim3A_322 : i32 to vector<16xi32>
      %gather3A_324 = tpu.vector_load_idx %arg11[%add3A_273, %broadcast_in_dim3A_323] : memref<512x32xf32, #tpu.memory_space<vmem>>[vector<16xi32>, vector<16xi32>], vector<16xf32>,
      %gather3A_325 = tpu.vector_load_idx %arg12[%add3A_273, %broadcast_in_dim3A_323] : memref<512x32xf32, #tpu.memory_space<vmem>>[vector<16xi32>, vector<16xi32>], vector<16xf32>,
      %gather3A_326 = tpu.vector_load_idx %arg13[%add3A_273, %broadcast_in_dim3A_323] : memref<512x32xf32, #tpu.memory_space<vmem>>[vector<16xi32>, vector<16xi32>], vector<16xf32>,
      %mul3A_327 = arith.mulf %gather3A_324, %gather3A_325 : vector<16xf32>
      %add3A_328 = arith.addf %add3A_319, %mul3A_327 : vector<16xf32>
      %mul3A_329 = arith.mulf %gather3A_324, %gather3A_326 : vector<16xf32>
      %add3A_330 = arith.addf %add3A_321, %mul3A_329 : vector<16xf32>
      %broadcast_in_dim3A_331 = arith.constant 6 : i32
      %broadcast_in_dim3A_332 = vector.broadcast %broadcast_in_dim3A_331 : i32 to vector<16xi32>
      %gather3A_333 = tpu.vector_load_idx %arg11[%add3A_273, %broadcast_in_dim3A_332] : memref<512x32xf32, #tpu.memory_space<vmem>>[vector<16xi32>, vector<16xi32>], vector<16xf32>,
      %gather3A_334 = tpu.vector_load_idx %arg12[%add3A_273, %broadcast_in_dim3A_332] : memref<512x32xf32, #tpu.memory_space<vmem>>[vector<16xi32>, vector<16xi32>], vector<16xf32>,
      %gather3A_335 = tpu.vector_load_idx %arg13[%add3A_273, %broadcast_in_dim3A_332] : memref<512x32xf32, #tpu.memory_space<vmem>>[vector<16xi32>, vector<16xi32>], vector<16xf32>,
      %mul3A_336 = arith.mulf %gather3A_333, %gather3A_334 : vector<16xf32>
      %add3A_337 = arith.addf %add3A_328, %mul3A_336 : vector<16xf32>
      %mul3A_338 = arith.mulf %gather3A_333, %gather3A_335 : vector<16xf32>
      %add3A_339 = arith.addf %add3A_330, %mul3A_338 : vector<16xf32>
      %broadcast_in_dim3A_340 = arith.constant 7 : i32
      %broadcast_in_dim3A_341 = vector.broadcast %broadcast_in_dim3A_340 : i32 to vector<16xi32>
      %gather3A_342 = tpu.vector_load_idx %arg11[%add3A_273, %broadcast_in_dim3A_341] : memref<512x32xf32, #tpu.memory_space<vmem>>[vector<16xi32>, vector<16xi32>], vector<16xf32>,
      %gather3A_343 = tpu.vector_load_idx %arg12[%add3A_273, %broadcast_in_dim3A_341] : memref<512x32xf32, #tpu.memory_space<vmem>>[vector<16xi32>, vector<16xi32>], vector<16xf32>,
      %gather3A_344 = tpu.vector_load_idx %arg13[%add3A_273, %broadcast_in_dim3A_341] : memref<512x32xf32, #tpu.memory_space<vmem>>[vector<16xi32>, vector<16xi32>], vector<16xf32>,
      %mul3A_345 = arith.mulf %gather3A_342, %gather3A_343 : vector<16xf32>
      %add3A_346 = arith.addf %add3A_337, %mul3A_345 : vector<16xf32>
      %mul3A_347 = arith.mulf %gather3A_342, %gather3A_344 : vector<16xf32>
      %add3A_348 = arith.addf %add3A_339, %mul3A_347 : vector<16xf32>
      %broadcast_in_dim3A_349 = arith.constant 8 : i32
      %broadcast_in_dim3A_350 = vector.broadcast %broadcast_in_dim3A_349 : i32 to vector<16xi32>
      %gather3A_351 = tpu.vector_load_idx %arg11[%add3A_273, %broadcast_in_dim3A_350] : memref<512x32xf32, #tpu.memory_space<vmem>>[vector<16xi32>, vector<16xi32>], vector<16xf32>,
      %gather3A_352 = tpu.vector_load_idx %arg12[%add3A_273, %broadcast_in_dim3A_350] : memref<512x32xf32, #tpu.memory_space<vmem>>[vector<16xi32>, vector<16xi32>], vector<16xf32>,
      %gather3A_353 = tpu.vector_load_idx %arg13[%add3A_273, %broadcast_in_dim3A_350] : memref<512x32xf32, #tpu.memory_space<vmem>>[vector<16xi32>, vector<16xi32>], vector<16xf32>,
      %mul3A_354 = arith.mulf %gather3A_351, %gather3A_352 : vector<16xf32>
      %add3A_355 = arith.addf %add3A_346, %mul3A_354 : vector<16xf32>
      %mul3A_356 = arith.mulf %gather3A_351, %gather3A_353 : vector<16xf32>
      %add3A_357 = arith.addf %add3A_348, %mul3A_356 : vector<16xf32>
      %broadcast_in_dim3A_358 = arith.constant 9 : i32
      %broadcast_in_dim3A_359 = vector.broadcast %broadcast_in_dim3A_358 : i32 to vector<16xi32>
      %gather3A_360 = tpu.vector_load_idx %arg11[%add3A_273, %broadcast_in_dim3A_359] : memref<512x32xf32, #tpu.memory_space<vmem>>[vector<16xi32>, vector<16xi32>], vector<16xf32>,
      %gather3A_361 = tpu.vector_load_idx %arg12[%add3A_273, %broadcast_in_dim3A_359] : memref<512x32xf32, #tpu.memory_space<vmem>>[vector<16xi32>, vector<16xi32>], vector<16xf32>,
      %gather3A_362 = tpu.vector_load_idx %arg13[%add3A_273, %broadcast_in_dim3A_359] : memref<512x32xf32, #tpu.memory_space<vmem>>[vector<16xi32>, vector<16xi32>], vector<16xf32>,
      %mul3A_363 = arith.mulf %gather3A_360, %gather3A_361 : vector<16xf32>
      %add3A_364 = arith.addf %add3A_355, %mul3A_363 : vector<16xf32>
      %mul3A_365 = arith.mulf %gather3A_360, %gather3A_362 : vector<16xf32>
      %add3A_366 = arith.addf %add3A_357, %mul3A_365 : vector<16xf32>
      %broadcast_in_dim3A_367 = arith.constant 10 : i32
      %broadcast_in_dim3A_368 = vector.broadcast %broadcast_in_dim3A_367 : i32 to vector<16xi32>
      %gather3A_369 = tpu.vector_load_idx %arg11[%add3A_273, %broadcast_in_dim3A_368] : memref<512x32xf32, #tpu.memory_space<vmem>>[vector<16xi32>, vector<16xi32>], vector<16xf32>,
      %gather3A_370 = tpu.vector_load_idx %arg12[%add3A_273, %broadcast_in_dim3A_368] : memref<512x32xf32, #tpu.memory_space<vmem>>[vector<16xi32>, vector<16xi32>], vector<16xf32>,
      %gather3A_371 = tpu.vector_load_idx %arg13[%add3A_273, %broadcast_in_dim3A_368] : memref<512x32xf32, #tpu.memory_space<vmem>>[vector<16xi32>, vector<16xi32>], vector<16xf32>,
      %mul3A_372 = arith.mulf %gather3A_369, %gather3A_370 : vector<16xf32>
      %add3A_373 = arith.addf %add3A_364, %mul3A_372 : vector<16xf32>
      %mul3A_374 = arith.mulf %gather3A_369, %gather3A_371 : vector<16xf32>
      %add3A_375 = arith.addf %add3A_366, %mul3A_374 : vector<16xf32>
      %broadcast_in_dim3A_376 = arith.constant 11 : i32
      %broadcast_in_dim3A_377 = vector.broadcast %broadcast_in_dim3A_376 : i32 to vector<16xi32>
      %gather3A_378 = tpu.vector_load_idx %arg11[%add3A_273, %broadcast_in_dim3A_377] : memref<512x32xf32, #tpu.memory_space<vmem>>[vector<16xi32>, vector<16xi32>], vector<16xf32>,
      %gather3A_379 = tpu.vector_load_idx %arg12[%add3A_273, %broadcast_in_dim3A_377] : memref<512x32xf32, #tpu.memory_space<vmem>>[vector<16xi32>, vector<16xi32>], vector<16xf32>,
      %gather3A_380 = tpu.vector_load_idx %arg13[%add3A_273, %broadcast_in_dim3A_377] : memref<512x32xf32, #tpu.memory_space<vmem>>[vector<16xi32>, vector<16xi32>], vector<16xf32>,
      %mul3A_381 = arith.mulf %gather3A_378, %gather3A_379 : vector<16xf32>
      %add3A_382 = arith.addf %add3A_373, %mul3A_381 : vector<16xf32>
      %mul3A_383 = arith.mulf %gather3A_378, %gather3A_380 : vector<16xf32>
      %add3A_384 = arith.addf %add3A_375, %mul3A_383 : vector<16xf32>
      %broadcast_in_dim3A_385 = arith.constant 12 : i32
      %broadcast_in_dim3A_386 = vector.broadcast %broadcast_in_dim3A_385 : i32 to vector<16xi32>
      %gather3A_387 = tpu.vector_load_idx %arg11[%add3A_273, %broadcast_in_dim3A_386] : memref<512x32xf32, #tpu.memory_space<vmem>>[vector<16xi32>, vector<16xi32>], vector<16xf32>,
      %gather3A_388 = tpu.vector_load_idx %arg12[%add3A_273, %broadcast_in_dim3A_386] : memref<512x32xf32, #tpu.memory_space<vmem>>[vector<16xi32>, vector<16xi32>], vector<16xf32>,
      %gather3A_389 = tpu.vector_load_idx %arg13[%add3A_273, %broadcast_in_dim3A_386] : memref<512x32xf32, #tpu.memory_space<vmem>>[vector<16xi32>, vector<16xi32>], vector<16xf32>,
      %mul3A_390 = arith.mulf %gather3A_387, %gather3A_388 : vector<16xf32>
      %add3A_391 = arith.addf %add3A_382, %mul3A_390 : vector<16xf32>
      %mul3A_392 = arith.mulf %gather3A_387, %gather3A_389 : vector<16xf32>
      %add3A_393 = arith.addf %add3A_384, %mul3A_392 : vector<16xf32>
      %broadcast_in_dim3A_394 = arith.constant 13 : i32
      %broadcast_in_dim3A_395 = vector.broadcast %broadcast_in_dim3A_394 : i32 to vector<16xi32>
      %gather3A_396 = tpu.vector_load_idx %arg11[%add3A_273, %broadcast_in_dim3A_395] : memref<512x32xf32, #tpu.memory_space<vmem>>[vector<16xi32>, vector<16xi32>], vector<16xf32>,
      %gather3A_397 = tpu.vector_load_idx %arg12[%add3A_273, %broadcast_in_dim3A_395] : memref<512x32xf32, #tpu.memory_space<vmem>>[vector<16xi32>, vector<16xi32>], vector<16xf32>,
      %gather3A_398 = tpu.vector_load_idx %arg13[%add3A_273, %broadcast_in_dim3A_395] : memref<512x32xf32, #tpu.memory_space<vmem>>[vector<16xi32>, vector<16xi32>], vector<16xf32>,
      %mul3A_399 = arith.mulf %gather3A_396, %gather3A_397 : vector<16xf32>
      %add3A_400 = arith.addf %add3A_391, %mul3A_399 : vector<16xf32>
      %mul3A_401 = arith.mulf %gather3A_396, %gather3A_398 : vector<16xf32>
      %add3A_402 = arith.addf %add3A_393, %mul3A_401 : vector<16xf32>
      %broadcast_in_dim3A_403 = arith.constant 14 : i32
      %broadcast_in_dim3A_404 = vector.broadcast %broadcast_in_dim3A_403 : i32 to vector<16xi32>
      %gather3A_405 = tpu.vector_load_idx %arg11[%add3A_273, %broadcast_in_dim3A_404] : memref<512x32xf32, #tpu.memory_space<vmem>>[vector<16xi32>, vector<16xi32>], vector<16xf32>,
      %gather3A_406 = tpu.vector_load_idx %arg12[%add3A_273, %broadcast_in_dim3A_404] : memref<512x32xf32, #tpu.memory_space<vmem>>[vector<16xi32>, vector<16xi32>], vector<16xf32>,
      %gather3A_407 = tpu.vector_load_idx %arg13[%add3A_273, %broadcast_in_dim3A_404] : memref<512x32xf32, #tpu.memory_space<vmem>>[vector<16xi32>, vector<16xi32>], vector<16xf32>,
      %mul3A_408 = arith.mulf %gather3A_405, %gather3A_406 : vector<16xf32>
      %add3A_409 = arith.addf %add3A_400, %mul3A_408 : vector<16xf32>
      %mul3A_410 = arith.mulf %gather3A_405, %gather3A_407 : vector<16xf32>
      %add3A_411 = arith.addf %add3A_402, %mul3A_410 : vector<16xf32>
      %broadcast_in_dim3A_412 = arith.constant 15 : i32
      %broadcast_in_dim3A_413 = vector.broadcast %broadcast_in_dim3A_412 : i32 to vector<16xi32>
      %gather3A_414 = tpu.vector_load_idx %arg11[%add3A_273, %broadcast_in_dim3A_413] : memref<512x32xf32, #tpu.memory_space<vmem>>[vector<16xi32>, vector<16xi32>], vector<16xf32>,
      %gather3A_415 = tpu.vector_load_idx %arg12[%add3A_273, %broadcast_in_dim3A_413] : memref<512x32xf32, #tpu.memory_space<vmem>>[vector<16xi32>, vector<16xi32>], vector<16xf32>,
      %gather3A_416 = tpu.vector_load_idx %arg13[%add3A_273, %broadcast_in_dim3A_413] : memref<512x32xf32, #tpu.memory_space<vmem>>[vector<16xi32>, vector<16xi32>], vector<16xf32>,
      %mul3A_417 = arith.mulf %gather3A_414, %gather3A_415 : vector<16xf32>
      %add3A_418 = arith.addf %add3A_409, %mul3A_417 : vector<16xf32>
      %mul3A_419 = arith.mulf %gather3A_414, %gather3A_416 : vector<16xf32>
      %add3A_420 = arith.addf %add3A_411, %mul3A_419 : vector<16xf32>
      %broadcast_in_dim3A_421 = arith.constant 16 : i32
      %broadcast_in_dim3A_422 = vector.broadcast %broadcast_in_dim3A_421 : i32 to vector<16xi32>
      %gather3A_423 = tpu.vector_load_idx %arg11[%add3A_273, %broadcast_in_dim3A_422] : memref<512x32xf32, #tpu.memory_space<vmem>>[vector<16xi32>, vector<16xi32>], vector<16xf32>,
      %gather3A_424 = tpu.vector_load_idx %arg12[%add3A_273, %broadcast_in_dim3A_422] : memref<512x32xf32, #tpu.memory_space<vmem>>[vector<16xi32>, vector<16xi32>], vector<16xf32>,
      %gather3A_425 = tpu.vector_load_idx %arg13[%add3A_273, %broadcast_in_dim3A_422] : memref<512x32xf32, #tpu.memory_space<vmem>>[vector<16xi32>, vector<16xi32>], vector<16xf32>,
      %mul3A_426 = arith.mulf %gather3A_423, %gather3A_424 : vector<16xf32>
      %add3A_427 = arith.addf %add3A_418, %mul3A_426 : vector<16xf32>
      %mul3A_428 = arith.mulf %gather3A_423, %gather3A_425 : vector<16xf32>
      %add3A_429 = arith.addf %add3A_420, %mul3A_428 : vector<16xf32>
      %broadcast_in_dim3A_430 = arith.constant 17 : i32
      %broadcast_in_dim3A_431 = vector.broadcast %broadcast_in_dim3A_430 : i32 to vector<16xi32>
      %gather3A_432 = tpu.vector_load_idx %arg11[%add3A_273, %broadcast_in_dim3A_431] : memref<512x32xf32, #tpu.memory_space<vmem>>[vector<16xi32>, vector<16xi32>], vector<16xf32>,
      %gather3A_433 = tpu.vector_load_idx %arg12[%add3A_273, %broadcast_in_dim3A_431] : memref<512x32xf32, #tpu.memory_space<vmem>>[vector<16xi32>, vector<16xi32>], vector<16xf32>,
      %gather3A_434 = tpu.vector_load_idx %arg13[%add3A_273, %broadcast_in_dim3A_431] : memref<512x32xf32, #tpu.memory_space<vmem>>[vector<16xi32>, vector<16xi32>], vector<16xf32>,
      %mul3A_435 = arith.mulf %gather3A_432, %gather3A_433 : vector<16xf32>
      %add3A_436 = arith.addf %add3A_427, %mul3A_435 : vector<16xf32>
      %mul3A_437 = arith.mulf %gather3A_432, %gather3A_434 : vector<16xf32>
      %add3A_438 = arith.addf %add3A_429, %mul3A_437 : vector<16xf32>
      %broadcast_in_dim3A_439 = arith.constant 18 : i32
      %broadcast_in_dim3A_440 = vector.broadcast %broadcast_in_dim3A_439 : i32 to vector<16xi32>
      %gather3A_441 = tpu.vector_load_idx %arg11[%add3A_273, %broadcast_in_dim3A_440] : memref<512x32xf32, #tpu.memory_space<vmem>>[vector<16xi32>, vector<16xi32>], vector<16xf32>,
      %gather3A_442 = tpu.vector_load_idx %arg12[%add3A_273, %broadcast_in_dim3A_440] : memref<512x32xf32, #tpu.memory_space<vmem>>[vector<16xi32>, vector<16xi32>], vector<16xf32>,
      %gather3A_443 = tpu.vector_load_idx %arg13[%add3A_273, %broadcast_in_dim3A_440] : memref<512x32xf32, #tpu.memory_space<vmem>>[vector<16xi32>, vector<16xi32>], vector<16xf32>,
      %mul3A_444 = arith.mulf %gather3A_441, %gather3A_442 : vector<16xf32>
      %add3A_445 = arith.addf %add3A_436, %mul3A_444 : vector<16xf32>
      %mul3A_446 = arith.mulf %gather3A_441, %gather3A_443 : vector<16xf32>
      %add3A_447 = arith.addf %add3A_438, %mul3A_446 : vector<16xf32>
      %broadcast_in_dim3A_448 = arith.constant 19 : i32
      %broadcast_in_dim3A_449 = vector.broadcast %broadcast_in_dim3A_448 : i32 to vector<16xi32>
      %gather3A_450 = tpu.vector_load_idx %arg11[%add3A_273, %broadcast_in_dim3A_449] : memref<512x32xf32, #tpu.memory_space<vmem>>[vector<16xi32>, vector<16xi32>], vector<16xf32>,
      %gather3A_451 = tpu.vector_load_idx %arg12[%add3A_273, %broadcast_in_dim3A_449] : memref<512x32xf32, #tpu.memory_space<vmem>>[vector<16xi32>, vector<16xi32>], vector<16xf32>,
      %gather3A_452 = tpu.vector_load_idx %arg13[%add3A_273, %broadcast_in_dim3A_449] : memref<512x32xf32, #tpu.memory_space<vmem>>[vector<16xi32>, vector<16xi32>], vector<16xf32>,
      %mul3A_453 = arith.mulf %gather3A_450, %gather3A_451 : vector<16xf32>
      %add3A_454 = arith.addf %add3A_445, %mul3A_453 : vector<16xf32>
      %mul3A_455 = arith.mulf %gather3A_450, %gather3A_452 : vector<16xf32>
      %add3A_456 = arith.addf %add3A_447, %mul3A_455 : vector<16xf32>
      %broadcast_in_dim3A_457 = arith.constant 20 : i32
      %broadcast_in_dim3A_458 = vector.broadcast %broadcast_in_dim3A_457 : i32 to vector<16xi32>
      %gather3A_459 = tpu.vector_load_idx %arg11[%add3A_273, %broadcast_in_dim3A_458] : memref<512x32xf32, #tpu.memory_space<vmem>>[vector<16xi32>, vector<16xi32>], vector<16xf32>,
      %gather3A_460 = tpu.vector_load_idx %arg12[%add3A_273, %broadcast_in_dim3A_458] : memref<512x32xf32, #tpu.memory_space<vmem>>[vector<16xi32>, vector<16xi32>], vector<16xf32>,
      %gather3A_461 = tpu.vector_load_idx %arg13[%add3A_273, %broadcast_in_dim3A_458] : memref<512x32xf32, #tpu.memory_space<vmem>>[vector<16xi32>, vector<16xi32>], vector<16xf32>,
      %mul3A_462 = arith.mulf %gather3A_459, %gather3A_460 : vector<16xf32>
      %add3A_463 = arith.addf %add3A_454, %mul3A_462 : vector<16xf32>
      %mul3A_464 = arith.mulf %gather3A_459, %gather3A_461 : vector<16xf32>
      %add3A_465 = arith.addf %add3A_456, %mul3A_464 : vector<16xf32>
      %broadcast_in_dim3A_466 = arith.constant 21 : i32
      %broadcast_in_dim3A_467 = vector.broadcast %broadcast_in_dim3A_466 : i32 to vector<16xi32>
      %gather3A_468 = tpu.vector_load_idx %arg11[%add3A_273, %broadcast_in_dim3A_467] : memref<512x32xf32, #tpu.memory_space<vmem>>[vector<16xi32>, vector<16xi32>], vector<16xf32>,
      %gather3A_469 = tpu.vector_load_idx %arg12[%add3A_273, %broadcast_in_dim3A_467] : memref<512x32xf32, #tpu.memory_space<vmem>>[vector<16xi32>, vector<16xi32>], vector<16xf32>,
      %gather3A_470 = tpu.vector_load_idx %arg13[%add3A_273, %broadcast_in_dim3A_467] : memref<512x32xf32, #tpu.memory_space<vmem>>[vector<16xi32>, vector<16xi32>], vector<16xf32>,
      %mul3A_471 = arith.mulf %gather3A_468, %gather3A_469 : vector<16xf32>
      %add3A_472 = arith.addf %add3A_463, %mul3A_471 : vector<16xf32>
      %mul3A_473 = arith.mulf %gather3A_468, %gather3A_470 : vector<16xf32>
      %add3A_474 = arith.addf %add3A_465, %mul3A_473 : vector<16xf32>
      %broadcast_in_dim3A_475 = arith.constant 22 : i32
      %broadcast_in_dim3A_476 = vector.broadcast %broadcast_in_dim3A_475 : i32 to vector<16xi32>
      %gather3A_477 = tpu.vector_load_idx %arg11[%add3A_273, %broadcast_in_dim3A_476] : memref<512x32xf32, #tpu.memory_space<vmem>>[vector<16xi32>, vector<16xi32>], vector<16xf32>,
      %gather3A_478 = tpu.vector_load_idx %arg12[%add3A_273, %broadcast_in_dim3A_476] : memref<512x32xf32, #tpu.memory_space<vmem>>[vector<16xi32>, vector<16xi32>], vector<16xf32>,
      %gather3A_479 = tpu.vector_load_idx %arg13[%add3A_273, %broadcast_in_dim3A_476] : memref<512x32xf32, #tpu.memory_space<vmem>>[vector<16xi32>, vector<16xi32>], vector<16xf32>,
      %mul3A_480 = arith.mulf %gather3A_477, %gather3A_478 : vector<16xf32>
      %add3A_481 = arith.addf %add3A_472, %mul3A_480 : vector<16xf32>
      %mul3A_482 = arith.mulf %gather3A_477, %gather3A_479 : vector<16xf32>
      %add3A_483 = arith.addf %add3A_474, %mul3A_482 : vector<16xf32>
      %broadcast_in_dim3A_484 = arith.constant 23 : i32
      %broadcast_in_dim3A_485 = vector.broadcast %broadcast_in_dim3A_484 : i32 to vector<16xi32>
      %gather3A_486 = tpu.vector_load_idx %arg11[%add3A_273, %broadcast_in_dim3A_485] : memref<512x32xf32, #tpu.memory_space<vmem>>[vector<16xi32>, vector<16xi32>], vector<16xf32>,
      %gather3A_487 = tpu.vector_load_idx %arg12[%add3A_273, %broadcast_in_dim3A_485] : memref<512x32xf32, #tpu.memory_space<vmem>>[vector<16xi32>, vector<16xi32>], vector<16xf32>,
      %gather3A_488 = tpu.vector_load_idx %arg13[%add3A_273, %broadcast_in_dim3A_485] : memref<512x32xf32, #tpu.memory_space<vmem>>[vector<16xi32>, vector<16xi32>], vector<16xf32>,
      %mul3A_489 = arith.mulf %gather3A_486, %gather3A_487 : vector<16xf32>
      %add3A_490 = arith.addf %add3A_481, %mul3A_489 : vector<16xf32>
      %mul3A_491 = arith.mulf %gather3A_486, %gather3A_488 : vector<16xf32>
      %add3A_492 = arith.addf %add3A_483, %mul3A_491 : vector<16xf32>
      %broadcast_in_dim3A_493 = arith.constant 24 : i32
      %broadcast_in_dim3A_494 = vector.broadcast %broadcast_in_dim3A_493 : i32 to vector<16xi32>
      %gather3A_495 = tpu.vector_load_idx %arg11[%add3A_273, %broadcast_in_dim3A_494] : memref<512x32xf32, #tpu.memory_space<vmem>>[vector<16xi32>, vector<16xi32>], vector<16xf32>,
      %gather3A_496 = tpu.vector_load_idx %arg12[%add3A_273, %broadcast_in_dim3A_494] : memref<512x32xf32, #tpu.memory_space<vmem>>[vector<16xi32>, vector<16xi32>], vector<16xf32>,
      %gather3A_497 = tpu.vector_load_idx %arg13[%add3A_273, %broadcast_in_dim3A_494] : memref<512x32xf32, #tpu.memory_space<vmem>>[vector<16xi32>, vector<16xi32>], vector<16xf32>,
      %mul3A_498 = arith.mulf %gather3A_495, %gather3A_496 : vector<16xf32>
      %add3A_499 = arith.addf %add3A_490, %mul3A_498 : vector<16xf32>
      %mul3A_500 = arith.mulf %gather3A_495, %gather3A_497 : vector<16xf32>
      %add3A_501 = arith.addf %add3A_492, %mul3A_500 : vector<16xf32>
      %broadcast_in_dim3A_502 = arith.constant 25 : i32
      %broadcast_in_dim3A_503 = vector.broadcast %broadcast_in_dim3A_502 : i32 to vector<16xi32>
      %gather3A_504 = tpu.vector_load_idx %arg11[%add3A_273, %broadcast_in_dim3A_503] : memref<512x32xf32, #tpu.memory_space<vmem>>[vector<16xi32>, vector<16xi32>], vector<16xf32>,
      %gather3A_505 = tpu.vector_load_idx %arg12[%add3A_273, %broadcast_in_dim3A_503] : memref<512x32xf32, #tpu.memory_space<vmem>>[vector<16xi32>, vector<16xi32>], vector<16xf32>,
      %gather3A_506 = tpu.vector_load_idx %arg13[%add3A_273, %broadcast_in_dim3A_503] : memref<512x32xf32, #tpu.memory_space<vmem>>[vector<16xi32>, vector<16xi32>], vector<16xf32>,
      %mul3A_507 = arith.mulf %gather3A_504, %gather3A_505 : vector<16xf32>
      %add3A_508 = arith.addf %add3A_499, %mul3A_507 : vector<16xf32>
      %mul3A_509 = arith.mulf %gather3A_504, %gather3A_506 : vector<16xf32>
      %add3A_510 = arith.addf %add3A_501, %mul3A_509 : vector<16xf32>
      %broadcast_in_dim3A_511 = arith.constant 26 : i32
      %broadcast_in_dim3A_512 = vector.broadcast %broadcast_in_dim3A_511 : i32 to vector<16xi32>
      %gather3A_513 = tpu.vector_load_idx %arg11[%add3A_273, %broadcast_in_dim3A_512] : memref<512x32xf32, #tpu.memory_space<vmem>>[vector<16xi32>, vector<16xi32>], vector<16xf32>,
      %gather3A_514 = tpu.vector_load_idx %arg12[%add3A_273, %broadcast_in_dim3A_512] : memref<512x32xf32, #tpu.memory_space<vmem>>[vector<16xi32>, vector<16xi32>], vector<16xf32>,
      %gather3A_515 = tpu.vector_load_idx %arg13[%add3A_273, %broadcast_in_dim3A_512] : memref<512x32xf32, #tpu.memory_space<vmem>>[vector<16xi32>, vector<16xi32>], vector<16xf32>,
      %mul3A_516 = arith.mulf %gather3A_513, %gather3A_514 : vector<16xf32>
      %add3A_517 = arith.addf %add3A_508, %mul3A_516 : vector<16xf32>
      %mul3A_518 = arith.mulf %gather3A_513, %gather3A_515 : vector<16xf32>
      %add3A_519 = arith.addf %add3A_510, %mul3A_518 : vector<16xf32>
      %broadcast_in_dim3A_520 = arith.constant 27 : i32
      %broadcast_in_dim3A_521 = vector.broadcast %broadcast_in_dim3A_520 : i32 to vector<16xi32>
      %gather3A_522 = tpu.vector_load_idx %arg11[%add3A_273, %broadcast_in_dim3A_521] : memref<512x32xf32, #tpu.memory_space<vmem>>[vector<16xi32>, vector<16xi32>], vector<16xf32>,
      %gather3A_523 = tpu.vector_load_idx %arg12[%add3A_273, %broadcast_in_dim3A_521] : memref<512x32xf32, #tpu.memory_space<vmem>>[vector<16xi32>, vector<16xi32>], vector<16xf32>,
      %gather3A_524 = tpu.vector_load_idx %arg13[%add3A_273, %broadcast_in_dim3A_521] : memref<512x32xf32, #tpu.memory_space<vmem>>[vector<16xi32>, vector<16xi32>], vector<16xf32>,
      %mul3A_525 = arith.mulf %gather3A_522, %gather3A_523 : vector<16xf32>
      %add3A_526 = arith.addf %add3A_517, %mul3A_525 : vector<16xf32>
      %mul3A_527 = arith.mulf %gather3A_522, %gather3A_524 : vector<16xf32>
      %add3A_528 = arith.addf %add3A_519, %mul3A_527 : vector<16xf32>
      %broadcast_in_dim3A_529 = arith.constant 28 : i32
      %broadcast_in_dim3A_530 = vector.broadcast %broadcast_in_dim3A_529 : i32 to vector<16xi32>
      %gather3A_531 = tpu.vector_load_idx %arg11[%add3A_273, %broadcast_in_dim3A_530] : memref<512x32xf32, #tpu.memory_space<vmem>>[vector<16xi32>, vector<16xi32>], vector<16xf32>,
      %gather3A_532 = tpu.vector_load_idx %arg12[%add3A_273, %broadcast_in_dim3A_530] : memref<512x32xf32, #tpu.memory_space<vmem>>[vector<16xi32>, vector<16xi32>], vector<16xf32>,
      %gather3A_533 = tpu.vector_load_idx %arg13[%add3A_273, %broadcast_in_dim3A_530] : memref<512x32xf32, #tpu.memory_space<vmem>>[vector<16xi32>, vector<16xi32>], vector<16xf32>,
      %mul3A_534 = arith.mulf %gather3A_531, %gather3A_532 : vector<16xf32>
      %add3A_535 = arith.addf %add3A_526, %mul3A_534 : vector<16xf32>
      %mul3A_536 = arith.mulf %gather3A_531, %gather3A_533 : vector<16xf32>
      %add3A_537 = arith.addf %add3A_528, %mul3A_536 : vector<16xf32>
      %broadcast_in_dim3A_538 = arith.constant 29 : i32
      %broadcast_in_dim3A_539 = vector.broadcast %broadcast_in_dim3A_538 : i32 to vector<16xi32>
      %gather3A_540 = tpu.vector_load_idx %arg11[%add3A_273, %broadcast_in_dim3A_539] : memref<512x32xf32, #tpu.memory_space<vmem>>[vector<16xi32>, vector<16xi32>], vector<16xf32>,
      %gather3A_541 = tpu.vector_load_idx %arg12[%add3A_273, %broadcast_in_dim3A_539] : memref<512x32xf32, #tpu.memory_space<vmem>>[vector<16xi32>, vector<16xi32>], vector<16xf32>,
      %gather3A_542 = tpu.vector_load_idx %arg13[%add3A_273, %broadcast_in_dim3A_539] : memref<512x32xf32, #tpu.memory_space<vmem>>[vector<16xi32>, vector<16xi32>], vector<16xf32>,
      %mul3A_543 = arith.mulf %gather3A_540, %gather3A_541 : vector<16xf32>
      %add3A_544 = arith.addf %add3A_535, %mul3A_543 : vector<16xf32>
      %mul3A_545 = arith.mulf %gather3A_540, %gather3A_542 : vector<16xf32>
      %add3A_546 = arith.addf %add3A_537, %mul3A_545 : vector<16xf32>
      %broadcast_in_dim3A_547 = arith.constant 30 : i32
      %broadcast_in_dim3A_548 = vector.broadcast %broadcast_in_dim3A_547 : i32 to vector<16xi32>
      %gather3A_549 = tpu.vector_load_idx %arg11[%add3A_273, %broadcast_in_dim3A_548] : memref<512x32xf32, #tpu.memory_space<vmem>>[vector<16xi32>, vector<16xi32>], vector<16xf32>,
      %gather3A_550 = tpu.vector_load_idx %arg12[%add3A_273, %broadcast_in_dim3A_548] : memref<512x32xf32, #tpu.memory_space<vmem>>[vector<16xi32>, vector<16xi32>], vector<16xf32>,
      %gather3A_551 = tpu.vector_load_idx %arg13[%add3A_273, %broadcast_in_dim3A_548] : memref<512x32xf32, #tpu.memory_space<vmem>>[vector<16xi32>, vector<16xi32>], vector<16xf32>,
      %mul3A_552 = arith.mulf %gather3A_549, %gather3A_550 : vector<16xf32>
      %add3A_553 = arith.addf %add3A_544, %mul3A_552 : vector<16xf32>
      %mul3A_554 = arith.mulf %gather3A_549, %gather3A_551 : vector<16xf32>
      %add3A_555 = arith.addf %add3A_546, %mul3A_554 : vector<16xf32>
      %broadcast_in_dim3A_556 = arith.constant 31 : i32
      %broadcast_in_dim3A_557 = vector.broadcast %broadcast_in_dim3A_556 : i32 to vector<16xi32>
      %gather3A_558 = tpu.vector_load_idx %arg11[%add3A_273, %broadcast_in_dim3A_557] : memref<512x32xf32, #tpu.memory_space<vmem>>[vector<16xi32>, vector<16xi32>], vector<16xf32>,
      %gather3A_559 = tpu.vector_load_idx %arg12[%add3A_273, %broadcast_in_dim3A_557] : memref<512x32xf32, #tpu.memory_space<vmem>>[vector<16xi32>, vector<16xi32>], vector<16xf32>,
      %gather3A_560 = tpu.vector_load_idx %arg13[%add3A_273, %broadcast_in_dim3A_557] : memref<512x32xf32, #tpu.memory_space<vmem>>[vector<16xi32>, vector<16xi32>], vector<16xf32>,
      %mul3A_561 = arith.mulf %gather3A_558, %gather3A_559 : vector<16xf32>
      %add3A_562 = arith.addf %add3A_553, %mul3A_561 : vector<16xf32>
      %mul3A_563 = arith.mulf %gather3A_558, %gather3A_560 : vector<16xf32>
      %add3A_564 = arith.addf %add3A_555, %mul3A_563 : vector<16xf32>
      tpu.vector_store_idx %arg14[%add3A_273, %broadcast_in_dim3A_122], %add3A_562 : memref<512x2xf32, #tpu.memory_space<vmem>>[vector<16xi32>, vector<16xi32>], vector<16xf32>,
      tpu.vector_store_idx %arg14[%add3A_273, %broadcast_in_dim3A_124], %add3A_564 : memref<512x2xf32, #tpu.memory_space<vmem>>[vector<16xi32>, vector<16xi32>], vector<16xf32>,
    }
    %scan3A_230 = arith.constant 8 : i32
    %dma_wait3A_231 = arith.constant 3 : i32
    %dma_wait3A_232 = arith.constant 384 : i32
    %dma_wait3A_233 = arith.constant 0 : i32
    %dma_wait3A_234 = tpu.memref_slice %arg11[%dma_wait3A_232, %dma_wait3A_233] : memref<512x32xf32, #tpu.memory_space<vmem>> -> memref<128x32xf32, #tpu.memory_space<vmem>>
    %dma_wait3A_235 = arith.constant 0 : i32
    %dma_wait3A_236 = tpu.memref_slice %arg8[%dma_wait3A_231, %dma_wait3A_235] : memref<4x128xi32, #tpu.memory_space<vmem>> -> memref<1x128xi32, #tpu.memory_space<vmem>>
    %dma_wait3A_237 = tpu.memref_squeeze %dma_wait3A_236 : memref<1x128xi32, #tpu.memory_space<vmem>> -> memref<128xi32, #tpu.memory_space<vmem>>
    %dma_wait3A_238 = arith.constant 0 : i32
    %dma_wait3A_239 = arith.constant 0 : i32
    %dma_wait3A_240 = tpu.memref_slice %arg5[%dma_wait3A_238, %dma_wait3A_239] : memref<1000000x32xf32, #tpu.memory_space<hbm>> -> memref<1000000x32xf32, #tpu.memory_space<hbm>>
    tpu.wait_indirect_dma semaphore(%arg18 : memref<!tpu.dma_semaphore, #tpu.memory_space<semaphore_mem>>) src(%dma_wait3A_240 : memref<1000000x32xf32, #tpu.memory_space<hbm>>) dst(%dma_wait3A_234 : memref<128x32xf32, #tpu.memory_space<vmem>>)
    %dma_wait3A_241 = arith.constant 3 : i32
    %dma_wait3A_242 = arith.constant 384 : i32
    %dma_wait3A_243 = arith.constant 0 : i32
    %dma_wait3A_244 = tpu.memref_slice %arg12[%dma_wait3A_242, %dma_wait3A_243] : memref<512x32xf32, #tpu.memory_space<vmem>> -> memref<128x32xf32, #tpu.memory_space<vmem>>
    %dma_wait3A_245 = arith.constant 0 : i32
    %dma_wait3A_246 = tpu.memref_slice %arg9[%dma_wait3A_241, %dma_wait3A_245] : memref<4x128xi32, #tpu.memory_space<vmem>> -> memref<1x128xi32, #tpu.memory_space<vmem>>
    %dma_wait3A_247 = tpu.memref_squeeze %dma_wait3A_246 : memref<1x128xi32, #tpu.memory_space<vmem>> -> memref<128xi32, #tpu.memory_space<vmem>>
    %dma_wait3A_248 = arith.constant 0 : i32
    %dma_wait3A_249 = arith.constant 0 : i32
    %dma_wait3A_250 = tpu.memref_slice %arg6[%dma_wait3A_248, %dma_wait3A_249] : memref<1000000x32xf32, #tpu.memory_space<hbm>> -> memref<1000000x32xf32, #tpu.memory_space<hbm>>
    tpu.wait_indirect_dma semaphore(%arg18 : memref<!tpu.dma_semaphore, #tpu.memory_space<semaphore_mem>>) src(%dma_wait3A_250 : memref<1000000x32xf32, #tpu.memory_space<hbm>>) dst(%dma_wait3A_244 : memref<128x32xf32, #tpu.memory_space<vmem>>)
    %dma_wait3A_251 = arith.constant 3 : i32
    %dma_wait3A_252 = arith.constant 384 : i32
    %dma_wait3A_253 = arith.constant 0 : i32
    %dma_wait3A_254 = tpu.memref_slice %arg13[%dma_wait3A_252, %dma_wait3A_253] : memref<512x32xf32, #tpu.memory_space<vmem>> -> memref<128x32xf32, #tpu.memory_space<vmem>>
    %dma_wait3A_255 = arith.constant 0 : i32
    %dma_wait3A_256 = tpu.memref_slice %arg10[%dma_wait3A_251, %dma_wait3A_255] : memref<4x128xi32, #tpu.memory_space<vmem>> -> memref<1x128xi32, #tpu.memory_space<vmem>>
    %dma_wait3A_257 = tpu.memref_squeeze %dma_wait3A_256 : memref<1x128xi32, #tpu.memory_space<vmem>> -> memref<128xi32, #tpu.memory_space<vmem>>
    %dma_wait3A_258 = arith.constant 0 : i32
    %dma_wait3A_259 = arith.constant 0 : i32
    %dma_wait3A_260 = tpu.memref_slice %arg6[%dma_wait3A_258, %dma_wait3A_259] : memref<1000000x32xf32, #tpu.memory_space<hbm>> -> memref<1000000x32xf32, #tpu.memory_space<hbm>>
    tpu.wait_indirect_dma semaphore(%arg18 : memref<!tpu.dma_semaphore, #tpu.memory_space<semaphore_mem>>) src(%dma_wait3A_260 : memref<1000000x32xf32, #tpu.memory_space<hbm>>) dst(%dma_wait3A_254 : memref<128x32xf32, #tpu.memory_space<vmem>>)
    %scan3A_261 = arith.constant 0 : i32
    %scan3A_262 = arith.constant 0 : i32
    %scan3A_263 = arith.constant 8 : i32
    %scan3A_264 = arith.addi %scan3A_262, %scan3A_263 : i32
    %scan3A_265 = arith.constant 1 : i32
    scf.for %scan3A_267 = %scan3A_262 to %scan3A_264 step %scan3A_265  : i32 {
      %mul3A_268 = arith.constant 16 : i32
      %mul3A_269 = arith.muli %scan3A_267, %mul3A_268 : i32
      %add3A_270 = arith.constant 384 : i32
      %add3A_271 = arith.addi %add3A_270, %mul3A_269 : i32
      %add3A_272 = vector.broadcast %add3A_271 : i32 to vector<16xi32>
      %add3A_273 = arith.addi %add3A_272, %iota3A : vector<16xi32>
      %broadcast_in_dim3A_274 = arith.constant 0.000000e+00 : f32
      %broadcast_in_dim3A_275 = vector.broadcast %broadcast_in_dim3A_274 : f32 to vector<16xf32>
      %broadcast_in_dim3A_276 = arith.constant 0.000000e+00 : f32
      %broadcast_in_dim3A_277 = vector.broadcast %broadcast_in_dim3A_276 : f32 to vector<16xf32>
      %broadcast_in_dim3A_278 = arith.constant 0 : i32
      %broadcast_in_dim3A_279 = vector.broadcast %broadcast_in_dim3A_278 : i32 to vector<16xi32>
      %gather3A = tpu.vector_load_idx %arg11[%add3A_273, %broadcast_in_dim3A_279] : memref<512x32xf32, #tpu.memory_space<vmem>>[vector<16xi32>, vector<16xi32>], vector<16xf32>,
      %gather3A_280 = tpu.vector_load_idx %arg12[%add3A_273, %broadcast_in_dim3A_279] : memref<512x32xf32, #tpu.memory_space<vmem>>[vector<16xi32>, vector<16xi32>], vector<16xf32>,
      %gather3A_281 = tpu.vector_load_idx %arg13[%add3A_273, %broadcast_in_dim3A_279] : memref<512x32xf32, #tpu.memory_space<vmem>>[vector<16xi32>, vector<16xi32>], vector<16xf32>,
      %mul3A_282 = arith.mulf %gather3A, %gather3A_280 : vector<16xf32>
      %add3A_283 = arith.addf %broadcast_in_dim3A_275, %mul3A_282 : vector<16xf32>
      %mul3A_284 = arith.mulf %gather3A, %gather3A_281 : vector<16xf32>
      %add3A_285 = arith.addf %broadcast_in_dim3A_277, %mul3A_284 : vector<16xf32>
      %broadcast_in_dim3A_286 = arith.constant 1 : i32
      %broadcast_in_dim3A_287 = vector.broadcast %broadcast_in_dim3A_286 : i32 to vector<16xi32>
      %gather3A_288 = tpu.vector_load_idx %arg11[%add3A_273, %broadcast_in_dim3A_287] : memref<512x32xf32, #tpu.memory_space<vmem>>[vector<16xi32>, vector<16xi32>], vector<16xf32>,
      %gather3A_289 = tpu.vector_load_idx %arg12[%add3A_273, %broadcast_in_dim3A_287] : memref<512x32xf32, #tpu.memory_space<vmem>>[vector<16xi32>, vector<16xi32>], vector<16xf32>,
      %gather3A_290 = tpu.vector_load_idx %arg13[%add3A_273, %broadcast_in_dim3A_287] : memref<512x32xf32, #tpu.memory_space<vmem>>[vector<16xi32>, vector<16xi32>], vector<16xf32>,
      %mul3A_291 = arith.mulf %gather3A_288, %gather3A_289 : vector<16xf32>
      %add3A_292 = arith.addf %add3A_283, %mul3A_291 : vector<16xf32>
      %mul3A_293 = arith.mulf %gather3A_288, %gather3A_290 : vector<16xf32>
      %add3A_294 = arith.addf %add3A_285, %mul3A_293 : vector<16xf32>
      %broadcast_in_dim3A_295 = arith.constant 2 : i32
      %broadcast_in_dim3A_296 = vector.broadcast %broadcast_in_dim3A_295 : i32 to vector<16xi32>
      %gather3A_297 = tpu.vector_load_idx %arg11[%add3A_273, %broadcast_in_dim3A_296] : memref<512x32xf32, #tpu.memory_space<vmem>>[vector<16xi32>, vector<16xi32>], vector<16xf32>,
      %gather3A_298 = tpu.vector_load_idx %arg12[%add3A_273, %broadcast_in_dim3A_296] : memref<512x32xf32, #tpu.memory_space<vmem>>[vector<16xi32>, vector<16xi32>], vector<16xf32>,
      %gather3A_299 = tpu.vector_load_idx %arg13[%add3A_273, %broadcast_in_dim3A_296] : memref<512x32xf32, #tpu.memory_space<vmem>>[vector<16xi32>, vector<16xi32>], vector<16xf32>,
      %mul3A_300 = arith.mulf %gather3A_297, %gather3A_298 : vector<16xf32>
      %add3A_301 = arith.addf %add3A_292, %mul3A_300 : vector<16xf32>
      %mul3A_302 = arith.mulf %gather3A_297, %gather3A_299 : vector<16xf32>
      %add3A_303 = arith.addf %add3A_294, %mul3A_302 : vector<16xf32>
      %broadcast_in_dim3A_304 = arith.constant 3 : i32
      %broadcast_in_dim3A_305 = vector.broadcast %broadcast_in_dim3A_304 : i32 to vector<16xi32>
      %gather3A_306 = tpu.vector_load_idx %arg11[%add3A_273, %broadcast_in_dim3A_305] : memref<512x32xf32, #tpu.memory_space<vmem>>[vector<16xi32>, vector<16xi32>], vector<16xf32>,
      %gather3A_307 = tpu.vector_load_idx %arg12[%add3A_273, %broadcast_in_dim3A_305] : memref<512x32xf32, #tpu.memory_space<vmem>>[vector<16xi32>, vector<16xi32>], vector<16xf32>,
      %gather3A_308 = tpu.vector_load_idx %arg13[%add3A_273, %broadcast_in_dim3A_305] : memref<512x32xf32, #tpu.memory_space<vmem>>[vector<16xi32>, vector<16xi32>], vector<16xf32>,
      %mul3A_309 = arith.mulf %gather3A_306, %gather3A_307 : vector<16xf32>
      %add3A_310 = arith.addf %add3A_301, %mul3A_309 : vector<16xf32>
      %mul3A_311 = arith.mulf %gather3A_306, %gather3A_308 : vector<16xf32>
      %add3A_312 = arith.addf %add3A_303, %mul3A_311 : vector<16xf32>
      %broadcast_in_dim3A_313 = arith.constant 4 : i32
      %broadcast_in_dim3A_314 = vector.broadcast %broadcast_in_dim3A_313 : i32 to vector<16xi32>
      %gather3A_315 = tpu.vector_load_idx %arg11[%add3A_273, %broadcast_in_dim3A_314] : memref<512x32xf32, #tpu.memory_space<vmem>>[vector<16xi32>, vector<16xi32>], vector<16xf32>,
      %gather3A_316 = tpu.vector_load_idx %arg12[%add3A_273, %broadcast_in_dim3A_314] : memref<512x32xf32, #tpu.memory_space<vmem>>[vector<16xi32>, vector<16xi32>], vector<16xf32>,
      %gather3A_317 = tpu.vector_load_idx %arg13[%add3A_273, %broadcast_in_dim3A_314] : memref<512x32xf32, #tpu.memory_space<vmem>>[vector<16xi32>, vector<16xi32>], vector<16xf32>,
      %mul3A_318 = arith.mulf %gather3A_315, %gather3A_316 : vector<16xf32>
      %add3A_319 = arith.addf %add3A_310, %mul3A_318 : vector<16xf32>
      %mul3A_320 = arith.mulf %gather3A_315, %gather3A_317 : vector<16xf32>
      %add3A_321 = arith.addf %add3A_312, %mul3A_320 : vector<16xf32>
      %broadcast_in_dim3A_322 = arith.constant 5 : i32
      %broadcast_in_dim3A_323 = vector.broadcast %broadcast_in_dim3A_322 : i32 to vector<16xi32>
      %gather3A_324 = tpu.vector_load_idx %arg11[%add3A_273, %broadcast_in_dim3A_323] : memref<512x32xf32, #tpu.memory_space<vmem>>[vector<16xi32>, vector<16xi32>], vector<16xf32>,
      %gather3A_325 = tpu.vector_load_idx %arg12[%add3A_273, %broadcast_in_dim3A_323] : memref<512x32xf32, #tpu.memory_space<vmem>>[vector<16xi32>, vector<16xi32>], vector<16xf32>,
      %gather3A_326 = tpu.vector_load_idx %arg13[%add3A_273, %broadcast_in_dim3A_323] : memref<512x32xf32, #tpu.memory_space<vmem>>[vector<16xi32>, vector<16xi32>], vector<16xf32>,
      %mul3A_327 = arith.mulf %gather3A_324, %gather3A_325 : vector<16xf32>
      %add3A_328 = arith.addf %add3A_319, %mul3A_327 : vector<16xf32>
      %mul3A_329 = arith.mulf %gather3A_324, %gather3A_326 : vector<16xf32>
      %add3A_330 = arith.addf %add3A_321, %mul3A_329 : vector<16xf32>
      %broadcast_in_dim3A_331 = arith.constant 6 : i32
      %broadcast_in_dim3A_332 = vector.broadcast %broadcast_in_dim3A_331 : i32 to vector<16xi32>
      %gather3A_333 = tpu.vector_load_idx %arg11[%add3A_273, %broadcast_in_dim3A_332] : memref<512x32xf32, #tpu.memory_space<vmem>>[vector<16xi32>, vector<16xi32>], vector<16xf32>,
      %gather3A_334 = tpu.vector_load_idx %arg12[%add3A_273, %broadcast_in_dim3A_332] : memref<512x32xf32, #tpu.memory_space<vmem>>[vector<16xi32>, vector<16xi32>], vector<16xf32>,
      %gather3A_335 = tpu.vector_load_idx %arg13[%add3A_273, %broadcast_in_dim3A_332] : memref<512x32xf32, #tpu.memory_space<vmem>>[vector<16xi32>, vector<16xi32>], vector<16xf32>,
      %mul3A_336 = arith.mulf %gather3A_333, %gather3A_334 : vector<16xf32>
      %add3A_337 = arith.addf %add3A_328, %mul3A_336 : vector<16xf32>
      %mul3A_338 = arith.mulf %gather3A_333, %gather3A_335 : vector<16xf32>
      %add3A_339 = arith.addf %add3A_330, %mul3A_338 : vector<16xf32>
      %broadcast_in_dim3A_340 = arith.constant 7 : i32
      %broadcast_in_dim3A_341 = vector.broadcast %broadcast_in_dim3A_340 : i32 to vector<16xi32>
      %gather3A_342 = tpu.vector_load_idx %arg11[%add3A_273, %broadcast_in_dim3A_341] : memref<512x32xf32, #tpu.memory_space<vmem>>[vector<16xi32>, vector<16xi32>], vector<16xf32>,
      %gather3A_343 = tpu.vector_load_idx %arg12[%add3A_273, %broadcast_in_dim3A_341] : memref<512x32xf32, #tpu.memory_space<vmem>>[vector<16xi32>, vector<16xi32>], vector<16xf32>,
      %gather3A_344 = tpu.vector_load_idx %arg13[%add3A_273, %broadcast_in_dim3A_341] : memref<512x32xf32, #tpu.memory_space<vmem>>[vector<16xi32>, vector<16xi32>], vector<16xf32>,
      %mul3A_345 = arith.mulf %gather3A_342, %gather3A_343 : vector<16xf32>
      %add3A_346 = arith.addf %add3A_337, %mul3A_345 : vector<16xf32>
      %mul3A_347 = arith.mulf %gather3A_342, %gather3A_344 : vector<16xf32>
      %add3A_348 = arith.addf %add3A_339, %mul3A_347 : vector<16xf32>
      %broadcast_in_dim3A_349 = arith.constant 8 : i32
      %broadcast_in_dim3A_350 = vector.broadcast %broadcast_in_dim3A_349 : i32 to vector<16xi32>
      %gather3A_351 = tpu.vector_load_idx %arg11[%add3A_273, %broadcast_in_dim3A_350] : memref<512x32xf32, #tpu.memory_space<vmem>>[vector<16xi32>, vector<16xi32>], vector<16xf32>,
      %gather3A_352 = tpu.vector_load_idx %arg12[%add3A_273, %broadcast_in_dim3A_350] : memref<512x32xf32, #tpu.memory_space<vmem>>[vector<16xi32>, vector<16xi32>], vector<16xf32>,
      %gather3A_353 = tpu.vector_load_idx %arg13[%add3A_273, %broadcast_in_dim3A_350] : memref<512x32xf32, #tpu.memory_space<vmem>>[vector<16xi32>, vector<16xi32>], vector<16xf32>,
      %mul3A_354 = arith.mulf %gather3A_351, %gather3A_352 : vector<16xf32>
      %add3A_355 = arith.addf %add3A_346, %mul3A_354 : vector<16xf32>
      %mul3A_356 = arith.mulf %gather3A_351, %gather3A_353 : vector<16xf32>
      %add3A_357 = arith.addf %add3A_348, %mul3A_356 : vector<16xf32>
      %broadcast_in_dim3A_358 = arith.constant 9 : i32
      %broadcast_in_dim3A_359 = vector.broadcast %broadcast_in_dim3A_358 : i32 to vector<16xi32>
      %gather3A_360 = tpu.vector_load_idx %arg11[%add3A_273, %broadcast_in_dim3A_359] : memref<512x32xf32, #tpu.memory_space<vmem>>[vector<16xi32>, vector<16xi32>], vector<16xf32>,
      %gather3A_361 = tpu.vector_load_idx %arg12[%add3A_273, %broadcast_in_dim3A_359] : memref<512x32xf32, #tpu.memory_space<vmem>>[vector<16xi32>, vector<16xi32>], vector<16xf32>,
      %gather3A_362 = tpu.vector_load_idx %arg13[%add3A_273, %broadcast_in_dim3A_359] : memref<512x32xf32, #tpu.memory_space<vmem>>[vector<16xi32>, vector<16xi32>], vector<16xf32>,
      %mul3A_363 = arith.mulf %gather3A_360, %gather3A_361 : vector<16xf32>
      %add3A_364 = arith.addf %add3A_355, %mul3A_363 : vector<16xf32>
      %mul3A_365 = arith.mulf %gather3A_360, %gather3A_362 : vector<16xf32>
      %add3A_366 = arith.addf %add3A_357, %mul3A_365 : vector<16xf32>
      %broadcast_in_dim3A_367 = arith.constant 10 : i32
      %broadcast_in_dim3A_368 = vector.broadcast %broadcast_in_dim3A_367 : i32 to vector<16xi32>
      %gather3A_369 = tpu.vector_load_idx %arg11[%add3A_273, %broadcast_in_dim3A_368] : memref<512x32xf32, #tpu.memory_space<vmem>>[vector<16xi32>, vector<16xi32>], vector<16xf32>,
      %gather3A_370 = tpu.vector_load_idx %arg12[%add3A_273, %broadcast_in_dim3A_368] : memref<512x32xf32, #tpu.memory_space<vmem>>[vector<16xi32>, vector<16xi32>], vector<16xf32>,
      %gather3A_371 = tpu.vector_load_idx %arg13[%add3A_273, %broadcast_in_dim3A_368] : memref<512x32xf32, #tpu.memory_space<vmem>>[vector<16xi32>, vector<16xi32>], vector<16xf32>,
      %mul3A_372 = arith.mulf %gather3A_369, %gather3A_370 : vector<16xf32>
      %add3A_373 = arith.addf %add3A_364, %mul3A_372 : vector<16xf32>
      %mul3A_374 = arith.mulf %gather3A_369, %gather3A_371 : vector<16xf32>
      %add3A_375 = arith.addf %add3A_366, %mul3A_374 : vector<16xf32>
      %broadcast_in_dim3A_376 = arith.constant 11 : i32
      %broadcast_in_dim3A_377 = vector.broadcast %broadcast_in_dim3A_376 : i32 to vector<16xi32>
      %gather3A_378 = tpu.vector_load_idx %arg11[%add3A_273, %broadcast_in_dim3A_377] : memref<512x32xf32, #tpu.memory_space<vmem>>[vector<16xi32>, vector<16xi32>], vector<16xf32>,
      %gather3A_379 = tpu.vector_load_idx %arg12[%add3A_273, %broadcast_in_dim3A_377] : memref<512x32xf32, #tpu.memory_space<vmem>>[vector<16xi32>, vector<16xi32>], vector<16xf32>,
      %gather3A_380 = tpu.vector_load_idx %arg13[%add3A_273, %broadcast_in_dim3A_377] : memref<512x32xf32, #tpu.memory_space<vmem>>[vector<16xi32>, vector<16xi32>], vector<16xf32>,
      %mul3A_381 = arith.mulf %gather3A_378, %gather3A_379 : vector<16xf32>
      %add3A_382 = arith.addf %add3A_373, %mul3A_381 : vector<16xf32>
      %mul3A_383 = arith.mulf %gather3A_378, %gather3A_380 : vector<16xf32>
      %add3A_384 = arith.addf %add3A_375, %mul3A_383 : vector<16xf32>
      %broadcast_in_dim3A_385 = arith.constant 12 : i32
      %broadcast_in_dim3A_386 = vector.broadcast %broadcast_in_dim3A_385 : i32 to vector<16xi32>
      %gather3A_387 = tpu.vector_load_idx %arg11[%add3A_273, %broadcast_in_dim3A_386] : memref<512x32xf32, #tpu.memory_space<vmem>>[vector<16xi32>, vector<16xi32>], vector<16xf32>,
      %gather3A_388 = tpu.vector_load_idx %arg12[%add3A_273, %broadcast_in_dim3A_386] : memref<512x32xf32, #tpu.memory_space<vmem>>[vector<16xi32>, vector<16xi32>], vector<16xf32>,
      %gather3A_389 = tpu.vector_load_idx %arg13[%add3A_273, %broadcast_in_dim3A_386] : memref<512x32xf32, #tpu.memory_space<vmem>>[vector<16xi32>, vector<16xi32>], vector<16xf32>,
      %mul3A_390 = arith.mulf %gather3A_387, %gather3A_388 : vector<16xf32>
      %add3A_391 = arith.addf %add3A_382, %mul3A_390 : vector<16xf32>
      %mul3A_392 = arith.mulf %gather3A_387, %gather3A_389 : vector<16xf32>
      %add3A_393 = arith.addf %add3A_384, %mul3A_392 : vector<16xf32>
      %broadcast_in_dim3A_394 = arith.constant 13 : i32
      %broadcast_in_dim3A_395 = vector.broadcast %broadcast_in_dim3A_394 : i32 to vector<16xi32>
      %gather3A_396 = tpu.vector_load_idx %arg11[%add3A_273, %broadcast_in_dim3A_395] : memref<512x32xf32, #tpu.memory_space<vmem>>[vector<16xi32>, vector<16xi32>], vector<16xf32>,
      %gather3A_397 = tpu.vector_load_idx %arg12[%add3A_273, %broadcast_in_dim3A_395] : memref<512x32xf32, #tpu.memory_space<vmem>>[vector<16xi32>, vector<16xi32>], vector<16xf32>,
      %gather3A_398 = tpu.vector_load_idx %arg13[%add3A_273, %broadcast_in_dim3A_395] : memref<512x32xf32, #tpu.memory_space<vmem>>[vector<16xi32>, vector<16xi32>], vector<16xf32>,
      %mul3A_399 = arith.mulf %gather3A_396, %gather3A_397 : vector<16xf32>
      %add3A_400 = arith.addf %add3A_391, %mul3A_399 : vector<16xf32>
      %mul3A_401 = arith.mulf %gather3A_396, %gather3A_398 : vector<16xf32>
      %add3A_402 = arith.addf %add3A_393, %mul3A_401 : vector<16xf32>
      %broadcast_in_dim3A_403 = arith.constant 14 : i32
      %broadcast_in_dim3A_404 = vector.broadcast %broadcast_in_dim3A_403 : i32 to vector<16xi32>
      %gather3A_405 = tpu.vector_load_idx %arg11[%add3A_273, %broadcast_in_dim3A_404] : memref<512x32xf32, #tpu.memory_space<vmem>>[vector<16xi32>, vector<16xi32>], vector<16xf32>,
      %gather3A_406 = tpu.vector_load_idx %arg12[%add3A_273, %broadcast_in_dim3A_404] : memref<512x32xf32, #tpu.memory_space<vmem>>[vector<16xi32>, vector<16xi32>], vector<16xf32>,
      %gather3A_407 = tpu.vector_load_idx %arg13[%add3A_273, %broadcast_in_dim3A_404] : memref<512x32xf32, #tpu.memory_space<vmem>>[vector<16xi32>, vector<16xi32>], vector<16xf32>,
      %mul3A_408 = arith.mulf %gather3A_405, %gather3A_406 : vector<16xf32>
      %add3A_409 = arith.addf %add3A_400, %mul3A_408 : vector<16xf32>
      %mul3A_410 = arith.mulf %gather3A_405, %gather3A_407 : vector<16xf32>
      %add3A_411 = arith.addf %add3A_402, %mul3A_410 : vector<16xf32>
      %broadcast_in_dim3A_412 = arith.constant 15 : i32
      %broadcast_in_dim3A_413 = vector.broadcast %broadcast_in_dim3A_412 : i32 to vector<16xi32>
      %gather3A_414 = tpu.vector_load_idx %arg11[%add3A_273, %broadcast_in_dim3A_413] : memref<512x32xf32, #tpu.memory_space<vmem>>[vector<16xi32>, vector<16xi32>], vector<16xf32>,
      %gather3A_415 = tpu.vector_load_idx %arg12[%add3A_273, %broadcast_in_dim3A_413] : memref<512x32xf32, #tpu.memory_space<vmem>>[vector<16xi32>, vector<16xi32>], vector<16xf32>,
      %gather3A_416 = tpu.vector_load_idx %arg13[%add3A_273, %broadcast_in_dim3A_413] : memref<512x32xf32, #tpu.memory_space<vmem>>[vector<16xi32>, vector<16xi32>], vector<16xf32>,
      %mul3A_417 = arith.mulf %gather3A_414, %gather3A_415 : vector<16xf32>
      %add3A_418 = arith.addf %add3A_409, %mul3A_417 : vector<16xf32>
      %mul3A_419 = arith.mulf %gather3A_414, %gather3A_416 : vector<16xf32>
      %add3A_420 = arith.addf %add3A_411, %mul3A_419 : vector<16xf32>
      %broadcast_in_dim3A_421 = arith.constant 16 : i32
      %broadcast_in_dim3A_422 = vector.broadcast %broadcast_in_dim3A_421 : i32 to vector<16xi32>
      %gather3A_423 = tpu.vector_load_idx %arg11[%add3A_273, %broadcast_in_dim3A_422] : memref<512x32xf32, #tpu.memory_space<vmem>>[vector<16xi32>, vector<16xi32>], vector<16xf32>,
      %gather3A_424 = tpu.vector_load_idx %arg12[%add3A_273, %broadcast_in_dim3A_422] : memref<512x32xf32, #tpu.memory_space<vmem>>[vector<16xi32>, vector<16xi32>], vector<16xf32>,
      %gather3A_425 = tpu.vector_load_idx %arg13[%add3A_273, %broadcast_in_dim3A_422] : memref<512x32xf32, #tpu.memory_space<vmem>>[vector<16xi32>, vector<16xi32>], vector<16xf32>,
      %mul3A_426 = arith.mulf %gather3A_423, %gather3A_424 : vector<16xf32>
      %add3A_427 = arith.addf %add3A_418, %mul3A_426 : vector<16xf32>
      %mul3A_428 = arith.mulf %gather3A_423, %gather3A_425 : vector<16xf32>
      %add3A_429 = arith.addf %add3A_420, %mul3A_428 : vector<16xf32>
      %broadcast_in_dim3A_430 = arith.constant 17 : i32
      %broadcast_in_dim3A_431 = vector.broadcast %broadcast_in_dim3A_430 : i32 to vector<16xi32>
      %gather3A_432 = tpu.vector_load_idx %arg11[%add3A_273, %broadcast_in_dim3A_431] : memref<512x32xf32, #tpu.memory_space<vmem>>[vector<16xi32>, vector<16xi32>], vector<16xf32>,
      %gather3A_433 = tpu.vector_load_idx %arg12[%add3A_273, %broadcast_in_dim3A_431] : memref<512x32xf32, #tpu.memory_space<vmem>>[vector<16xi32>, vector<16xi32>], vector<16xf32>,
      %gather3A_434 = tpu.vector_load_idx %arg13[%add3A_273, %broadcast_in_dim3A_431] : memref<512x32xf32, #tpu.memory_space<vmem>>[vector<16xi32>, vector<16xi32>], vector<16xf32>,
      %mul3A_435 = arith.mulf %gather3A_432, %gather3A_433 : vector<16xf32>
      %add3A_436 = arith.addf %add3A_427, %mul3A_435 : vector<16xf32>
      %mul3A_437 = arith.mulf %gather3A_432, %gather3A_434 : vector<16xf32>
      %add3A_438 = arith.addf %add3A_429, %mul3A_437 : vector<16xf32>
      %broadcast_in_dim3A_439 = arith.constant 18 : i32
      %broadcast_in_dim3A_440 = vector.broadcast %broadcast_in_dim3A_439 : i32 to vector<16xi32>
      %gather3A_441 = tpu.vector_load_idx %arg11[%add3A_273, %broadcast_in_dim3A_440] : memref<512x32xf32, #tpu.memory_space<vmem>>[vector<16xi32>, vector<16xi32>], vector<16xf32>,
      %gather3A_442 = tpu.vector_load_idx %arg12[%add3A_273, %broadcast_in_dim3A_440] : memref<512x32xf32, #tpu.memory_space<vmem>>[vector<16xi32>, vector<16xi32>], vector<16xf32>,
      %gather3A_443 = tpu.vector_load_idx %arg13[%add3A_273, %broadcast_in_dim3A_440] : memref<512x32xf32, #tpu.memory_space<vmem>>[vector<16xi32>, vector<16xi32>], vector<16xf32>,
      %mul3A_444 = arith.mulf %gather3A_441, %gather3A_442 : vector<16xf32>
      %add3A_445 = arith.addf %add3A_436, %mul3A_444 : vector<16xf32>
      %mul3A_446 = arith.mulf %gather3A_441, %gather3A_443 : vector<16xf32>
      %add3A_447 = arith.addf %add3A_438, %mul3A_446 : vector<16xf32>
      %broadcast_in_dim3A_448 = arith.constant 19 : i32
      %broadcast_in_dim3A_449 = vector.broadcast %broadcast_in_dim3A_448 : i32 to vector<16xi32>
      %gather3A_450 = tpu.vector_load_idx %arg11[%add3A_273, %broadcast_in_dim3A_449] : memref<512x32xf32, #tpu.memory_space<vmem>>[vector<16xi32>, vector<16xi32>], vector<16xf32>,
      %gather3A_451 = tpu.vector_load_idx %arg12[%add3A_273, %broadcast_in_dim3A_449] : memref<512x32xf32, #tpu.memory_space<vmem>>[vector<16xi32>, vector<16xi32>], vector<16xf32>,
      %gather3A_452 = tpu.vector_load_idx %arg13[%add3A_273, %broadcast_in_dim3A_449] : memref<512x32xf32, #tpu.memory_space<vmem>>[vector<16xi32>, vector<16xi32>], vector<16xf32>,
      %mul3A_453 = arith.mulf %gather3A_450, %gather3A_451 : vector<16xf32>
      %add3A_454 = arith.addf %add3A_445, %mul3A_453 : vector<16xf32>
      %mul3A_455 = arith.mulf %gather3A_450, %gather3A_452 : vector<16xf32>
      %add3A_456 = arith.addf %add3A_447, %mul3A_455 : vector<16xf32>
      %broadcast_in_dim3A_457 = arith.constant 20 : i32
      %broadcast_in_dim3A_458 = vector.broadcast %broadcast_in_dim3A_457 : i32 to vector<16xi32>
      %gather3A_459 = tpu.vector_load_idx %arg11[%add3A_273, %broadcast_in_dim3A_458] : memref<512x32xf32, #tpu.memory_space<vmem>>[vector<16xi32>, vector<16xi32>], vector<16xf32>,
      %gather3A_460 = tpu.vector_load_idx %arg12[%add3A_273, %broadcast_in_dim3A_458] : memref<512x32xf32, #tpu.memory_space<vmem>>[vector<16xi32>, vector<16xi32>], vector<16xf32>,
      %gather3A_461 = tpu.vector_load_idx %arg13[%add3A_273, %broadcast_in_dim3A_458] : memref<512x32xf32, #tpu.memory_space<vmem>>[vector<16xi32>, vector<16xi32>], vector<16xf32>,
      %mul3A_462 = arith.mulf %gather3A_459, %gather3A_460 : vector<16xf32>
      %add3A_463 = arith.addf %add3A_454, %mul3A_462 : vector<16xf32>
      %mul3A_464 = arith.mulf %gather3A_459, %gather3A_461 : vector<16xf32>
      %add3A_465 = arith.addf %add3A_456, %mul3A_464 : vector<16xf32>
      %broadcast_in_dim3A_466 = arith.constant 21 : i32
      %broadcast_in_dim3A_467 = vector.broadcast %broadcast_in_dim3A_466 : i32 to vector<16xi32>
      %gather3A_468 = tpu.vector_load_idx %arg11[%add3A_273, %broadcast_in_dim3A_467] : memref<512x32xf32, #tpu.memory_space<vmem>>[vector<16xi32>, vector<16xi32>], vector<16xf32>,
      %gather3A_469 = tpu.vector_load_idx %arg12[%add3A_273, %broadcast_in_dim3A_467] : memref<512x32xf32, #tpu.memory_space<vmem>>[vector<16xi32>, vector<16xi32>], vector<16xf32>,
      %gather3A_470 = tpu.vector_load_idx %arg13[%add3A_273, %broadcast_in_dim3A_467] : memref<512x32xf32, #tpu.memory_space<vmem>>[vector<16xi32>, vector<16xi32>], vector<16xf32>,
      %mul3A_471 = arith.mulf %gather3A_468, %gather3A_469 : vector<16xf32>
      %add3A_472 = arith.addf %add3A_463, %mul3A_471 : vector<16xf32>
      %mul3A_473 = arith.mulf %gather3A_468, %gather3A_470 : vector<16xf32>
      %add3A_474 = arith.addf %add3A_465, %mul3A_473 : vector<16xf32>
      %broadcast_in_dim3A_475 = arith.constant 22 : i32
      %broadcast_in_dim3A_476 = vector.broadcast %broadcast_in_dim3A_475 : i32 to vector<16xi32>
      %gather3A_477 = tpu.vector_load_idx %arg11[%add3A_273, %broadcast_in_dim3A_476] : memref<512x32xf32, #tpu.memory_space<vmem>>[vector<16xi32>, vector<16xi32>], vector<16xf32>,
      %gather3A_478 = tpu.vector_load_idx %arg12[%add3A_273, %broadcast_in_dim3A_476] : memref<512x32xf32, #tpu.memory_space<vmem>>[vector<16xi32>, vector<16xi32>], vector<16xf32>,
      %gather3A_479 = tpu.vector_load_idx %arg13[%add3A_273, %broadcast_in_dim3A_476] : memref<512x32xf32, #tpu.memory_space<vmem>>[vector<16xi32>, vector<16xi32>], vector<16xf32>,
      %mul3A_480 = arith.mulf %gather3A_477, %gather3A_478 : vector<16xf32>
      %add3A_481 = arith.addf %add3A_472, %mul3A_480 : vector<16xf32>
      %mul3A_482 = arith.mulf %gather3A_477, %gather3A_479 : vector<16xf32>
      %add3A_483 = arith.addf %add3A_474, %mul3A_482 : vector<16xf32>
      %broadcast_in_dim3A_484 = arith.constant 23 : i32
      %broadcast_in_dim3A_485 = vector.broadcast %broadcast_in_dim3A_484 : i32 to vector<16xi32>
      %gather3A_486 = tpu.vector_load_idx %arg11[%add3A_273, %broadcast_in_dim3A_485] : memref<512x32xf32, #tpu.memory_space<vmem>>[vector<16xi32>, vector<16xi32>], vector<16xf32>,
      %gather3A_487 = tpu.vector_load_idx %arg12[%add3A_273, %broadcast_in_dim3A_485] : memref<512x32xf32, #tpu.memory_space<vmem>>[vector<16xi32>, vector<16xi32>], vector<16xf32>,
      %gather3A_488 = tpu.vector_load_idx %arg13[%add3A_273, %broadcast_in_dim3A_485] : memref<512x32xf32, #tpu.memory_space<vmem>>[vector<16xi32>, vector<16xi32>], vector<16xf32>,
      %mul3A_489 = arith.mulf %gather3A_486, %gather3A_487 : vector<16xf32>
      %add3A_490 = arith.addf %add3A_481, %mul3A_489 : vector<16xf32>
      %mul3A_491 = arith.mulf %gather3A_486, %gather3A_488 : vector<16xf32>
      %add3A_492 = arith.addf %add3A_483, %mul3A_491 : vector<16xf32>
      %broadcast_in_dim3A_493 = arith.constant 24 : i32
      %broadcast_in_dim3A_494 = vector.broadcast %broadcast_in_dim3A_493 : i32 to vector<16xi32>
      %gather3A_495 = tpu.vector_load_idx %arg11[%add3A_273, %broadcast_in_dim3A_494] : memref<512x32xf32, #tpu.memory_space<vmem>>[vector<16xi32>, vector<16xi32>], vector<16xf32>,
      %gather3A_496 = tpu.vector_load_idx %arg12[%add3A_273, %broadcast_in_dim3A_494] : memref<512x32xf32, #tpu.memory_space<vmem>>[vector<16xi32>, vector<16xi32>], vector<16xf32>,
      %gather3A_497 = tpu.vector_load_idx %arg13[%add3A_273, %broadcast_in_dim3A_494] : memref<512x32xf32, #tpu.memory_space<vmem>>[vector<16xi32>, vector<16xi32>], vector<16xf32>,
      %mul3A_498 = arith.mulf %gather3A_495, %gather3A_496 : vector<16xf32>
      %add3A_499 = arith.addf %add3A_490, %mul3A_498 : vector<16xf32>
      %mul3A_500 = arith.mulf %gather3A_495, %gather3A_497 : vector<16xf32>
      %add3A_501 = arith.addf %add3A_492, %mul3A_500 : vector<16xf32>
      %broadcast_in_dim3A_502 = arith.constant 25 : i32
      %broadcast_in_dim3A_503 = vector.broadcast %broadcast_in_dim3A_502 : i32 to vector<16xi32>
      %gather3A_504 = tpu.vector_load_idx %arg11[%add3A_273, %broadcast_in_dim3A_503] : memref<512x32xf32, #tpu.memory_space<vmem>>[vector<16xi32>, vector<16xi32>], vector<16xf32>,
      %gather3A_505 = tpu.vector_load_idx %arg12[%add3A_273, %broadcast_in_dim3A_503] : memref<512x32xf32, #tpu.memory_space<vmem>>[vector<16xi32>, vector<16xi32>], vector<16xf32>,
      %gather3A_506 = tpu.vector_load_idx %arg13[%add3A_273, %broadcast_in_dim3A_503] : memref<512x32xf32, #tpu.memory_space<vmem>>[vector<16xi32>, vector<16xi32>], vector<16xf32>,
      %mul3A_507 = arith.mulf %gather3A_504, %gather3A_505 : vector<16xf32>
      %add3A_508 = arith.addf %add3A_499, %mul3A_507 : vector<16xf32>
      %mul3A_509 = arith.mulf %gather3A_504, %gather3A_506 : vector<16xf32>
      %add3A_510 = arith.addf %add3A_501, %mul3A_509 : vector<16xf32>
      %broadcast_in_dim3A_511 = arith.constant 26 : i32
      %broadcast_in_dim3A_512 = vector.broadcast %broadcast_in_dim3A_511 : i32 to vector<16xi32>
      %gather3A_513 = tpu.vector_load_idx %arg11[%add3A_273, %broadcast_in_dim3A_512] : memref<512x32xf32, #tpu.memory_space<vmem>>[vector<16xi32>, vector<16xi32>], vector<16xf32>,
      %gather3A_514 = tpu.vector_load_idx %arg12[%add3A_273, %broadcast_in_dim3A_512] : memref<512x32xf32, #tpu.memory_space<vmem>>[vector<16xi32>, vector<16xi32>], vector<16xf32>,
      %gather3A_515 = tpu.vector_load_idx %arg13[%add3A_273, %broadcast_in_dim3A_512] : memref<512x32xf32, #tpu.memory_space<vmem>>[vector<16xi32>, vector<16xi32>], vector<16xf32>,
      %mul3A_516 = arith.mulf %gather3A_513, %gather3A_514 : vector<16xf32>
      %add3A_517 = arith.addf %add3A_508, %mul3A_516 : vector<16xf32>
      %mul3A_518 = arith.mulf %gather3A_513, %gather3A_515 : vector<16xf32>
      %add3A_519 = arith.addf %add3A_510, %mul3A_518 : vector<16xf32>
      %broadcast_in_dim3A_520 = arith.constant 27 : i32
      %broadcast_in_dim3A_521 = vector.broadcast %broadcast_in_dim3A_520 : i32 to vector<16xi32>
      %gather3A_522 = tpu.vector_load_idx %arg11[%add3A_273, %broadcast_in_dim3A_521] : memref<512x32xf32, #tpu.memory_space<vmem>>[vector<16xi32>, vector<16xi32>], vector<16xf32>,
      %gather3A_523 = tpu.vector_load_idx %arg12[%add3A_273, %broadcast_in_dim3A_521] : memref<512x32xf32, #tpu.memory_space<vmem>>[vector<16xi32>, vector<16xi32>], vector<16xf32>,
      %gather3A_524 = tpu.vector_load_idx %arg13[%add3A_273, %broadcast_in_dim3A_521] : memref<512x32xf32, #tpu.memory_space<vmem>>[vector<16xi32>, vector<16xi32>], vector<16xf32>,
      %mul3A_525 = arith.mulf %gather3A_522, %gather3A_523 : vector<16xf32>
      %add3A_526 = arith.addf %add3A_517, %mul3A_525 : vector<16xf32>
      %mul3A_527 = arith.mulf %gather3A_522, %gather3A_524 : vector<16xf32>
      %add3A_528 = arith.addf %add3A_519, %mul3A_527 : vector<16xf32>
      %broadcast_in_dim3A_529 = arith.constant 28 : i32
      %broadcast_in_dim3A_530 = vector.broadcast %broadcast_in_dim3A_529 : i32 to vector<16xi32>
      %gather3A_531 = tpu.vector_load_idx %arg11[%add3A_273, %broadcast_in_dim3A_530] : memref<512x32xf32, #tpu.memory_space<vmem>>[vector<16xi32>, vector<16xi32>], vector<16xf32>,
      %gather3A_532 = tpu.vector_load_idx %arg12[%add3A_273, %broadcast_in_dim3A_530] : memref<512x32xf32, #tpu.memory_space<vmem>>[vector<16xi32>, vector<16xi32>], vector<16xf32>,
      %gather3A_533 = tpu.vector_load_idx %arg13[%add3A_273, %broadcast_in_dim3A_530] : memref<512x32xf32, #tpu.memory_space<vmem>>[vector<16xi32>, vector<16xi32>], vector<16xf32>,
      %mul3A_534 = arith.mulf %gather3A_531, %gather3A_532 : vector<16xf32>
      %add3A_535 = arith.addf %add3A_526, %mul3A_534 : vector<16xf32>
      %mul3A_536 = arith.mulf %gather3A_531, %gather3A_533 : vector<16xf32>
      %add3A_537 = arith.addf %add3A_528, %mul3A_536 : vector<16xf32>
      %broadcast_in_dim3A_538 = arith.constant 29 : i32
      %broadcast_in_dim3A_539 = vector.broadcast %broadcast_in_dim3A_538 : i32 to vector<16xi32>
      %gather3A_540 = tpu.vector_load_idx %arg11[%add3A_273, %broadcast_in_dim3A_539] : memref<512x32xf32, #tpu.memory_space<vmem>>[vector<16xi32>, vector<16xi32>], vector<16xf32>,
      %gather3A_541 = tpu.vector_load_idx %arg12[%add3A_273, %broadcast_in_dim3A_539] : memref<512x32xf32, #tpu.memory_space<vmem>>[vector<16xi32>, vector<16xi32>], vector<16xf32>,
      %gather3A_542 = tpu.vector_load_idx %arg13[%add3A_273, %broadcast_in_dim3A_539] : memref<512x32xf32, #tpu.memory_space<vmem>>[vector<16xi32>, vector<16xi32>], vector<16xf32>,
      %mul3A_543 = arith.mulf %gather3A_540, %gather3A_541 : vector<16xf32>
      %add3A_544 = arith.addf %add3A_535, %mul3A_543 : vector<16xf32>
      %mul3A_545 = arith.mulf %gather3A_540, %gather3A_542 : vector<16xf32>
      %add3A_546 = arith.addf %add3A_537, %mul3A_545 : vector<16xf32>
      %broadcast_in_dim3A_547 = arith.constant 30 : i32
      %broadcast_in_dim3A_548 = vector.broadcast %broadcast_in_dim3A_547 : i32 to vector<16xi32>
      %gather3A_549 = tpu.vector_load_idx %arg11[%add3A_273, %broadcast_in_dim3A_548] : memref<512x32xf32, #tpu.memory_space<vmem>>[vector<16xi32>, vector<16xi32>], vector<16xf32>,
      %gather3A_550 = tpu.vector_load_idx %arg12[%add3A_273, %broadcast_in_dim3A_548] : memref<512x32xf32, #tpu.memory_space<vmem>>[vector<16xi32>, vector<16xi32>], vector<16xf32>,
      %gather3A_551 = tpu.vector_load_idx %arg13[%add3A_273, %broadcast_in_dim3A_548] : memref<512x32xf32, #tpu.memory_space<vmem>>[vector<16xi32>, vector<16xi32>], vector<16xf32>,
      %mul3A_552 = arith.mulf %gather3A_549, %gather3A_550 : vector<16xf32>
      %add3A_553 = arith.addf %add3A_544, %mul3A_552 : vector<16xf32>
      %mul3A_554 = arith.mulf %gather3A_549, %gather3A_551 : vector<16xf32>
      %add3A_555 = arith.addf %add3A_546, %mul3A_554 : vector<16xf32>
      %broadcast_in_dim3A_556 = arith.constant 31 : i32
      %broadcast_in_dim3A_557 = vector.broadcast %broadcast_in_dim3A_556 : i32 to vector<16xi32>
      %gather3A_558 = tpu.vector_load_idx %arg11[%add3A_273, %broadcast_in_dim3A_557] : memref<512x32xf32, #tpu.memory_space<vmem>>[vector<16xi32>, vector<16xi32>], vector<16xf32>,
      %gather3A_559 = tpu.vector_load_idx %arg12[%add3A_273, %broadcast_in_dim3A_557] : memref<512x32xf32, #tpu.memory_space<vmem>>[vector<16xi32>, vector<16xi32>], vector<16xf32>,
      %gather3A_560 = tpu.vector_load_idx %arg13[%add3A_273, %broadcast_in_dim3A_557] : memref<512x32xf32, #tpu.memory_space<vmem>>[vector<16xi32>, vector<16xi32>], vector<16xf32>,
      %mul3A_561 = arith.mulf %gather3A_558, %gather3A_559 : vector<16xf32>
      %add3A_562 = arith.addf %add3A_553, %mul3A_561 : vector<16xf32>
      %mul3A_563 = arith.mulf %gather3A_558, %gather3A_560 : vector<16xf32>
      %add3A_564 = arith.addf %add3A_555, %mul3A_563 : vector<16xf32>
      tpu.vector_store_idx %arg14[%add3A_273, %broadcast_in_dim3A_122], %add3A_562 : memref<512x2xf32, #tpu.memory_space<vmem>>[vector<16xi32>, vector<16xi32>], vector<16xf32>,
      tpu.vector_store_idx %arg14[%add3A_273, %broadcast_in_dim3A_124], %add3A_564 : memref<512x2xf32, #tpu.memory_space<vmem>>[vector<16xi32>, vector<16xi32>], vector<16xf32>,
    }
    %scan3A_266 = arith.constant 8 : i32
    "tpu.region"() ({
      %run_scoped3A = tpu.sem_alloc : memref<!tpu.dma_semaphore, #tpu.memory_space<semaphore_mem>>
      %dma_start3A_267 = arith.constant 0 : i32
      %dma_start3A_268 = tpu.memref_slice %arg7[%mul3A_2, %dma_start3A_267] : memref<16384x2xf32, #tpu.memory_space<hbm>> -> memref<512x2xf32, #tpu.memory_space<hbm>>
      %dma_start3A_269 = arith.constant 0 : i32
      %dma_start3A_270 = tpu.memref_slice %arg7[%mul3A_2, %dma_start3A_269] : memref<16384x2xf32, #tpu.memory_space<hbm>> -> memref<512x2xf32, #tpu.memory_space<hbm>>
      tpu.enqueue_dma source(%arg14 : memref<512x2xf32, #tpu.memory_space<vmem>>) target(%dma_start3A_270 : memref<512x2xf32, #tpu.memory_space<hbm>>) target_semaphore(%run_scoped3A : memref<!tpu.dma_semaphore, #tpu.memory_space<semaphore_mem>>)
      %dma_wait3A_271 = arith.constant 0 : i32
      %dma_wait3A_272 = tpu.memref_slice %arg7[%mul3A_2, %dma_wait3A_271] : memref<16384x2xf32, #tpu.memory_space<hbm>> -> memref<512x2xf32, #tpu.memory_space<hbm>>
      %dma_wait3A_273 = arith.constant 0 : i32
      %dma_wait3A_274 = tpu.memref_slice %arg7[%mul3A_2, %dma_wait3A_273] : memref<16384x2xf32, #tpu.memory_space<hbm>> -> memref<512x2xf32, #tpu.memory_space<hbm>>
      tpu.wait_dma2 semaphore(%run_scoped3A : memref<!tpu.dma_semaphore, #tpu.memory_space<semaphore_mem>>) src(%arg14 : memref<512x2xf32, #tpu.memory_space<vmem>>) dst(%dma_wait3A_274 : memref<512x2xf32, #tpu.memory_space<hbm>>)
      tpu.yield
    }) : () -> ()
    return
  }
}

</mosaic_0001>

<sc_bundles>
// kernel: kernel.3.cloned.1.call-start
scs
__scs_entry_jumppad:
0x0: {  	(pc) =	sbr.rel $0x88, $3  }
0x1: {  	(tag) =	ssettag $0x0;
	lr =	simm.s32 $0x1  }
0x2: {  	[smem:$0x3F9C] =	sst lr;
	_ =	strace $0xD0000000  }
0x3: {  	_ = 	snop  }
0x4: {  	_ = 	snop  }
0x5: {  	_ = 	snop  }
0x6: {  	_ = 	snop  }
0x7: {  	_ = 	snop  }
__scs_overlays_trampoline_lowered:
0x8: {  	[smem:$0x3FAB] =	sst s0  }
0x9: {  	[smem:$0x3FAC] =	sst s1  }
0xa: {  	[smem:$0x3FAD] =	sst s2  }
0xb: {  	[smem:$0x3FAE] =	sst s3  }
0xc: {  	[smem:$0x3FAF] =	sst s4  }
0xd: {  	[smem:$0x3FB0] =	sst s5  }
0xe: {  	[smem:$0x3FB1] =	sst s6  }
0xf: {  	[smem:$0x3FB2] =	sst s7  }
0x10: {  	[smem:$0x3FB3] =	sst s8  }
0x11: {  	[smem:$0x3FB4] =	sst s9;
	s0 =	simm.s32 @!p0 $0x0  }
0x12: {  	s1 =	sld [smem:$0x3F9A];
	s0 =	simm.s32 @p0 $0x1  }
0x13: {  	[smem:$0x3FB5] =	sst s0;
	s0 =	simm.s32 @!p1 $0x0  }
0x14: {  	s2 =	sld [smem:$0x3F99];
	s0 =	simm.s32 @p1 $0x1  }
0x15: {  	[smem:$0x3FB6] =	sst s0;
	s0 =	simm.s32 @!p2 $0x0  }
0x16: {  	s3 =	sld [smem:$0x3FDB];
	s0 =	simm.s32 @p2 $0x1  }
0x17: {  	s4 =	simm.s32 $0x1BF5;
	[smem:$0x3FB8] =	sst s0  }
0x18: {  	s0 =	sld [smem:$0x3F9B];
	_ =	swait.ge [sflag:s4], $0x0  }
0x19: {  	s7 =	sld [smem:$0x3F9C]  }
0x1a: {  	s8 =	sadd.s32 $0xFFFFE003, lr  }
0x1b: {  	s9 =	sadd.s32 $0xFFFFFEF7, lr;
	s5 =	simm.s32 $0xFFFFFFFF;
	p2 =	slt.u32 s8, $0xFFFFF086  }
0x1c: {  	p1 =	slt.u32 s9, $0xF7A;
	s5 =	simm.s32 @!p2 $0x0  }
0x1d: {  	s5 =	simm.s32 @p1 $0x1;
	p0 =	seq.s32 s7, s2  }
0x1e: {  	s7 =	smul.u32 @!p0 $0xF7A, s2;
	p2 =	seq.s32 @!p0 s5, $0x0  }
0x1f: {  	s9 =	smul.u32 $0xF7A, s1;
	s8 =	simm.s32 @!p0 $0x1BF5;
	p2 =	por !p2, p0  }
0x20: {  	[sflag:s8] =	ssyncset.s32 @!p0 $0xFFFFF086;
	s6 =	sadd.s32 @!p0 s3, s7;
	s7 =	simm.s32 @!p0 $0x108  }
0x21: {  	s3 =	sadd.s32 s3, s9;
	s6 =	sadd.s32 @!p0 $0x88, s6;
	s7 =	simm.s32 @p2 $0x1082  }
0x22: {  	[simem:s7], [sflag:s8] =	dma.local @!p0 [hbm:s6], $0xF7A  }
0x23: {  	s9 =	sor.u32 $0xD0000000, s2;
	s6 =	simm.s32 $0x108;
	_ =	swait.ge @!p0 [sflag:s8], $0x0  }
0x24: {  	s3 =	sadd.s32 $0x88, s3;
	s6 =	simm.s32 @!p1 $0x1082;
	[sflag:s4] =	ssyncset.s32 $0xFFFFF086  }
0x25: {  	[simem:s6], [sflag:s4] =	dma.local [hbm:s3], $0xF7A  }
0x26: {  	[smem:$0x3F9C] =	sst s1;
	(tag) =	ssettag s2;
	_ =	strace s9  }
0x27: {  	s1 =	sld [smem:$0x3FAC]  }
0x28: {  	s2 =	sld [smem:$0x3FAD]  }
0x29: {  	s4 =	sld [smem:$0x3FAF]  }
0x2a: {  	p0 =	seq.s32 s5, $0x0;
	s5 =	sld [smem:$0x3FB0]  }
0x2b: {  	s6 =	sld [smem:$0x3FB1]  }
0x2c: {  	s7 =	sld [smem:$0x3FB2]  }
0x2d: {  	s3 =	simm.s32 $0x108;
	s8 =	sld [smem:$0x3FB3]  }
0x2e: {  	s3 =	simm.s32 @!p0 $0x1082;
	s9 =	sld [smem:$0x3FB4]  }
0x2f: {  	lr =	sadd.s32 s0, s3;
	s0 =	sld [smem:$0x3FAB]  }
0x30: {  	s3 =	sld [smem:$0x3FAE]  }
0x31: {  	[smem:$0x3FB7] =	sst s10  }
0x32: {  	s10 =	sld [smem:$0x3FB5];
	_ =	sdelay $0x3  }
0x33: {  	p0 =	seq.s32 s10, $0x1;
	s10 =	sld [smem:$0x3FB7];
	_ =	sdelay $0x3  }
0x34: {  	[smem:$0x3FB7] =	sst s10  }
0x35: {  	s10 =	sld [smem:$0x3FB6];
	_ =	sdelay $0x3  }
0x36: {  	p1 =	seq.s32 s10, $0x1;
	s10 =	sld [smem:$0x3FB7];
	_ =	sdelay $0x3  }
0x37: {  	[smem:$0x3FB7] =	sst s10  }
0x38: {  	s10 =	sld [smem:$0x3FB8]  }
0x39: {  	_ = 	snop;
	(pc) =	sbr.ind lr, $3  }
0x3a: {  	_ = 	snop  }
0x3b: {  	_ = 	snop  }
0x3c: {  	p2 =	seq.s32 s10, $0x1;
	s10 =	sld [smem:$0x3FB7]  }
0x3d: {  	_ =	shalt  }
0x3e: {  	_ =	shalt  }
0x3f: {  	_ =	shalt  }
0x40: {  	_ =	shalt  }
0x41: {  	_ =	shalt  }
0x42: {  	_ =	shalt  }
0x43: {  	_ =	shalt  }
0x44: {  	_ =	shalt  }
0x45: {  	_ =	shalt  }
0x46: {  	_ =	shalt  }
0x47: {  	_ =	shalt  }
0x48: {  	_ =	shalt  }
0x49: {  	_ =	shalt  }
0x4a: {  	_ =	shalt  }
0x4b: {  	_ =	shalt  }
0x4c: {  	_ =	shalt  }
0x4d: {  	_ =	shalt  }
0x4e: {  	_ =	shalt  }
0x4f: {  	_ =	shalt  }
0x50: {  	_ =	shalt  }
0x51: {  	_ =	shalt  }
0x52: {  	_ =	shalt  }
0x53: {  	_ =	shalt  }
0x54: {  	_ =	shalt  }
0x55: {  	_ =	shalt  }
0x56: {  	_ =	shalt  }
0x57: {  	_ =	shalt  }
0x58: {  	_ =	shalt  }
0x59: {  	_ =	shalt  }
0x5a: {  	_ =	shalt  }
0x5b: {  	_ =	shalt  }
0x5c: {  	_ =	shalt  }
0x5d: {  	_ =	shalt  }
0x5e: {  	_ =	shalt  }
0x5f: {  	_ =	shalt  }
0x60: {  	_ =	shalt  }
0x61: {  	_ =	shalt  }
0x62: {  	_ =	shalt  }
0x63: {  	_ =	shalt  }
0x64: {  	_ =	shalt  }
0x65: {  	_ =	shalt  }
0x66: {  	_ =	shalt  }
0x67: {  	_ =	shalt  }
0x68: {  	_ =	shalt  }
0x69: {  	_ =	shalt  }
0x6a: {  	_ =	shalt  }
0x6b: {  	_ =	shalt  }
0x6c: {  	_ =	shalt  }
0x6d: {  	_ =	shalt  }
0x6e: {  	_ =	shalt  }
0x6f: {  	_ =	shalt  }
0x70: {  	_ =	shalt  }
0x71: {  	_ =	shalt  }
0x72: {  	_ =	shalt  }
0x73: {  	_ =	shalt  }
0x74: {  	_ =	shalt  }
0x75: {  	_ =	shalt  }
0x76: {  	_ =	shalt  }
0x77: {  	_ =	shalt  }
0x78: {  	_ =	shalt  }
0x79: {  	_ =	shalt  }
0x7a: {  	_ =	shalt  }
0x7b: {  	_ =	shalt  }
0x7c: {  	_ =	shalt  }
0x7d: {  	_ =	shalt  }
0x7e: {  	_ =	shalt  }
0x7f: {  	_ =	shalt  }
0x80: {  	_ =	shalt  }
0x81: {  	_ =	shalt  }
0x82: {  	_ =	shalt  }
0x83: {  	_ =	shalt  }
0x84: {  	_ =	shalt  }
0x85: {  	_ =	shalt  }
0x86: {  	_ =	shalt  }
0x87: {  	_ =	shalt  }
.Lfunc_end0:
.L_simem_size_0:
called_computation_lowered:
.L_overlay_start_0:
0x88: {  	s2 =	sld [smem:$0x3FD9]  }
0x89: {  	s3 =	sld [smem:$0x3FFE];
	_ =	sdelay $0x1  }
0x8a: {  	s1 =	srdreg.scid  }
0x8b: {  	s0 =	sand.u32 $0x1, s1  }
0x8c: {  	s17 =	sshll.u32 s0, $0xA;
	s2 =	sadd.s32 s3, s2  }
0x8d: {  	s2 =	sadd.s32 s2, s17  }
0x8e: {  	[smem:$0x3FC3] =	sst s2  }
0x8f: {  	_ = 	snop  }
0x90: {  	s2 =	sld [smem:$0x3FC9]  }
0x91: {  	s18 =	sld [smem:$0x3FC8]  }
0x92: {  	s4 =	sld [smem:$0x3FC7];
	(tm) =	ssettm $0x1  }
0x93: {  	s5 =	sld [smem:$0x3FFB];
	_ =	sdelay $0x3  }
0x94: {  	_ =	strace s5  }
0x95: {  	s5 =	sld [smem:$0x3FFC];
	_ =	sdelay $0x3  }
0x96: {  	_ =	strace s5  }
0x97: {  	s5 =	sld [smem:$0x3FFD];
	_ =	sdelay $0x3  }
0x98: {  	_ =	strace s5  }
0x99: {  	_ =	strace $0x8FFFFFFF  }
0x9a: {  	s19 =	sld [smem:$0x3FDB];
	_ =	sdelay $0x1  }
0x9b: {  	s6 =	simm.s32 $_scs_section_size  }
0x9c: {  	s7 =	simm.s32 $_size__tile_overlayer_lowered;
	s8 =	simm.s32 $_tile_overlayer_lowered  }
0x9d: {  	s22 =	simm.s32 $0x1BFF;
	s21 =	sshll.u32 s8, $0x1;
	s5 =	sadd.s32 s6, s19  }
0x9e: {  	s9 =	simm.s32 $0x0;
	s20 =	sshll.u32 s7, $0x1;
	s7 =	sadd.s32 s21, s5  }
0x9f: {  	[timem:s9], [sflag:s22] =	dma.local [hbm:s7], s20  }
0xa0: {  	_ =	swait.ge [sflag:s22], s20  }
0xa1: {  	s6 =	ssub.s32 $0x0, s20;
	[sflag:s22] =	ssyncset.done $0x0  }
0xa2: {  	[sflag:s22] =	ssyncadd.s32 s6;
	_ =	sdelay $0x1  }
0xa3: {  	s23 =	simm.s32 $0x1B8B  }
0xa4: {  	_ =	swait.ge [sflag:s23], $0x1  }
0xa5: {  	[sflag:s23] =	ssyncset.done $0x0  }
0xa6: {  	s25 =	simm.s32 $0x1B8E;
	s24 =	sld [smem:$0x3FFE];
	[sflag:s23] =	ssyncadd.s32 $0xFFFFFFFF  }
0xa7: {  	s26 =	simm.s32 $execute0_lowered;
	[smem:$0x3FD2] =	sst s25  }
0xa8: {  	s7 =	sshll.u32 s26, $0x1;
	_ =	strace $0x80000046;
	[dreg:$0x1] =	wrdreg $0xFFFFFFFF  }
0xa9: {  	s28 =	simm.s32 $_size_execute0_lowered;
	s5 =	sadd.s32 s5, s7;
	[dreg:$0x0] =	wrdreg $0x0  }
0xaa: {  	s7 =	sshll.u32 s28, $0x1;
	[dreg:$0x2] =	wrdreg s5  }
0xab: {  	[dreg:$0x3] =	wrdreg s7  }
0xac: {  	[dreg:$0x4] =	wrdreg $0xC0  }
0xad: {  	_ =	task [dreg:s9], $0x5FFFF  }
0xae: {  	[dreg:$0x1] =	wrdreg $0xFFFFFFFF  }
0xaf: {  	[dreg:$0x0] =	wrdreg $0x60  }
0xb0: {  	[dreg:$0x2] =	wrdreg s2  }
0xb1: {  	[dreg:$0x3] =	wrdreg s18  }
0xb2: {  	[dreg:$0x4] =	wrdreg s4  }
0xb3: {  	[dreg:$0x5] =	wrdreg s24  }
0xb4: {  	[dreg:$0x6] =	wrdreg $0x9  }
0xb5: {  	_ =	task.clear_ibuf [dreg:s9], $0x7FFFF;
	_ =	strace $0x90000046  }
0xb6: {  	s29 =	simm.s32 $0x9;
	_ =	strace $0x80000048  }
0xb7: {  	_ =	swait.ge [sflag:s29], $0x1  }
0xb8: {  	[sflag:s29] =	ssyncadd.s32 $0xFFFFFFFF  }
0xb9: {  	_ =	strace $0x90000048  }
0xba: {  	_ =	sfence  }
0xbb: {  	s30 =	sld [smem:$0x0];
	_ =	sdelay $0x2  }
0xbc: {  	s31 =	sshll.u32 s1, $0xD;
	s1 =	sshrl.u32 s1, $0x2  }
0xbd: {  	s3 =	sand.u32 $0x4000, s31;
	s1 =	sadd.s32 s1, s30  }
0xbe: {  	s0 =	sor.u32 s3, s0;
	s1 =	sshll.u32 s1, $0x11  }
0xbf: {  	s0 =	sor.u32 s1, s0  }
0xc0: {  	s0 =	sadd.s32 $0x8F2B, s0  }
0xc1: {  	[sflag:s0] =	ssyncadd.remote.s32 $0x1  }
0xc2: {  	_ =	sfence.sel $0xFFFF  }
0xc3: {  	[dreg:$0x0] =	wrdreg $0xFFFFFFFF;
	(pc) =	sbr.abs _section_cstart, $3  }
0xc4: {  	[dreg:$0x1] =	wrdreg $0xFFFFFFFF  }
0xc5: {  	_ =	task.clear_ibuf [dreg:s9], $0x2FFFF;
	_ =	strace $0x9FFFFFFF  }
0xc6: {  	(tm) =	ssettm $0x7FFFFFFF  }
0xc7: {  	_ =	shalt  }
tec
execute0_lowered:
.L_overlay_start_1:
0x0: {  	(tag) =	ssettag $0x1  }
0x1: {  	s0 =	rddreg [dreg:$0x0]  }
0x2: {  	s1 =	rddreg [dreg:$0x1]  }
0x3: {  	s7 =	rddreg [dreg:$0x2]  }
0x4: {  	s5 =	rddreg [dreg:$0x3]  }
0x5: {  	s2 =	simm.s32 $0x0;
	s3 =	srdreg.scid;
	s4 =	stileid.u32  }
0x6: {  	s11 =	simm.s32 $0x200;
	s12 =	simm.s32 $0x400;
	s13 =	simm.s32 $0x80  }
0x7: {  	s14 =	simm.s32 $0x600;
	s15 =	simm.s32 $0x4600;
	s16 =	simm.s32 $0x8600  }
0x8: {  	s28 =	simm.s32 $0xA600;
	s29 =	simm.s32 $0x180;
	s30 =	simm.s32 $0x3600  }
0x9: {  	s31 =	simm.s32 $0x380;
	s17 =	simm.s32 $0xB600;
	s18 =	simm.s32 $0x1  }
0xa: {  	s19 =	simm.s32 $0xC600;
	s20 =	simm.s32 $0x2;
	s21 =	simm.s32 $0x3  }
0xb: {  	s22 =	simm.s32 $0x4;
	s23 =	simm.s32 $0x0;
	[smem:$0x7FF] =	sst s2  }
0xc: {  	s6 =	sand.u32 $0x1, s3;
	s3 =	sadd.s32 $0xF42800, s5;
	s8 =	sshll.u32 s4, $0xA  }
0xd: {  	s4 =	sadd.s32 $0x1313200, s5;
	s9 =	sshll.u32 s6, $0x9;
	s6 =	ssub.s32 $0x2, s6  }
0xe: {  	_ =	strace $0x80000047;
	s8 =	sor.u32 s9, s8;
	s26 =	sshrl.u32 s6, $0x1  }
0xf: {  	s9 =	sadd.s32 s8, s5;
	s8 =	sshrl.u32 s8, $0x3;
	s10 =	ssub.s32 s6, s26  }
0x10: {  	s26 =	simm.s32 $0x500;
	s5 =	sadd.s32 s0, s8;
	s6 =	sadd.s32 s1, s8  }
0x11: {  	s7 =	sadd.s32 s7, s8;
	s8 =	sadd.s32 $0x400, s9;
	s9 =	smax.u32 s10, $0x1  }
0x12: {  	v63 =	vlaneseq.u32;
	s10 =	simm.s32 $0x5;
	s0 =	simm.s32 $0x7600;
	s1 =	simm.s32 $0x580  }
.LBB2_1:
0x13: {  	[tilespmem:s2], [sflag:$0x5] =	stream.linear.gather [hbm4b:s5+s2], $0x200, $0x38;
	[tilespmem:$0xD600] =	vst v63  }
0x14: {  	_ =	swait.ge [sflag:s10], $0x200  }
0x15: {  	[sflag:s10] =	ssyncset.done $0x0  }
0x16: {  	[sflag:s10] =	ssyncadd.s32 $0xFFFFFE00  }
0x17: {  	[tilespmem:s11], [sflag:$0x5] =	stream.linear.gather [hbm4b:s6+s2], $0x200, $0x38;
	[tilespmem:$0xD600] =	vst v63  }
0x18: {  	_ =	swait.ge [sflag:s10], $0x200  }
0x19: {  	[sflag:s10] =	ssyncset.done $0x0  }
0x1a: {  	[sflag:s10] =	ssyncadd.s32 $0xFFFFFE00  }
0x1b: {  	[tilespmem:s12], [sflag:$0x5] =	stream.linear.gather [hbm4b:s7+s2], $0x200, $0x38;
	[tilespmem:$0xD600] =	vst v63  }
0x1c: {  	_ =	swait.ge [sflag:s10], $0x200  }
0x1d: {  	[sflag:s10] =	ssyncset.done $0x0  }
0x1e: {  	[sflag:s10] =	ssyncadd.s32 $0xFFFFFE00  }
0x1f: {  	[tilespmem:s14], [sflag:$0x1] =	stream.indirect.gather [hbm4b:s3+s13], $0x20, s2, s13, $0xb8;
	[tilespmem:$0xD600] =	vst v63  }
0x20: {  	_ = 	snop  }
0x21: {  	[tilespmem:s15], [sflag:$0x1] =	stream.indirect.gather [hbm4b:s4+s13], $0x20, s11, s13, $0xb8;
	[tilespmem:$0xD600] =	vst v63  }
0x22: {  	_ = 	snop  }
0x23: {  	[tilespmem:s16], [sflag:$0x1] =	stream.indirect.gather [hbm4b:s4+s13], $0x20, s12, s13, $0xb8;
	[tilespmem:$0xD600] =	vst v63  }
0x24: {  	s24 =	simm.s32 $0x1600  }
0x25: {  	[tilespmem:s24], [sflag:$0x2] =	stream.indirect.gather [hbm4b:s3+s13], $0x20, s13, s13, $0xb8;
	[tilespmem:$0xD600] =	vst v63  }
0x26: {  	s25 =	simm.s32 $0x5600;
	s24 =	simm.s32 $0x280  }
0x27: {  	[tilespmem:s25], [sflag:$0x2] =	stream.indirect.gather [hbm4b:s4+s13], $0x20, s24, s13, $0xb8;
	[tilespmem:$0xD600] =	vst v63  }
0x28: {  	s24 =	simm.s32 $0x480;
	s25 =	simm.s32 $0x9600  }
0x29: {  	[tilespmem:s25], [sflag:$0x2] =	stream.indirect.gather [hbm4b:s4+s13], $0x20, s24, s13, $0xb8;
	[tilespmem:$0xD600] =	vst v63  }
0x2a: {  	s24 =	simm.s32 $0x100;
	s25 =	simm.s32 $0x2600  }
0x2b: {  	[tilespmem:s25], [sflag:$0x3] =	stream.indirect.gather [hbm4b:s3+s13], $0x20, s24, s13, $0xb8;
	[tilespmem:$0xD600] =	vst v63  }
0x2c: {  	s24 =	simm.s32 $0x300;
	s25 =	simm.s32 $0x6600  }
0x2d: {  	[tilespmem:s25], [sflag:$0x3] =	stream.indirect.gather [hbm4b:s4+s13], $0x20, s24, s13, $0xb8;
	[tilespmem:$0xD600] =	vst v63  }
0x2e: {  	_ = 	snop  }
0x2f: {  	[tilespmem:s28], [sflag:$0x3] =	stream.indirect.gather [hbm4b:s4+s13], $0x20, s26, s13, $0xb8;
	[tilespmem:$0xD600] =	vst v63  }
0x30: {  	_ = 	snop  }
0x31: {  	[tilespmem:s30], [sflag:$0x4] =	stream.indirect.gather [hbm4b:s3+s13], $0x20, s29, s13, $0xb8;
	[tilespmem:$0xD600] =	vst v63  }
0x32: {  	_ = 	snop  }
0x33: {  	[tilespmem:s0], [sflag:$0x4] =	stream.indirect.gather [hbm4b:s4+s13], $0x20, s31, s13, $0xb8;
	[tilespmem:$0xD600] =	vst v63  }
0x34: {  	_ = 	snop  }
0x35: {  	[tilespmem:s17], [sflag:$0x4] =	stream.indirect.gather [hbm4b:s4+s13], $0x20, s1, s13, $0xb8;
	[tilespmem:$0xD600] =	vst v63  }
0x36: {  	_ =	swait.ge [sflag:s18], $0x1000  }
0x37: {  	[sflag:s18] =	ssyncset.done $0x0  }
0x38: {  	v1 =	vor.u32 s2, v63;
	[sflag:s18] =	ssyncadd.s32 $0xFFFFF000  }
0x39: {  	v46 =	vshll.u32 v1, $0x5;
	_ =	swait.ge [sflag:s18], $0x1000  }
0x3a: {  	v3 =	vor.u32 $0x1F, v46;
	[sflag:s18] =	ssyncset.done $0x0  }
0x3b: {  	v13 =	vor.u32 $0x1A, v46;
	[sflag:s18] =	ssyncadd.s32 $0xFFFFF000  }
0x3c: {  	v15 =	vor.u32 $0x19, v46;
	_ =	swait.ge [sflag:s18], $0x1000  }
0x3d: {  	v17 =	vor.u32 $0x18, v46;
	[sflag:s18] =	ssyncset.done $0x0  }
0x3e: {  	v19 =	vor.u32 $0x17, v46;
	[sflag:s18] =	ssyncadd.s32 $0xFFFFF000  }
0x3f: {  	v21 =	vor.u32 $0x16, v46;
	v0 =	vld.idx.msk [tilespmem:v3+s15+$0x0], $0xffff  }
0x40: {  	v23 =	vor.u32 $0x15, v46;
	v12 =	vld.idx.msk [tilespmem:v13+s15+$0x0], $0xffff  }
0x41: {  	v5 =	vor.u32 $0x1E, v46;
	v14 =	vld.idx.msk [tilespmem:v15+s15+$0x0], $0xffff  }
0x42: {  	v25 =	vor.u32 $0x14, v46;
	v16 =	vld.idx.msk [tilespmem:v17+s15+$0x0], $0xffff  }
0x43: {  	v27 =	vor.u32 $0x13, v46;
	v18 =	vld.idx.msk [tilespmem:v19+s15+$0x0], $0xffff  }
0x44: {  	v29 =	vor.u32 $0x12, v46;
	v20 =	vld.idx.msk [tilespmem:v21+s15+$0x0], $0xffff  }
0x45: {  	v31 =	vor.u32 $0x11, v46;
	v22 =	vld.idx.msk [tilespmem:v23+s15+$0x0], $0xffff  }
0x46: {  	v7 =	vor.u32 $0x1D, v46;
	[tilespmem:$0x1FFB0] =	vst v0;
	v0 =	vld.idx.msk [tilespmem:v5+s15+$0x0], $0xffff  }
0x47: {  	v33 =	vor.u32 $0x10, v46;
	v24 =	vld.idx.msk [tilespmem:v25+s15+$0x0], $0xffff  }
0x48: {  	v35 =	vor.u32 $0xF, v46;
	v26 =	vld.idx.msk [tilespmem:v27+s15+$0x0], $0xffff  }
0x49: {  	v37 =	vor.u32 $0xE, v46;
	v28 =	vld.idx.msk [tilespmem:v29+s15+$0x0], $0xffff  }
0x4a: {  	v39 =	vor.u32 $0xD, v46;
	v30 =	vld.idx.msk [tilespmem:v31+s15+$0x0], $0xffff  }
0x4b: {  	v9 =	vor.u32 $0x1C, v46;
	[tilespmem:$0x1FFC0] =	vst v0;
	v0 =	vld.idx.msk [tilespmem:v7+s15+$0x0], $0xffff  }
0x4c: {  	v41 =	vor.u32 $0xC, v46;
	v32 =	vld.idx.msk [tilespmem:v33+s15+$0x0], $0xffff  }
0x4d: {  	v43 =	vor.u32 $0xB, v46;
	v34 =	vld.idx.msk [tilespmem:v35+s15+$0x0], $0xffff  }
0x4e: {  	v45 =	vor.u32 $0xA, v46;
	v36 =	vld.idx.msk [tilespmem:v37+s15+$0x0], $0xffff  }
0x4f: {  	v48 =	vor.u32 $0x9, v46;
	v38 =	vld.idx.msk [tilespmem:v39+s15+$0x0], $0xffff  }
0x50: {  	v11 =	vor.u32 $0x1B, v46;
	[tilespmem:$0x1FFD0] =	vst v0;
	v0 =	vld.idx.msk [tilespmem:v9+s15+$0x0], $0xffff  }
0x51: {  	v50 =	vor.u32 $0x8, v46;
	v40 =	vld.idx.msk [tilespmem:v41+s15+$0x0], $0xffff  }
0x52: {  	v52 =	vor.u32 $0x7, v46;
	v42 =	vld.idx.msk [tilespmem:v43+s15+$0x0], $0xffff  }
0x53: {  	v54 =	vor.u32 $0x6, v46;
	v44 =	vld.idx.msk [tilespmem:v45+s15+$0x0], $0xffff  }
0x54: {  	v56 =	vor.u32 $0x5, v46;
	v47 =	vld.idx.msk [tilespmem:v48+s15+$0x0], $0xffff  }
0x55: {  	v58 =	vor.u32 $0x4, v46;
	[tilespmem:$0x1FFE0] =	vst v0;
	v0 =	vld.idx.msk [tilespmem:v11+s15+$0x0], $0xffff  }
0x56: {  	v49 =	vld.idx.msk [tilespmem:v50+s15+$0x0], $0xffff  }
0x57: {  	v51 =	vld.idx.msk [tilespmem:v52+s15+$0x0], $0xffff  }
0x58: {  	v53 =	vld.idx.msk [tilespmem:v54+s15+$0x0], $0xffff  }
0x59: {  	v55 =	vld.idx.msk [tilespmem:v56+s15+$0x0], $0xffff  }
0x5a: {  	v59 =	vor.u32 $0x3, v46;
	v60 =	vor.u32 $0x2, v46;
	v61 =	vor.u32 $0x1, v46;
	s24 =	simm.s32 $0x10;
	v57 =	vld.idx.msk [tilespmem:v58+s15+$0x0], $0xffff;
	[tilespmem:$0x1FFF0] =	vst v0  }
.LBB2_2:
0x5b: {  	_ =	sdelay $0x3  }
0x5c: {  	v62 =	vld.idx.msk [tilespmem:v59+s15+$0x0], $0xffff  }
0x5d: {  	v63 =	vld.idx.msk [tilespmem:v60+s15+$0x0], $0xffff  }
0x5e: {  	v0 =	vld.idx.msk [tilespmem:v61+s15+$0x0], $0xffff  }
0x5f: {  	v2 =	vld.idx.msk [tilespmem:v46+s15+$0x0], $0xffff  }
0x60: {  	v4 =	vld.idx.msk [tilespmem:v46+s14+$0x0], $0xffff  }
0x61: {  	v46 =	vld.idx.msk [tilespmem:v46+s16+$0x0], $0xffff  }
0x62: {  	v6 =	vld.idx.msk [tilespmem:v61+s14+$0x0], $0xffff  }
0x63: {  	v61 =	vld.idx.msk [tilespmem:v61+s16+$0x0], $0xffff  }
0x64: {  	v8 =	vld.idx.msk [tilespmem:v60+s14+$0x0], $0xffff  }
0x65: {  	v60 =	vld.idx.msk [tilespmem:v60+s16+$0x0], $0xffff;
	v2 =	vmul.f32 v2, v4  }
0x66: {  	v10 =	vld.idx.msk [tilespmem:v59+s14+$0x0], $0xffff;
	v4 =	vmul.f32 v46, v4  }
0x67: {  	v46 =	vld.idx.msk [tilespmem:v59+s16+$0x0], $0xffff;
	v0 =	vmul.f32 v0, v6;
	v2 =	vadd.f32 $0.0e+00, v2  }
0x68: {  	v59 =	vld.idx.msk [tilespmem:v58+s14+$0x0], $0xffff;
	v6 =	vmul.f32 v61, v6;
	v4 =	vadd.f32 $0.0e+00, v4  }
0x69: {  	v58 =	vld.idx.msk [tilespmem:v58+s16+$0x0], $0xffff;
	v0 =	vadd.f32 v0, v2;
	v2 =	vmul.f32 v63, v8  }
0x6a: {  	v61 =	vld.idx.msk [tilespmem:v56+s14+$0x0], $0xffff;
	v4 =	vadd.f32 v6, v4;
	v6 =	vmul.f32 v60, v8  }
0x6b: {  	v8 =	vld.idx.msk [tilespmem:v56+s16+$0x0], $0xffff;
	v0 =	vadd.f32 v2, v0;
	v2 =	vmul.f32 v62, v10  }
0x6c: {  	v62 =	vld.idx.msk [tilespmem:v54+s14+$0x0], $0xffff;
	v4 =	vadd.f32 v6, v4;
	v6 =	vmul.f32 v46, v10  }
0x6d: {  	v10 =	vld.idx.msk [tilespmem:v54+s16+$0x0], $0xffff;
	v0 =	vadd.f32 v2, v0;
	v2 =	vmul.f32 v57, v59  }
0x6e: {  	v57 =	vld.idx.msk [tilespmem:v52+s14+$0x0], $0xffff;
	v4 =	vadd.f32 v6, v4;
	v6 =	vmul.f32 v58, v59  }
0x6f: {  	v59 =	vld.idx.msk [tilespmem:v52+s16+$0x0], $0xffff;
	v0 =	vadd.f32 v2, v0;
	v2 =	vmul.f32 v55, v61  }
0x70: {  	v60 =	vld.idx.msk [tilespmem:v50+s14+$0x0], $0xffff;
	v4 =	vadd.f32 v6, v4;
	v6 =	vmul.f32 v8, v61  }
0x71: {  	v8 =	vld.idx.msk [tilespmem:v50+s16+$0x0], $0xffff;
	v0 =	vadd.f32 v2, v0;
	v2 =	vmul.f32 v53, v62  }
0x72: {  	v61 =	vld.idx.msk [tilespmem:v48+s14+$0x0], $0xffff;
	v4 =	vadd.f32 v6, v4;
	v6 =	vmul.f32 v10, v62  }
0x73: {  	v10 =	vld.idx.msk [tilespmem:v48+s16+$0x0], $0xffff;
	v0 =	vadd.f32 v2, v0;
	v2 =	vmul.f32 v51, v57  }
0x74: {  	v62 =	vld.idx.msk [tilespmem:v45+s14+$0x0], $0xffff;
	v4 =	vadd.f32 v6, v4;
	v6 =	vmul.f32 v59, v57  }
0x75: {  	v52 =	vld.idx.msk [tilespmem:v45+s16+$0x0], $0xffff;
	v0 =	vadd.f32 v2, v0;
	v2 =	vmul.f32 v49, v60  }
0x76: {  	v53 =	vld.idx.msk [tilespmem:v43+s14+$0x0], $0xffff;
	v4 =	vadd.f32 v6, v4;
	v6 =	vmul.f32 v8, v60  }
0x77: {  	v8 =	vld.idx.msk [tilespmem:v43+s16+$0x0], $0xffff;
	v0 =	vadd.f32 v2, v0;
	v2 =	vmul.f32 v47, v61  }
0x78: {  	v55 =	vld.idx.msk [tilespmem:v41+s14+$0x0], $0xffff;
	v4 =	vadd.f32 v6, v4;
	v6 =	vmul.f32 v10, v61  }
0x79: {  	v10 =	vld.idx.msk [tilespmem:v41+s16+$0x0], $0xffff;
	v0 =	vadd.f32 v2, v0;
	v2 =	vmul.f32 v44, v62  }
0x7a: {  	v56 =	vld.idx.msk [tilespmem:v39+s14+$0x0], $0xffff;
	v4 =	vadd.f32 v6, v4;
	v6 =	vmul.f32 v52, v62  }
0x7b: {  	v57 =	vld.idx.msk [tilespmem:v39+s16+$0x0], $0xffff;
	v0 =	vadd.f32 v2, v0;
	v2 =	vmul.f32 v42, v53  }
0x7c: {  	v58 =	vld.idx.msk [tilespmem:v37+s14+$0x0], $0xffff;
	v4 =	vadd.f32 v6, v4;
	v6 =	vmul.f32 v8, v53  }
0x7d: {  	v8 =	vld.idx.msk [tilespmem:v37+s16+$0x0], $0xffff;
	v0 =	vadd.f32 v2, v0;
	v2 =	vmul.f32 v40, v55  }
0x7e: {  	v59 =	vld.idx.msk [tilespmem:v35+s14+$0x0], $0xffff;
	v4 =	vadd.f32 v6, v4;
	v6 =	vmul.f32 v10, v55  }
0x7f: {  	v10 =	vld.idx.msk [tilespmem:v35+s16+$0x0], $0xffff;
	v0 =	vadd.f32 v2, v0;
	v2 =	vmul.f32 v38, v56  }
0x80: {  	v60 =	vld.idx.msk [tilespmem:v33+s14+$0x0], $0xffff;
	v4 =	vadd.f32 v6, v4;
	v6 =	vmul.f32 v57, v56  }
0x81: {  	v61 =	vld.idx.msk [tilespmem:v33+s16+$0x0], $0xffff;
	v0 =	vadd.f32 v2, v0;
	v2 =	vmul.f32 v36, v58  }
0x82: {  	v62 =	vld.idx.msk [tilespmem:v31+s14+$0x0], $0xffff;
	v4 =	vadd.f32 v6, v4;
	v6 =	vmul.f32 v8, v58  }
0x83: {  	v8 =	vld.idx.msk [tilespmem:v31+s16+$0x0], $0xffff;
	v0 =	vadd.f32 v2, v0;
	v2 =	vmul.f32 v34, v59  }
0x84: {  	v31 =	vld.idx.msk [tilespmem:v29+s14+$0x0], $0xffff;
	v4 =	vadd.f32 v6, v4;
	v6 =	vmul.f32 v10, v59  }
0x85: {  	v10 =	vld.idx.msk [tilespmem:v29+s16+$0x0], $0xffff;
	v0 =	vadd.f32 v2, v0;
	v2 =	vmul.f32 v32, v60  }
0x86: {  	v29 =	vld.idx.msk [tilespmem:v27+s14+$0x0], $0xffff;
	v4 =	vadd.f32 v6, v4;
	v6 =	vmul.f32 v61, v60  }
0x87: {  	v27 =	vld.idx.msk [tilespmem:v27+s16+$0x0], $0xffff;
	v0 =	vadd.f32 v2, v0;
	v2 =	vmul.f32 v30, v62  }
0x88: {  	v30 =	vld.idx.msk [tilespmem:v25+s14+$0x0], $0xffff;
	v4 =	vadd.f32 v6, v4;
	v6 =	vmul.f32 v8, v62  }
0x89: {  	v8 =	vld.idx.msk [tilespmem:v25+s16+$0x0], $0xffff;
	v0 =	vadd.f32 v2, v0;
	v2 =	vmul.f32 v28, v31  }
0x8a: {  	v25 =	vld.idx.msk [tilespmem:v23+s14+$0x0], $0xffff;
	v4 =	vadd.f32 v6, v4;
	v6 =	vmul.f32 v10, v31  }
0x8b: {  	v10 =	vld.idx.msk [tilespmem:v23+s16+$0x0], $0xffff;
	v0 =	vadd.f32 v2, v0;
	v2 =	vmul.f32 v26, v29  }
0x8c: {  	v23 =	vld.idx.msk [tilespmem:v21+s14+$0x0], $0xffff;
	v4 =	vadd.f32 v6, v4;
	v6 =	vmul.f32 v27, v29  }
0x8d: {  	v21 =	vld.idx.msk [tilespmem:v21+s16+$0x0], $0xffff;
	v0 =	vadd.f32 v2, v0;
	v2 =	vmul.f32 v24, v30  }
0x8e: {  	v24 =	vld.idx.msk [tilespmem:v19+s14+$0x0], $0xffff;
	v4 =	vadd.f32 v6, v4;
	v6 =	vmul.f32 v8, v30  }
0x8f: {  	v8 =	vld.idx.msk [tilespmem:v19+s16+$0x0], $0xffff;
	v0 =	vadd.f32 v2, v0;
	v2 =	vmul.f32 v22, v25  }
0x90: {  	v19 =	vld.idx.msk [tilespmem:v17+s14+$0x0], $0xffff;
	v4 =	vadd.f32 v6, v4  }
0x91: {  	v6 =	vmul.f32 v10, v25;
	v10 =	vld.idx.msk [tilespmem:v17+s16+$0x0], $0xffff;
	v0 =	vadd.f32 v2, v0;
	v2 =	vmul.f32 v20, v23  }
0x92: {  	v17 =	vld.idx.msk [tilespmem:v15+s14+$0x0], $0xffff  }
0x93: {  	v0 =	vadd.f32 v2, v0;
	v2 =	vmul.f32 v18, v24  }
0x94: {  	v18 =	vld.idx.msk [tilespmem:v13+s14+$0x0], $0xffff  }
0x95: {  	v0 =	vadd.f32 v2, v0;
	v2 =	vmul.f32 v16, v19  }
0x96: {  	v4 =	vadd.f32 v6, v4;
	v6 =	vmul.f32 v21, v23  }
0x97: {  	v0 =	vadd.f32 v2, v0;
	v2 =	vmul.f32 v14, v17  }
0x98: {  	v4 =	vadd.f32 v6, v4  }
0x99: {  	v6 =	vmul.f32 v8, v24;
	v8 =	vld.idx.msk [tilespmem:v13+s16+$0x0], $0xffff;
	v0 =	vadd.f32 v2, v0;
	v2 =	vmul.f32 v12, v18  }
0x9a: {  	v13 =	vld.idx.msk [tilespmem:v11+s14+$0x0], $0xffff  }
0x9b: {  	v0 =	vadd.f32 v2, v0;
	v2 =	vld [tilespmem:$0x1FFF0];
	_ =	sdelay $0x4  }
0x9c: {  	v4 =	vadd.f32 v6, v4;
	v6 =	vmul.f32 v10, v19;
	v10 =	vld.idx.msk [tilespmem:v11+s16+$0x0], $0xffff;
	v2 =	vmul.f32 v2, v13  }
0x9d: {  	v11 =	vld.idx.msk [tilespmem:v9+s14+$0x0], $0xffff  }
0x9e: {  	v0 =	vadd.f32 v2, v0;
	v2 =	vld [tilespmem:$0x1FFE0];
	_ =	sdelay $0x4  }
0x9f: {  	v15 =	vld.idx.msk [tilespmem:v15+s16+$0x0], $0xffff;
	v2 =	vmul.f32 v2, v11  }
0xa0: {  	v12 =	vld.idx.msk [tilespmem:v7+s14+$0x0], $0xffff  }
0xa1: {  	v0 =	vadd.f32 v2, v0;
	v2 =	vld [tilespmem:$0x1FFD0];
	_ =	sdelay $0x3  }
0xa2: {  	v4 =	vadd.f32 v6, v4;
	v6 =	vmul.f32 v15, v17  }
0xa3: {  	v2 =	vmul.f32 v2, v12  }
0xa4: {  	v4 =	vadd.f32 v6, v4;
	v6 =	vmul.f32 v8, v18;
	v8 =	vld.idx.msk [tilespmem:v5+s14+$0x0], $0xffff  }
0xa5: {  	v0 =	vadd.f32 v2, v0;
	v2 =	vld [tilespmem:$0x1FFC0];
	_ =	sdelay $0x1  }
0xa6: {  	v9 =	vld.idx.msk [tilespmem:v9+s16+$0x0], $0xffff;
	_ =	sdelay $0x1  }
0xa7: {  	v7 =	vld.idx.msk [tilespmem:v7+s16+$0x0], $0xffff  }
0xa8: {  	v5 =	vld.idx.msk [tilespmem:v5+s16+$0x0], $0xffff;
	v4 =	vadd.f32 v6, v4;
	v6 =	vmul.f32 v10, v13;
	v2 =	vmul.f32 v2, v8  }
0xa9: {  	v10 =	vld.idx.msk [tilespmem:v3+s14+$0x0], $0xffff  }
0xaa: {  	v4 =	vadd.f32 v6, v4;
	v6 =	vmul.f32 v9, v11;
	v0 =	vadd.f32 v2, v0;
	v2 =	vld [tilespmem:$0x1FFB0]  }
0xab: {  	v9 =	vld.idx.msk [tilespmem:v3+s16+$0x0], $0xffff  }
0xac: {  	v63 =	vlaneseq.u32;
	v4 =	vadd.f32 v6, v4;
	v6 =	vmul.f32 v7, v12  }
0xad: {  	v3 =	vor.u32 s24, v63  }
0xae: {  	v5 =	vmul.f32 v5, v8;
	v4 =	vadd.f32 v6, v4;
	v11 =	vshll.u32 v1, $0x3;
	v1 =	vmovc v3  }
0xaf: {  	v46 =	vshll.u32 v1, $0x5;
	v6 =	vor.u32 $0x1, v11;
	v2 =	vmul.f32 v2, v10  }
0xb0: {  	v4 =	vadd.f32 v5, v4;
	v3 =	vor.u32 $0x1F, v46;
	v8 =	vmul.f32 v9, v10  }
0xb1: {  	v13 =	vor.u32 $0x1A, v46;
	v0 =	vadd.f32 v2, v0  }
0xb2: {  	v15 =	vor.u32 $0x19, v46;
	v2 =	vadd.f32 v8, v4  }
0xb3: {  	v17 =	vor.u32 $0x18, v46;
	[tilespmem:v11+s19+$0x0] =	vst.idx.msk $0xffff, v0  }
0xb4: {  	v19 =	vor.u32 $0x17, v46;
	[tilespmem:v6+s19+$0x0] =	vst.idx.msk $0xffff, v2  }
0xb5: {  	v21 =	vor.u32 $0x16, v46;
	v0 =	vld.idx.msk [tilespmem:v3+s15+$0x0], $0xffff  }
0xb6: {  	v23 =	vor.u32 $0x15, v46;
	v12 =	vld.idx.msk [tilespmem:v13+s15+$0x0], $0xffff  }
0xb7: {  	v5 =	vor.u32 $0x1E, v46;
	v14 =	vld.idx.msk [tilespmem:v15+s15+$0x0], $0xffff  }
0xb8: {  	v25 =	vor.u32 $0x14, v46;
	v16 =	vld.idx.msk [tilespmem:v17+s15+$0x0], $0xffff  }
0xb9: {  	v27 =	vor.u32 $0x13, v46;
	v18 =	vld.idx.msk [tilespmem:v19+s15+$0x0], $0xffff  }
0xba: {  	v29 =	vor.u32 $0x12, v46;
	v20 =	vld.idx.msk [tilespmem:v21+s15+$0x0], $0xffff  }
0xbb: {  	v31 =	vor.u32 $0x11, v46;
	v22 =	vld.idx.msk [tilespmem:v23+s15+$0x0], $0xffff  }
0xbc: {  	v7 =	vor.u32 $0x1D, v46;
	[tilespmem:$0x1FFB0] =	vst v0;
	v0 =	vld.idx.msk [tilespmem:v5+s15+$0x0], $0xffff  }
0xbd: {  	v33 =	vor.u32 $0x10, v46;
	v24 =	vld.idx.msk [tilespmem:v25+s15+$0x0], $0xffff  }
0xbe: {  	v35 =	vor.u32 $0xF, v46;
	v26 =	vld.idx.msk [tilespmem:v27+s15+$0x0], $0xffff  }
0xbf: {  	v37 =	vor.u32 $0xE, v46;
	v28 =	vld.idx.msk [tilespmem:v29+s15+$0x0], $0xffff  }
0xc0: {  	v39 =	vor.u32 $0xD, v46;
	v30 =	vld.idx.msk [tilespmem:v31+s15+$0x0], $0xffff  }
0xc1: {  	v9 =	vor.u32 $0x1C, v46;
	[tilespmem:$0x1FFC0] =	vst v0;
	v0 =	vld.idx.msk [tilespmem:v7+s15+$0x0], $0xffff  }
0xc2: {  	v41 =	vor.u32 $0xC, v46;
	v32 =	vld.idx.msk [tilespmem:v33+s15+$0x0], $0xffff  }
0xc3: {  	v43 =	vor.u32 $0xB, v46;
	v34 =	vld.idx.msk [tilespmem:v35+s15+$0x0], $0xffff  }
0xc4: {  	v45 =	vor.u32 $0xA, v46;
	v36 =	vld.idx.msk [tilespmem:v37+s15+$0x0], $0xffff  }
0xc5: {  	v48 =	vor.u32 $0x9, v46;
	v38 =	vld.idx.msk [tilespmem:v39+s15+$0x0], $0xffff  }
0xc6: {  	v11 =	vor.u32 $0x1B, v46;
	[tilespmem:$0x1FFD0] =	vst v0;
	v0 =	vld.idx.msk [tilespmem:v9+s15+$0x0], $0xffff  }
0xc7: {  	v50 =	vor.u32 $0x8, v46;
	v40 =	vld.idx.msk [tilespmem:v41+s15+$0x0], $0xffff  }
0xc8: {  	v52 =	vor.u32 $0x7, v46;
	v42 =	vld.idx.msk [tilespmem:v43+s15+$0x0], $0xffff  }
0xc9: {  	v54 =	vor.u32 $0x6, v46;
	v44 =	vld.idx.msk [tilespmem:v45+s15+$0x0], $0xffff  }
0xca: {  	v56 =	vor.u32 $0x5, v46;
	v47 =	vld.idx.msk [tilespmem:v48+s15+$0x0], $0xffff  }
0xcb: {  	p0 =	sne.s32 s24, $0x70;
	v58 =	vor.u32 $0x4, v46;
	[tilespmem:$0x1FFE0] =	vst v0;
	v0 =	vld.idx.msk [tilespmem:v11+s15+$0x0], $0xffff  }
.Ltmp0:
0xcc: {  	v49 =	vld.idx.msk [tilespmem:v50+s15+$0x0], $0xffff;
	(pc) =	sbr.rel @p0 .LBB2_2-.Ltmp0, $4  }
0xcd: {  	v51 =	vld.idx.msk [tilespmem:v52+s15+$0x0], $0xffff  }
0xce: {  	v53 =	vld.idx.msk [tilespmem:v54+s15+$0x0], $0xffff  }
0xcf: {  	v55 =	vld.idx.msk [tilespmem:v56+s15+$0x0], $0xffff  }
0xd0: {  	s24 =	sadd.s32 $0x10, s24;
	v59 =	vor.u32 $0x3, v46;
	v60 =	vor.u32 $0x2, v46;
	v61 =	vor.u32 $0x1, v46;
	v57 =	vld.idx.msk [tilespmem:v58+s15+$0x0], $0xffff;
	[tilespmem:$0x1FFF0] =	vst v0  }
0xd1: {  	_ =	sdelay $0x3  }
0xd2: {  	v0 =	vld.idx.msk [tilespmem:v61+s15+$0x0], $0xffff  }
0xd3: {  	v2 =	vld.idx.msk [tilespmem:v46+s15+$0x0], $0xffff  }
0xd4: {  	v4 =	vld.idx.msk [tilespmem:v46+s14+$0x0], $0xffff  }
0xd5: {  	v6 =	vld.idx.msk [tilespmem:v46+s16+$0x0], $0xffff  }
0xd6: {  	v8 =	vld.idx.msk [tilespmem:v61+s14+$0x0], $0xffff  }
0xd7: {  	v10 =	vld.idx.msk [tilespmem:v61+s16+$0x0], $0xffff  }
0xd8: {  	v46 =	vld.idx.msk [tilespmem:v60+s15+$0x0], $0xffff  }
0xd9: {  	v61 =	vld.idx.msk [tilespmem:v60+s14+$0x0], $0xffff  }
0xda: {  	v60 =	vld.idx.msk [tilespmem:v60+s16+$0x0], $0xffff  }
0xdb: {  	v62 =	vld.idx.msk [tilespmem:v59+s15+$0x0], $0xffff;
	v2 =	vmul.f32 v2, v4  }
0xdc: {  	v4 =	vmul.f32 v6, v4;
	v6 =	vld.idx.msk [tilespmem:v59+s14+$0x0], $0xffff  }
0xdd: {  	v59 =	vld.idx.msk [tilespmem:v59+s16+$0x0], $0xffff;
	v0 =	vmul.f32 v0, v8;
	v2 =	vadd.f32 $0.0e+00, v2  }
0xde: {  	v8 =	vmul.f32 v10, v8;
	v10 =	vld.idx.msk [tilespmem:v58+s14+$0x0], $0xffff;
	v4 =	vadd.f32 $0.0e+00, v4  }
0xdf: {  	v46 =	vmul.f32 v46, v61;
	v0 =	vadd.f32 v0, v2;
	v2 =	vld.idx.msk [tilespmem:v58+s16+$0x0], $0xffff  }
0xe0: {  	v4 =	vadd.f32 v8, v4;
	v8 =	vmul.f32 v60, v61;
	v58 =	vld.idx.msk [tilespmem:v56+s14+$0x0], $0xffff  }
0xe1: {  	v60 =	vmul.f32 v62, v6;
	v0 =	vadd.f32 v46, v0;
	v46 =	vld.idx.msk [tilespmem:v56+s16+$0x0], $0xffff  }
0xe2: {  	v6 =	vmul.f32 v59, v6;
	v4 =	vadd.f32 v8, v4;
	v8 =	vld.idx.msk [tilespmem:v54+s14+$0x0], $0xffff  }
0xe3: {  	v61 =	vld.idx.msk [tilespmem:v54+s16+$0x0], $0xffff;
	v62 =	vmul.f32 v57, v10;
	v0 =	vadd.f32 v60, v0  }
0xe4: {  	v4 =	vadd.f32 v6, v4;
	v6 =	vld.idx.msk [tilespmem:v52+s14+$0x0], $0xffff;
	v2 =	vmul.f32 v2, v10  }
0xe5: {  	v10 =	vld.idx.msk [tilespmem:v52+s16+$0x0], $0xffff;
	v56 =	vmul.f32 v55, v58;
	v0 =	vadd.f32 v62, v0  }
0xe6: {  	v2 =	vadd.f32 v2, v4;
	v4 =	vld.idx.msk [tilespmem:v50+s14+$0x0], $0xffff;
	v46 =	vmul.f32 v46, v58  }
0xe7: {  	v57 =	vld.idx.msk [tilespmem:v50+s16+$0x0], $0xffff;
	v58 =	vmul.f32 v53, v8;
	v0 =	vadd.f32 v56, v0  }
0xe8: {  	v59 =	vld.idx.msk [tilespmem:v48+s14+$0x0], $0xffff;
	v8 =	vmul.f32 v61, v8;
	v2 =	vadd.f32 v46, v2  }
0xe9: {  	v60 =	vld.idx.msk [tilespmem:v48+s16+$0x0], $0xffff;
	v61 =	vmul.f32 v51, v6;
	v0 =	vadd.f32 v58, v0  }
0xea: {  	v62 =	vld.idx.msk [tilespmem:v45+s14+$0x0], $0xffff;
	v6 =	vmul.f32 v10, v6;
	v2 =	vadd.f32 v8, v2  }
0xeb: {  	v8 =	vld.idx.msk [tilespmem:v45+s16+$0x0], $0xffff;
	v0 =	vadd.f32 v61, v0;
	v10 =	vmul.f32 v49, v4  }
0xec: {  	v52 =	vld.idx.msk [tilespmem:v43+s14+$0x0], $0xffff;
	v4 =	vmul.f32 v57, v4;
	v2 =	vadd.f32 v6, v2  }
0xed: {  	v6 =	vld.idx.msk [tilespmem:v43+s16+$0x0], $0xffff;
	v0 =	vadd.f32 v10, v0;
	v10 =	vmul.f32 v47, v59  }
0xee: {  	v54 =	vld.idx.msk [tilespmem:v41+s14+$0x0], $0xffff;
	v2 =	vadd.f32 v4, v2;
	v4 =	vmul.f32 v60, v59  }
0xef: {  	v55 =	vld.idx.msk [tilespmem:v41+s16+$0x0], $0xffff;
	v0 =	vadd.f32 v10, v0;
	v10 =	vmul.f32 v44, v62  }
0xf0: {  	v56 =	vld.idx.msk [tilespmem:v39+s14+$0x0], $0xffff;
	v2 =	vadd.f32 v4, v2;
	v4 =	vmul.f32 v8, v62  }
0xf1: {  	v8 =	vld.idx.msk [tilespmem:v39+s16+$0x0], $0xffff;
	v0 =	vadd.f32 v10, v0;
	v10 =	vmul.f32 v42, v52  }
0xf2: {  	v57 =	vld.idx.msk [tilespmem:v37+s14+$0x0], $0xffff;
	v2 =	vadd.f32 v4, v2;
	v4 =	vmul.f32 v6, v52  }
0xf3: {  	v6 =	vld.idx.msk [tilespmem:v37+s16+$0x0], $0xffff;
	v0 =	vadd.f32 v10, v0;
	v10 =	vmul.f32 v40, v54  }
0xf4: {  	v58 =	vld.idx.msk [tilespmem:v35+s14+$0x0], $0xffff;
	v2 =	vadd.f32 v4, v2;
	v4 =	vmul.f32 v55, v54  }
0xf5: {  	v59 =	vld.idx.msk [tilespmem:v35+s16+$0x0], $0xffff;
	v0 =	vadd.f32 v10, v0;
	v10 =	vmul.f32 v38, v56  }
0xf6: {  	v60 =	vld.idx.msk [tilespmem:v33+s14+$0x0], $0xffff;
	v2 =	vadd.f32 v4, v2;
	v4 =	vmul.f32 v8, v56  }
0xf7: {  	v8 =	vld.idx.msk [tilespmem:v33+s16+$0x0], $0xffff;
	v0 =	vadd.f32 v10, v0;
	v10 =	vmul.f32 v36, v57  }
0xf8: {  	v61 =	vld.idx.msk [tilespmem:v31+s14+$0x0], $0xffff;
	v2 =	vadd.f32 v4, v2;
	v4 =	vmul.f32 v6, v57  }
0xf9: {  	v6 =	vld.idx.msk [tilespmem:v31+s16+$0x0], $0xffff;
	v0 =	vadd.f32 v10, v0;
	v10 =	vmul.f32 v34, v58  }
0xfa: {  	v31 =	vld.idx.msk [tilespmem:v29+s14+$0x0], $0xffff;
	v2 =	vadd.f32 v4, v2;
	v4 =	vmul.f32 v59, v58  }
0xfb: {  	v29 =	vld.idx.msk [tilespmem:v29+s16+$0x0], $0xffff;
	v0 =	vadd.f32 v10, v0;
	v10 =	vmul.f32 v32, v60  }
0xfc: {  	v62 =	vld.idx.msk [tilespmem:v27+s14+$0x0], $0xffff;
	v2 =	vadd.f32 v4, v2;
	v4 =	vmul.f32 v8, v60  }
0xfd: {  	v8 =	vld.idx.msk [tilespmem:v27+s16+$0x0], $0xffff;
	v0 =	vadd.f32 v10, v0;
	v10 =	vmul.f32 v30, v61  }
0xfe: {  	v27 =	vld.idx.msk [tilespmem:v25+s14+$0x0], $0xffff;
	v2 =	vadd.f32 v4, v2;
	v4 =	vmul.f32 v6, v61  }
0xff: {  	v6 =	vld.idx.msk [tilespmem:v25+s16+$0x0], $0xffff;
	v0 =	vadd.f32 v10, v0;
	v10 =	vmul.f32 v28, v31  }
0x100: {  	v25 =	vld.idx.msk [tilespmem:v23+s14+$0x0], $0xffff;
	v2 =	vadd.f32 v4, v2;
	v4 =	vmul.f32 v29, v31  }
0x101: {  	v23 =	vld.idx.msk [tilespmem:v23+s16+$0x0], $0xffff;
	v0 =	vadd.f32 v10, v0;
	v10 =	vmul.f32 v26, v62  }
0x102: {  	v26 =	vld.idx.msk [tilespmem:v21+s14+$0x0], $0xffff;
	v2 =	vadd.f32 v4, v2;
	v4 =	vmul.f32 v8, v62  }
0x103: {  	v8 =	vld.idx.msk [tilespmem:v21+s16+$0x0], $0xffff;
	v0 =	vadd.f32 v10, v0;
	v10 =	vmul.f32 v24, v27  }
0x104: {  	v21 =	vld.idx.msk [tilespmem:v19+s14+$0x0], $0xffff;
	v2 =	vadd.f32 v4, v2;
	v4 =	vmul.f32 v6, v27  }
0x105: {  	v6 =	vld.idx.msk [tilespmem:v19+s16+$0x0], $0xffff;
	v0 =	vadd.f32 v10, v0;
	v10 =	vmul.f32 v22, v25  }
0x106: {  	v19 =	vld.idx.msk [tilespmem:v17+s14+$0x0], $0xffff;
	v2 =	vadd.f32 v4, v2;
	v4 =	vmul.f32 v23, v25  }
0x107: {  	v17 =	vld.idx.msk [tilespmem:v17+s16+$0x0], $0xffff;
	v0 =	vadd.f32 v10, v0;
	v10 =	vmul.f32 v20, v26  }
0x108: {  	v20 =	vld.idx.msk [tilespmem:v15+s14+$0x0], $0xffff;
	v2 =	vadd.f32 v4, v2;
	v4 =	vmul.f32 v8, v26  }
0x109: {  	v8 =	vld.idx.msk [tilespmem:v15+s16+$0x0], $0xffff;
	v0 =	vadd.f32 v10, v0;
	v10 =	vmul.f32 v18, v21  }
0x10a: {  	v15 =	vld.idx.msk [tilespmem:v13+s14+$0x0], $0xffff;
	v2 =	vadd.f32 v4, v2;
	v4 =	vmul.f32 v6, v21  }
0x10b: {  	v6 =	vld.idx.msk [tilespmem:v13+s16+$0x0], $0xffff;
	v0 =	vadd.f32 v10, v0;
	v10 =	vmul.f32 v16, v19  }
0x10c: {  	v2 =	vadd.f32 v4, v2;
	v4 =	vmul.f32 v17, v19  }
0x10d: {  	v0 =	vadd.f32 v10, v0;
	v10 =	vmul.f32 v14, v20  }
0x10e: {  	v13 =	vld.idx.msk [tilespmem:v11+s14+$0x0], $0xffff;
	v2 =	vadd.f32 v4, v2;
	v4 =	vmul.f32 v8, v20  }
0x10f: {  	v0 =	vadd.f32 v10, v0;
	v10 =	vld.idx.msk [tilespmem:v7+s14+$0x0], $0xffff  }
0x110: {  	v2 =	vadd.f32 v4, v2;
	v4 =	vmul.f32 v6, v15;
	v6 =	vld.idx.msk [tilespmem:v7+s16+$0x0], $0xffff  }
0x111: {  	v7 =	vld [tilespmem:$0x1FFF0];
	_ =	sdelay $0x1  }
0x112: {  	v14 =	vld.idx.msk [tilespmem:v9+s14+$0x0], $0xffff  }
0x113: {  	v8 =	vld.idx.msk [tilespmem:v9+s16+$0x0], $0xffff;
	v9 =	vmul.f32 v12, v15;
	_ =	sdelay $0x1  }
0x114: {  	v0 =	vadd.f32 v9, v0;
	v7 =	vmul.f32 v7, v13  }
0x115: {  	v11 =	vld.idx.msk [tilespmem:v11+s16+$0x0], $0xffff  }
0x116: {  	v0 =	vadd.f32 v7, v0;
	v7 =	vld [tilespmem:$0x1FFE0];
	_ =	sdelay $0x4  }
0x117: {  	v9 =	vld.idx.msk [tilespmem:v5+s14+$0x0], $0xffff;
	v2 =	vadd.f32 v4, v2;
	v4 =	vmul.f32 v11, v13;
	v7 =	vmul.f32 v7, v14  }
0x118: {  	v5 =	vld.idx.msk [tilespmem:v5+s16+$0x0], $0xffff  }
0x119: {  	v2 =	vadd.f32 v4, v2;
	v4 =	vmul.f32 v8, v14;
	v0 =	vadd.f32 v7, v0;
	v7 =	vld [tilespmem:$0x1FFD0];
	_ =	sdelay $0x1  }
0x11a: {  	v2 =	vadd.f32 v4, v2;
	v4 =	vmul.f32 v6, v10;
	v6 =	vld [tilespmem:$0x1FFC0]  }
0x11b: {  	v11 =	vld.idx.msk [tilespmem:v3+s14+$0x0], $0xffff  }
0x11c: {  	v2 =	vadd.f32 v4, v2;
	v4 =	vmul.f32 v5, v9;
	v5 =	vld [tilespmem:$0x1FFB0]  }
0x11d: {  	v3 =	vld.idx.msk [tilespmem:v3+s16+$0x0], $0xffff;
	v7 =	vmul.f32 v7, v10;
	_ =	sdelay $0x1  }
0x11e: {  	v6 =	vmul.f32 v6, v9;
	v0 =	vadd.f32 v7, v0  }
0x11f: {  	v1 =	vshll.u32 v1, $0x3  }
0x120: {  	v5 =	vmul.f32 v5, v11;
	v0 =	vadd.f32 v6, v0;
	v6 =	vor.u32 $0x1, v1  }
0x121: {  	v3 =	vmul.f32 v3, v11;
	v2 =	vadd.f32 v4, v2  }
0x122: {  	v0 =	vadd.f32 v5, v0  }
0x123: {  	v2 =	vadd.f32 v3, v2  }
0x124: {  	[tilespmem:v1+s19+$0x0] =	vst.idx.msk $0xffff, v0  }
0x125: {  	[tilespmem:v6+s19+$0x0] =	vst.idx.msk $0xffff, v2  }
0x126: {  	_ =	swait.ge [sflag:s20], $0x1000  }
0x127: {  	s24 =	simm.s32 $0x80;
	[sflag:s20] =	ssyncset.done $0x0  }
0x128: {  	v1 =	vor.u32 s24, v63;
	[sflag:s20] =	ssyncadd.s32 $0xFFFFF000  }
0x129: {  	v46 =	vshll.u32 v1, $0x5;
	_ =	swait.ge [sflag:s20], $0x1000  }
0x12a: {  	v3 =	vor.u32 $0x1F, v46;
	[sflag:s20] =	ssyncset.done $0x0  }
0x12b: {  	v13 =	vor.u32 $0x1A, v46;
	[sflag:s20] =	ssyncadd.s32 $0xFFFFF000  }
0x12c: {  	v15 =	vor.u32 $0x19, v46;
	_ =	swait.ge [sflag:s20], $0x1000  }
0x12d: {  	v17 =	vor.u32 $0x18, v46;
	[sflag:s20] =	ssyncset.done $0x0  }
0x12e: {  	v19 =	vor.u32 $0x17, v46;
	[sflag:s20] =	ssyncadd.s32 $0xFFFFF000  }
0x12f: {  	v21 =	vor.u32 $0x16, v46;
	v0 =	vld.idx.msk [tilespmem:v3+s15+$0x0], $0xffff  }
0x130: {  	v23 =	vor.u32 $0x15, v46;
	v12 =	vld.idx.msk [tilespmem:v13+s15+$0x0], $0xffff  }
0x131: {  	v5 =	vor.u32 $0x1E, v46;
	v14 =	vld.idx.msk [tilespmem:v15+s15+$0x0], $0xffff  }
0x132: {  	v25 =	vor.u32 $0x14, v46;
	v16 =	vld.idx.msk [tilespmem:v17+s15+$0x0], $0xffff  }
0x133: {  	v27 =	vor.u32 $0x13, v46;
	v18 =	vld.idx.msk [tilespmem:v19+s15+$0x0], $0xffff  }
0x134: {  	v29 =	vor.u32 $0x12, v46;
	v20 =	vld.idx.msk [tilespmem:v21+s15+$0x0], $0xffff  }
0x135: {  	v31 =	vor.u32 $0x11, v46;
	v22 =	vld.idx.msk [tilespmem:v23+s15+$0x0], $0xffff  }
0x136: {  	v7 =	vor.u32 $0x1D, v46;
	[tilespmem:$0x1FF60] =	vst v0;
	v0 =	vld.idx.msk [tilespmem:v5+s15+$0x0], $0xffff  }
0x137: {  	v33 =	vor.u32 $0x10, v46;
	v24 =	vld.idx.msk [tilespmem:v25+s15+$0x0], $0xffff  }
0x138: {  	v35 =	vor.u32 $0xF, v46;
	v26 =	vld.idx.msk [tilespmem:v27+s15+$0x0], $0xffff  }
0x139: {  	v37 =	vor.u32 $0xE, v46;
	v28 =	vld.idx.msk [tilespmem:v29+s15+$0x0], $0xffff  }
0x13a: {  	v39 =	vor.u32 $0xD, v46;
	v30 =	vld.idx.msk [tilespmem:v31+s15+$0x0], $0xffff  }
0x13b: {  	v9 =	vor.u32 $0x1C, v46;
	[tilespmem:$0x1FF70] =	vst v0;
	v0 =	vld.idx.msk [tilespmem:v7+s15+$0x0], $0xffff  }
0x13c: {  	v41 =	vor.u32 $0xC, v46;
	v32 =	vld.idx.msk [tilespmem:v33+s15+$0x0], $0xffff  }
0x13d: {  	v43 =	vor.u32 $0xB, v46;
	v34 =	vld.idx.msk [tilespmem:v35+s15+$0x0], $0xffff  }
0x13e: {  	v45 =	vor.u32 $0xA, v46;
	v36 =	vld.idx.msk [tilespmem:v37+s15+$0x0], $0xffff  }
0x13f: {  	v48 =	vor.u32 $0x9, v46;
	v38 =	vld.idx.msk [tilespmem:v39+s15+$0x0], $0xffff  }
0x140: {  	v11 =	vor.u32 $0x1B, v46;
	[tilespmem:$0x1FF80] =	vst v0;
	v0 =	vld.idx.msk [tilespmem:v9+s15+$0x0], $0xffff  }
0x141: {  	v50 =	vor.u32 $0x8, v46;
	v40 =	vld.idx.msk [tilespmem:v41+s15+$0x0], $0xffff  }
0x142: {  	v52 =	vor.u32 $0x7, v46;
	v42 =	vld.idx.msk [tilespmem:v43+s15+$0x0], $0xffff  }
0x143: {  	v54 =	vor.u32 $0x6, v46;
	v44 =	vld.idx.msk [tilespmem:v45+s15+$0x0], $0xffff  }
0x144: {  	v56 =	vor.u32 $0x5, v46;
	v47 =	vld.idx.msk [tilespmem:v48+s15+$0x0], $0xffff  }
0x145: {  	v58 =	vor.u32 $0x4, v46;
	[tilespmem:$0x1FF90] =	vst v0;
	v0 =	vld.idx.msk [tilespmem:v11+s15+$0x0], $0xffff  }
0x146: {  	v49 =	vld.idx.msk [tilespmem:v50+s15+$0x0], $0xffff  }
0x147: {  	v51 =	vld.idx.msk [tilespmem:v52+s15+$0x0], $0xffff  }
0x148: {  	v53 =	vld.idx.msk [tilespmem:v54+s15+$0x0], $0xffff  }
0x149: {  	v55 =	vld.idx.msk [tilespmem:v56+s15+$0x0], $0xffff  }
0x14a: {  	s24 =	simm.s32 $0x90;
	v59 =	vor.u32 $0x3, v46;
	v60 =	vor.u32 $0x2, v46;
	v61 =	vor.u32 $0x1, v46;
	v57 =	vld.idx.msk [tilespmem:v58+s15+$0x0], $0xffff;
	[tilespmem:$0x1FFA0] =	vst v0  }
.LBB2_4:
0x14b: {  	_ =	sdelay $0x3  }
0x14c: {  	v0 =	vld.idx.msk [tilespmem:v59+s15+$0x0], $0xffff  }
0x14d: {  	v62 =	vld.idx.msk [tilespmem:v60+s15+$0x0], $0xffff  }
0x14e: {  	v63 =	vld.idx.msk [tilespmem:v61+s15+$0x0], $0xffff  }
0x14f: {  	v2 =	vld.idx.msk [tilespmem:v46+s15+$0x0], $0xffff  }
0x150: {  	v4 =	vld.idx.msk [tilespmem:v46+s14+$0x0], $0xffff  }
0x151: {  	v46 =	vld.idx.msk [tilespmem:v46+s16+$0x0], $0xffff  }
0x152: {  	v6 =	vld.idx.msk [tilespmem:v61+s14+$0x0], $0xffff  }
0x153: {  	v61 =	vld.idx.msk [tilespmem:v61+s16+$0x0], $0xffff  }
0x154: {  	v8 =	vld.idx.msk [tilespmem:v60+s14+$0x0], $0xffff  }
0x155: {  	v60 =	vld.idx.msk [tilespmem:v60+s16+$0x0], $0xffff;
	v2 =	vmul.f32 v2, v4  }
0x156: {  	v10 =	vld.idx.msk [tilespmem:v59+s14+$0x0], $0xffff;
	v4 =	vmul.f32 v46, v4  }
0x157: {  	v46 =	vld.idx.msk [tilespmem:v59+s16+$0x0], $0xffff;
	v59 =	vmul.f32 v63, v6;
	v2 =	vadd.f32 $0.0e+00, v2  }
0x158: {  	v63 =	vld.idx.msk [tilespmem:v58+s14+$0x0], $0xffff;
	v6 =	vmul.f32 v61, v6;
	v4 =	vadd.f32 $0.0e+00, v4  }
0x159: {  	v58 =	vld.idx.msk [tilespmem:v58+s16+$0x0], $0xffff;
	v2 =	vadd.f32 v59, v2;
	v59 =	vmul.f32 v62, v8  }
0x15a: {  	v61 =	vld.idx.msk [tilespmem:v56+s14+$0x0], $0xffff;
	v4 =	vadd.f32 v6, v4;
	v6 =	vmul.f32 v60, v8  }
0x15b: {  	v0 =	vmul.f32 v0, v10;
	v8 =	vld.idx.msk [tilespmem:v56+s16+$0x0], $0xffff;
	v2 =	vadd.f32 v59, v2  }
0x15c: {  	v56 =	vld.idx.msk [tilespmem:v54+s14+$0x0], $0xffff;
	v4 =	vadd.f32 v6, v4;
	v6 =	vmul.f32 v46, v10  }
0x15d: {  	v10 =	vld.idx.msk [tilespmem:v54+s16+$0x0], $0xffff;
	v0 =	vadd.f32 v0, v2;
	v2 =	vmul.f32 v57, v63  }
0x15e: {  	v57 =	vld.idx.msk [tilespmem:v52+s14+$0x0], $0xffff;
	v4 =	vadd.f32 v6, v4;
	v6 =	vmul.f32 v58, v63  }
0x15f: {  	v59 =	vld.idx.msk [tilespmem:v52+s16+$0x0], $0xffff;
	v0 =	vadd.f32 v2, v0;
	v2 =	vmul.f32 v55, v61  }
0x160: {  	v60 =	vld.idx.msk [tilespmem:v50+s14+$0x0], $0xffff;
	v4 =	vadd.f32 v6, v4;
	v6 =	vmul.f32 v8, v61  }
0x161: {  	v8 =	vld.idx.msk [tilespmem:v50+s16+$0x0], $0xffff;
	v0 =	vadd.f32 v2, v0;
	v2 =	vmul.f32 v53, v56  }
0x162: {  	v61 =	vld.idx.msk [tilespmem:v48+s14+$0x0], $0xffff;
	v4 =	vadd.f32 v6, v4;
	v6 =	vmul.f32 v10, v56  }
0x163: {  	v10 =	vld.idx.msk [tilespmem:v48+s16+$0x0], $0xffff;
	v0 =	vadd.f32 v2, v0;
	v2 =	vmul.f32 v51, v57  }
0x164: {  	v62 =	vld.idx.msk [tilespmem:v45+s14+$0x0], $0xffff;
	v4 =	vadd.f32 v6, v4;
	v6 =	vmul.f32 v59, v57  }
0x165: {  	v52 =	vld.idx.msk [tilespmem:v45+s16+$0x0], $0xffff;
	v0 =	vadd.f32 v2, v0;
	v2 =	vmul.f32 v49, v60  }
0x166: {  	v53 =	vld.idx.msk [tilespmem:v43+s14+$0x0], $0xffff;
	v4 =	vadd.f32 v6, v4;
	v6 =	vmul.f32 v8, v60  }
0x167: {  	v8 =	vld.idx.msk [tilespmem:v43+s16+$0x0], $0xffff;
	v0 =	vadd.f32 v2, v0;
	v2 =	vmul.f32 v47, v61  }
0x168: {  	v55 =	vld.idx.msk [tilespmem:v41+s14+$0x0], $0xffff;
	v4 =	vadd.f32 v6, v4;
	v6 =	vmul.f32 v10, v61  }
0x169: {  	v10 =	vld.idx.msk [tilespmem:v41+s16+$0x0], $0xffff;
	v0 =	vadd.f32 v2, v0;
	v2 =	vmul.f32 v44, v62  }
0x16a: {  	v56 =	vld.idx.msk [tilespmem:v39+s14+$0x0], $0xffff;
	v4 =	vadd.f32 v6, v4;
	v6 =	vmul.f32 v52, v62  }
0x16b: {  	v57 =	vld.idx.msk [tilespmem:v39+s16+$0x0], $0xffff;
	v0 =	vadd.f32 v2, v0;
	v2 =	vmul.f32 v42, v53  }
0x16c: {  	v58 =	vld.idx.msk [tilespmem:v37+s14+$0x0], $0xffff;
	v4 =	vadd.f32 v6, v4;
	v6 =	vmul.f32 v8, v53  }
0x16d: {  	v8 =	vld.idx.msk [tilespmem:v37+s16+$0x0], $0xffff;
	v0 =	vadd.f32 v2, v0;
	v2 =	vmul.f32 v40, v55  }
0x16e: {  	v59 =	vld.idx.msk [tilespmem:v35+s14+$0x0], $0xffff;
	v4 =	vadd.f32 v6, v4;
	v6 =	vmul.f32 v10, v55  }
0x16f: {  	v10 =	vld.idx.msk [tilespmem:v35+s16+$0x0], $0xffff;
	v0 =	vadd.f32 v2, v0;
	v2 =	vmul.f32 v38, v56  }
0x170: {  	v60 =	vld.idx.msk [tilespmem:v33+s14+$0x0], $0xffff;
	v4 =	vadd.f32 v6, v4;
	v6 =	vmul.f32 v57, v56  }
0x171: {  	v61 =	vld.idx.msk [tilespmem:v33+s16+$0x0], $0xffff;
	v0 =	vadd.f32 v2, v0;
	v2 =	vmul.f32 v36, v58  }
0x172: {  	v62 =	vld.idx.msk [tilespmem:v31+s14+$0x0], $0xffff;
	v4 =	vadd.f32 v6, v4;
	v6 =	vmul.f32 v8, v58  }
0x173: {  	v8 =	vld.idx.msk [tilespmem:v31+s16+$0x0], $0xffff;
	v0 =	vadd.f32 v2, v0;
	v2 =	vmul.f32 v34, v59  }
0x174: {  	v31 =	vld.idx.msk [tilespmem:v29+s14+$0x0], $0xffff;
	v4 =	vadd.f32 v6, v4;
	v6 =	vmul.f32 v10, v59  }
0x175: {  	v10 =	vld.idx.msk [tilespmem:v29+s16+$0x0], $0xffff;
	v0 =	vadd.f32 v2, v0;
	v2 =	vmul.f32 v32, v60  }
0x176: {  	v29 =	vld.idx.msk [tilespmem:v27+s14+$0x0], $0xffff;
	v4 =	vadd.f32 v6, v4;
	v6 =	vmul.f32 v61, v60  }
0x177: {  	v27 =	vld.idx.msk [tilespmem:v27+s16+$0x0], $0xffff;
	v0 =	vadd.f32 v2, v0;
	v2 =	vmul.f32 v30, v62  }
0x178: {  	v30 =	vld.idx.msk [tilespmem:v25+s14+$0x0], $0xffff;
	v4 =	vadd.f32 v6, v4;
	v6 =	vmul.f32 v8, v62  }
0x179: {  	v8 =	vld.idx.msk [tilespmem:v25+s16+$0x0], $0xffff;
	v0 =	vadd.f32 v2, v0;
	v2 =	vmul.f32 v28, v31  }
0x17a: {  	v25 =	vld.idx.msk [tilespmem:v23+s14+$0x0], $0xffff;
	v4 =	vadd.f32 v6, v4;
	v6 =	vmul.f32 v10, v31  }
0x17b: {  	v10 =	vld.idx.msk [tilespmem:v23+s16+$0x0], $0xffff;
	v0 =	vadd.f32 v2, v0;
	v2 =	vmul.f32 v26, v29  }
0x17c: {  	v23 =	vld.idx.msk [tilespmem:v21+s14+$0x0], $0xffff;
	v4 =	vadd.f32 v6, v4;
	v6 =	vmul.f32 v27, v29  }
0x17d: {  	v21 =	vld.idx.msk [tilespmem:v21+s16+$0x0], $0xffff;
	v0 =	vadd.f32 v2, v0;
	v2 =	vmul.f32 v24, v30  }
0x17e: {  	v24 =	vld.idx.msk [tilespmem:v19+s14+$0x0], $0xffff;
	v4 =	vadd.f32 v6, v4;
	v6 =	vmul.f32 v8, v30  }
0x17f: {  	v8 =	vld.idx.msk [tilespmem:v19+s16+$0x0], $0xffff;
	v0 =	vadd.f32 v2, v0;
	v2 =	vmul.f32 v22, v25  }
0x180: {  	v19 =	vld.idx.msk [tilespmem:v17+s14+$0x0], $0xffff;
	v4 =	vadd.f32 v6, v4  }
0x181: {  	v6 =	vmul.f32 v10, v25;
	v10 =	vld.idx.msk [tilespmem:v17+s16+$0x0], $0xffff;
	v0 =	vadd.f32 v2, v0;
	v2 =	vmul.f32 v20, v23  }
0x182: {  	v17 =	vld.idx.msk [tilespmem:v15+s14+$0x0], $0xffff  }
0x183: {  	v0 =	vadd.f32 v2, v0;
	v2 =	vmul.f32 v18, v24  }
0x184: {  	v18 =	vld.idx.msk [tilespmem:v13+s14+$0x0], $0xffff  }
0x185: {  	v0 =	vadd.f32 v2, v0;
	v2 =	vmul.f32 v16, v19  }
0x186: {  	v4 =	vadd.f32 v6, v4;
	v6 =	vmul.f32 v21, v23  }
0x187: {  	v0 =	vadd.f32 v2, v0;
	v2 =	vmul.f32 v14, v17  }
0x188: {  	v4 =	vadd.f32 v6, v4  }
0x189: {  	v6 =	vmul.f32 v8, v24;
	v8 =	vld.idx.msk [tilespmem:v13+s16+$0x0], $0xffff;
	v0 =	vadd.f32 v2, v0;
	v2 =	vmul.f32 v12, v18  }
0x18a: {  	v13 =	vld.idx.msk [tilespmem:v11+s14+$0x0], $0xffff  }
0x18b: {  	v0 =	vadd.f32 v2, v0;
	v2 =	vld [tilespmem:$0x1FFA0];
	_ =	sdelay $0x4  }
0x18c: {  	v4 =	vadd.f32 v6, v4;
	v6 =	vmul.f32 v10, v19;
	v10 =	vld.idx.msk [tilespmem:v11+s16+$0x0], $0xffff;
	v2 =	vmul.f32 v2, v13  }
0x18d: {  	v11 =	vld.idx.msk [tilespmem:v9+s14+$0x0], $0xffff  }
0x18e: {  	v0 =	vadd.f32 v2, v0;
	v2 =	vld [tilespmem:$0x1FF90];
	_ =	sdelay $0x4  }
0x18f: {  	v15 =	vld.idx.msk [tilespmem:v15+s16+$0x0], $0xffff;
	v2 =	vmul.f32 v2, v11  }
0x190: {  	v12 =	vld.idx.msk [tilespmem:v7+s14+$0x0], $0xffff  }
0x191: {  	v0 =	vadd.f32 v2, v0;
	v2 =	vld [tilespmem:$0x1FF80];
	_ =	sdelay $0x3  }
0x192: {  	v4 =	vadd.f32 v6, v4;
	v6 =	vmul.f32 v15, v17  }
0x193: {  	v2 =	vmul.f32 v2, v12  }
0x194: {  	v4 =	vadd.f32 v6, v4;
	v6 =	vmul.f32 v8, v18;
	v8 =	vld.idx.msk [tilespmem:v5+s14+$0x0], $0xffff  }
0x195: {  	v0 =	vadd.f32 v2, v0;
	v2 =	vld [tilespmem:$0x1FF70];
	_ =	sdelay $0x1  }
0x196: {  	v9 =	vld.idx.msk [tilespmem:v9+s16+$0x0], $0xffff;
	_ =	sdelay $0x1  }
0x197: {  	v7 =	vld.idx.msk [tilespmem:v7+s16+$0x0], $0xffff  }
0x198: {  	v5 =	vld.idx.msk [tilespmem:v5+s16+$0x0], $0xffff;
	v4 =	vadd.f32 v6, v4;
	v6 =	vmul.f32 v10, v13;
	v2 =	vmul.f32 v2, v8  }
0x199: {  	v10 =	vld.idx.msk [tilespmem:v3+s14+$0x0], $0xffff  }
0x19a: {  	v4 =	vadd.f32 v6, v4;
	v6 =	vmul.f32 v9, v11;
	v0 =	vadd.f32 v2, v0;
	v2 =	vld [tilespmem:$0x1FF60]  }
0x19b: {  	v9 =	vld.idx.msk [tilespmem:v3+s16+$0x0], $0xffff  }
0x19c: {  	v63 =	vlaneseq.u32;
	v4 =	vadd.f32 v6, v4;
	v6 =	vmul.f32 v7, v12  }
0x19d: {  	v3 =	vor.u32 s24, v63  }
0x19e: {  	v5 =	vmul.f32 v5, v8;
	v4 =	vadd.f32 v6, v4;
	v11 =	vshll.u32 v1, $0x3;
	v1 =	vmovc v3  }
0x19f: {  	v46 =	vshll.u32 v1, $0x5;
	v6 =	vor.u32 $0x1, v11;
	v2 =	vmul.f32 v2, v10  }
0x1a0: {  	v4 =	vadd.f32 v5, v4;
	v3 =	vor.u32 $0x1F, v46;
	v8 =	vmul.f32 v9, v10  }
0x1a1: {  	v13 =	vor.u32 $0x1A, v46;
	v0 =	vadd.f32 v2, v0  }
0x1a2: {  	v15 =	vor.u32 $0x19, v46;
	v2 =	vadd.f32 v8, v4  }
0x1a3: {  	v17 =	vor.u32 $0x18, v46;
	[tilespmem:v11+s19+$0x0] =	vst.idx.msk $0xffff, v0  }
0x1a4: {  	v19 =	vor.u32 $0x17, v46;
	[tilespmem:v6+s19+$0x0] =	vst.idx.msk $0xffff, v2  }
0x1a5: {  	v21 =	vor.u32 $0x16, v46;
	v0 =	vld.idx.msk [tilespmem:v3+s15+$0x0], $0xffff  }
0x1a6: {  	v23 =	vor.u32 $0x15, v46;
	v12 =	vld.idx.msk [tilespmem:v13+s15+$0x0], $0xffff  }
0x1a7: {  	v5 =	vor.u32 $0x1E, v46;
	v14 =	vld.idx.msk [tilespmem:v15+s15+$0x0], $0xffff  }
0x1a8: {  	v25 =	vor.u32 $0x14, v46;
	v16 =	vld.idx.msk [tilespmem:v17+s15+$0x0], $0xffff  }
0x1a9: {  	v27 =	vor.u32 $0x13, v46;
	v18 =	vld.idx.msk [tilespmem:v19+s15+$0x0], $0xffff  }
0x1aa: {  	v29 =	vor.u32 $0x12, v46;
	v20 =	vld.idx.msk [tilespmem:v21+s15+$0x0], $0xffff  }
0x1ab: {  	v31 =	vor.u32 $0x11, v46;
	v22 =	vld.idx.msk [tilespmem:v23+s15+$0x0], $0xffff  }
0x1ac: {  	v7 =	vor.u32 $0x1D, v46;
	[tilespmem:$0x1FF60] =	vst v0;
	v0 =	vld.idx.msk [tilespmem:v5+s15+$0x0], $0xffff  }
0x1ad: {  	v33 =	vor.u32 $0x10, v46;
	v24 =	vld.idx.msk [tilespmem:v25+s15+$0x0], $0xffff  }
0x1ae: {  	v35 =	vor.u32 $0xF, v46;
	v26 =	vld.idx.msk [tilespmem:v27+s15+$0x0], $0xffff  }
0x1af: {  	v37 =	vor.u32 $0xE, v46;
	v28 =	vld.idx.msk [tilespmem:v29+s15+$0x0], $0xffff  }
0x1b0: {  	v39 =	vor.u32 $0xD, v46;
	v30 =	vld.idx.msk [tilespmem:v31+s15+$0x0], $0xffff  }
0x1b1: {  	v9 =	vor.u32 $0x1C, v46;
	[tilespmem:$0x1FF70] =	vst v0;
	v0 =	vld.idx.msk [tilespmem:v7+s15+$0x0], $0xffff  }
0x1b2: {  	v41 =	vor.u32 $0xC, v46;
	v32 =	vld.idx.msk [tilespmem:v33+s15+$0x0], $0xffff  }
0x1b3: {  	v43 =	vor.u32 $0xB, v46;
	v34 =	vld.idx.msk [tilespmem:v35+s15+$0x0], $0xffff  }
0x1b4: {  	v45 =	vor.u32 $0xA, v46;
	v36 =	vld.idx.msk [tilespmem:v37+s15+$0x0], $0xffff  }
0x1b5: {  	v48 =	vor.u32 $0x9, v46;
	v38 =	vld.idx.msk [tilespmem:v39+s15+$0x0], $0xffff  }
0x1b6: {  	v11 =	vor.u32 $0x1B, v46;
	[tilespmem:$0x1FF80] =	vst v0;
	v0 =	vld.idx.msk [tilespmem:v9+s15+$0x0], $0xffff  }
0x1b7: {  	v50 =	vor.u32 $0x8, v46;
	v40 =	vld.idx.msk [tilespmem:v41+s15+$0x0], $0xffff  }
0x1b8: {  	v52 =	vor.u32 $0x7, v46;
	v42 =	vld.idx.msk [tilespmem:v43+s15+$0x0], $0xffff  }
0x1b9: {  	v54 =	vor.u32 $0x6, v46;
	v44 =	vld.idx.msk [tilespmem:v45+s15+$0x0], $0xffff  }
0x1ba: {  	v56 =	vor.u32 $0x5, v46;
	v47 =	vld.idx.msk [tilespmem:v48+s15+$0x0], $0xffff  }
0x1bb: {  	p0 =	sne.s32 s24, $0xF0;
	v58 =	vor.u32 $0x4, v46;
	[tilespmem:$0x1FF90] =	vst v0;
	v0 =	vld.idx.msk [tilespmem:v11+s15+$0x0], $0xffff  }
.Ltmp1:
0x1bc: {  	v49 =	vld.idx.msk [tilespmem:v50+s15+$0x0], $0xffff;
	(pc) =	sbr.rel @p0 .LBB2_4-.Ltmp1, $4  }
0x1bd: {  	v51 =	vld.idx.msk [tilespmem:v52+s15+$0x0], $0xffff  }
0x1be: {  	v53 =	vld.idx.msk [tilespmem:v54+s15+$0x0], $0xffff  }
0x1bf: {  	v55 =	vld.idx.msk [tilespmem:v56+s15+$0x0], $0xffff  }
0x1c0: {  	s24 =	sadd.s32 $0x10, s24;
	v59 =	vor.u32 $0x3, v46;
	v60 =	vor.u32 $0x2, v46;
	v61 =	vor.u32 $0x1, v46;
	v57 =	vld.idx.msk [tilespmem:v58+s15+$0x0], $0xffff;
	[tilespmem:$0x1FFA0] =	vst v0  }
0x1c1: {  	_ =	sdelay $0x3  }
0x1c2: {  	v0 =	vld.idx.msk [tilespmem:v61+s15+$0x0], $0xffff  }
0x1c3: {  	v2 =	vld.idx.msk [tilespmem:v46+s15+$0x0], $0xffff  }
0x1c4: {  	v4 =	vld.idx.msk [tilespmem:v46+s14+$0x0], $0xffff  }
0x1c5: {  	v6 =	vld.idx.msk [tilespmem:v46+s16+$0x0], $0xffff  }
0x1c6: {  	v8 =	vld.idx.msk [tilespmem:v61+s14+$0x0], $0xffff  }
0x1c7: {  	v10 =	vld.idx.msk [tilespmem:v61+s16+$0x0], $0xffff  }
0x1c8: {  	v46 =	vld.idx.msk [tilespmem:v60+s15+$0x0], $0xffff  }
0x1c9: {  	v61 =	vld.idx.msk [tilespmem:v60+s14+$0x0], $0xffff  }
0x1ca: {  	v60 =	vld.idx.msk [tilespmem:v60+s16+$0x0], $0xffff  }
0x1cb: {  	v62 =	vld.idx.msk [tilespmem:v59+s15+$0x0], $0xffff;
	v2 =	vmul.f32 v2, v4  }
0x1cc: {  	v4 =	vmul.f32 v6, v4;
	v6 =	vld.idx.msk [tilespmem:v59+s14+$0x0], $0xffff  }
0x1cd: {  	v59 =	vld.idx.msk [tilespmem:v59+s16+$0x0], $0xffff;
	v0 =	vmul.f32 v0, v8;
	v2 =	vadd.f32 $0.0e+00, v2  }
0x1ce: {  	v8 =	vmul.f32 v10, v8;
	v10 =	vld.idx.msk [tilespmem:v58+s14+$0x0], $0xffff;
	v4 =	vadd.f32 $0.0e+00, v4  }
0x1cf: {  	v46 =	vmul.f32 v46, v61;
	v0 =	vadd.f32 v0, v2;
	v2 =	vld.idx.msk [tilespmem:v58+s16+$0x0], $0xffff  }
0x1d0: {  	v4 =	vadd.f32 v8, v4;
	v8 =	vmul.f32 v60, v61;
	v58 =	vld.idx.msk [tilespmem:v56+s14+$0x0], $0xffff  }
0x1d1: {  	v60 =	vmul.f32 v62, v6;
	v0 =	vadd.f32 v46, v0;
	v46 =	vld.idx.msk [tilespmem:v56+s16+$0x0], $0xffff  }
0x1d2: {  	v6 =	vmul.f32 v59, v6;
	v4 =	vadd.f32 v8, v4;
	v8 =	vld.idx.msk [tilespmem:v54+s14+$0x0], $0xffff  }
0x1d3: {  	v61 =	vld.idx.msk [tilespmem:v54+s16+$0x0], $0xffff;
	v62 =	vmul.f32 v57, v10;
	v0 =	vadd.f32 v60, v0  }
0x1d4: {  	v4 =	vadd.f32 v6, v4;
	v6 =	vld.idx.msk [tilespmem:v52+s14+$0x0], $0xffff;
	v2 =	vmul.f32 v2, v10  }
0x1d5: {  	v10 =	vld.idx.msk [tilespmem:v52+s16+$0x0], $0xffff;
	v56 =	vmul.f32 v55, v58;
	v0 =	vadd.f32 v62, v0  }
0x1d6: {  	v2 =	vadd.f32 v2, v4;
	v4 =	vld.idx.msk [tilespmem:v50+s14+$0x0], $0xffff;
	v46 =	vmul.f32 v46, v58  }
0x1d7: {  	v57 =	vld.idx.msk [tilespmem:v50+s16+$0x0], $0xffff;
	v58 =	vmul.f32 v53, v8;
	v0 =	vadd.f32 v56, v0  }
0x1d8: {  	v59 =	vld.idx.msk [tilespmem:v48+s14+$0x0], $0xffff;
	v8 =	vmul.f32 v61, v8;
	v2 =	vadd.f32 v46, v2  }
0x1d9: {  	v60 =	vld.idx.msk [tilespmem:v48+s16+$0x0], $0xffff;
	v61 =	vmul.f32 v51, v6;
	v0 =	vadd.f32 v58, v0  }
0x1da: {  	v62 =	vld.idx.msk [tilespmem:v45+s14+$0x0], $0xffff;
	v6 =	vmul.f32 v10, v6;
	v2 =	vadd.f32 v8, v2  }
0x1db: {  	v8 =	vld.idx.msk [tilespmem:v45+s16+$0x0], $0xffff;
	v0 =	vadd.f32 v61, v0;
	v10 =	vmul.f32 v49, v4  }
0x1dc: {  	v52 =	vld.idx.msk [tilespmem:v43+s14+$0x0], $0xffff;
	v4 =	vmul.f32 v57, v4;
	v2 =	vadd.f32 v6, v2  }
0x1dd: {  	v6 =	vld.idx.msk [tilespmem:v43+s16+$0x0], $0xffff;
	v0 =	vadd.f32 v10, v0;
	v10 =	vmul.f32 v47, v59  }
0x1de: {  	v54 =	vld.idx.msk [tilespmem:v41+s14+$0x0], $0xffff;
	v2 =	vadd.f32 v4, v2;
	v4 =	vmul.f32 v60, v59  }
0x1df: {  	v55 =	vld.idx.msk [tilespmem:v41+s16+$0x0], $0xffff;
	v0 =	vadd.f32 v10, v0;
	v10 =	vmul.f32 v44, v62  }
0x1e0: {  	v56 =	vld.idx.msk [tilespmem:v39+s14+$0x0], $0xffff;
	v2 =	vadd.f32 v4, v2;
	v4 =	vmul.f32 v8, v62  }
0x1e1: {  	v8 =	vld.idx.msk [tilespmem:v39+s16+$0x0], $0xffff;
	v0 =	vadd.f32 v10, v0;
	v10 =	vmul.f32 v42, v52  }
0x1e2: {  	v57 =	vld.idx.msk [tilespmem:v37+s14+$0x0], $0xffff;
	v2 =	vadd.f32 v4, v2;
	v4 =	vmul.f32 v6, v52  }
0x1e3: {  	v6 =	vld.idx.msk [tilespmem:v37+s16+$0x0], $0xffff;
	v0 =	vadd.f32 v10, v0;
	v10 =	vmul.f32 v40, v54  }
0x1e4: {  	v58 =	vld.idx.msk [tilespmem:v35+s14+$0x0], $0xffff;
	v2 =	vadd.f32 v4, v2;
	v4 =	vmul.f32 v55, v54  }
0x1e5: {  	v59 =	vld.idx.msk [tilespmem:v35+s16+$0x0], $0xffff;
	v0 =	vadd.f32 v10, v0;
	v10 =	vmul.f32 v38, v56  }
0x1e6: {  	v60 =	vld.idx.msk [tilespmem:v33+s14+$0x0], $0xffff;
	v2 =	vadd.f32 v4, v2;
	v4 =	vmul.f32 v8, v56  }
0x1e7: {  	v8 =	vld.idx.msk [tilespmem:v33+s16+$0x0], $0xffff;
	v0 =	vadd.f32 v10, v0;
	v10 =	vmul.f32 v36, v57  }
0x1e8: {  	v61 =	vld.idx.msk [tilespmem:v31+s14+$0x0], $0xffff;
	v2 =	vadd.f32 v4, v2;
	v4 =	vmul.f32 v6, v57  }
0x1e9: {  	v6 =	vld.idx.msk [tilespmem:v31+s16+$0x0], $0xffff;
	v0 =	vadd.f32 v10, v0;
	v10 =	vmul.f32 v34, v58  }
0x1ea: {  	v31 =	vld.idx.msk [tilespmem:v29+s14+$0x0], $0xffff;
	v2 =	vadd.f32 v4, v2;
	v4 =	vmul.f32 v59, v58  }
0x1eb: {  	v29 =	vld.idx.msk [tilespmem:v29+s16+$0x0], $0xffff;
	v0 =	vadd.f32 v10, v0;
	v10 =	vmul.f32 v32, v60  }
0x1ec: {  	v62 =	vld.idx.msk [tilespmem:v27+s14+$0x0], $0xffff;
	v2 =	vadd.f32 v4, v2;
	v4 =	vmul.f32 v8, v60  }
0x1ed: {  	v8 =	vld.idx.msk [tilespmem:v27+s16+$0x0], $0xffff;
	v0 =	vadd.f32 v10, v0;
	v10 =	vmul.f32 v30, v61  }
0x1ee: {  	v27 =	vld.idx.msk [tilespmem:v25+s14+$0x0], $0xffff;
	v2 =	vadd.f32 v4, v2;
	v4 =	vmul.f32 v6, v61  }
0x1ef: {  	v6 =	vld.idx.msk [tilespmem:v25+s16+$0x0], $0xffff;
	v0 =	vadd.f32 v10, v0;
	v10 =	vmul.f32 v28, v31  }
0x1f0: {  	v25 =	vld.idx.msk [tilespmem:v23+s14+$0x0], $0xffff;
	v2 =	vadd.f32 v4, v2;
	v4 =	vmul.f32 v29, v31  }
0x1f1: {  	v23 =	vld.idx.msk [tilespmem:v23+s16+$0x0], $0xffff;
	v0 =	vadd.f32 v10, v0;
	v10 =	vmul.f32 v26, v62  }
0x1f2: {  	v26 =	vld.idx.msk [tilespmem:v21+s14+$0x0], $0xffff;
	v2 =	vadd.f32 v4, v2;
	v4 =	vmul.f32 v8, v62  }
0x1f3: {  	v8 =	vld.idx.msk [tilespmem:v21+s16+$0x0], $0xffff;
	v0 =	vadd.f32 v10, v0;
	v10 =	vmul.f32 v24, v27  }
0x1f4: {  	v21 =	vld.idx.msk [tilespmem:v19+s14+$0x0], $0xffff;
	v2 =	vadd.f32 v4, v2;
	v4 =	vmul.f32 v6, v27  }
0x1f5: {  	v6 =	vld.idx.msk [tilespmem:v19+s16+$0x0], $0xffff;
	v0 =	vadd.f32 v10, v0;
	v10 =	vmul.f32 v22, v25  }
0x1f6: {  	v19 =	vld.idx.msk [tilespmem:v17+s14+$0x0], $0xffff;
	v2 =	vadd.f32 v4, v2;
	v4 =	vmul.f32 v23, v25  }
0x1f7: {  	v17 =	vld.idx.msk [tilespmem:v17+s16+$0x0], $0xffff;
	v0 =	vadd.f32 v10, v0;
	v10 =	vmul.f32 v20, v26  }
0x1f8: {  	v20 =	vld.idx.msk [tilespmem:v15+s14+$0x0], $0xffff;
	v2 =	vadd.f32 v4, v2;
	v4 =	vmul.f32 v8, v26  }
0x1f9: {  	v8 =	vld.idx.msk [tilespmem:v15+s16+$0x0], $0xffff;
	v0 =	vadd.f32 v10, v0;
	v10 =	vmul.f32 v18, v21  }
0x1fa: {  	v15 =	vld.idx.msk [tilespmem:v13+s14+$0x0], $0xffff;
	v2 =	vadd.f32 v4, v2;
	v4 =	vmul.f32 v6, v21  }
0x1fb: {  	v6 =	vld.idx.msk [tilespmem:v13+s16+$0x0], $0xffff;
	v0 =	vadd.f32 v10, v0;
	v10 =	vmul.f32 v16, v19  }
0x1fc: {  	v2 =	vadd.f32 v4, v2;
	v4 =	vmul.f32 v17, v19  }
0x1fd: {  	v0 =	vadd.f32 v10, v0;
	v10 =	vmul.f32 v14, v20  }
0x1fe: {  	v13 =	vld.idx.msk [tilespmem:v11+s14+$0x0], $0xffff;
	v2 =	vadd.f32 v4, v2;
	v4 =	vmul.f32 v8, v20  }
0x1ff: {  	v0 =	vadd.f32 v10, v0;
	v10 =	vld.idx.msk [tilespmem:v7+s14+$0x0], $0xffff  }
0x200: {  	v2 =	vadd.f32 v4, v2;
	v4 =	vmul.f32 v6, v15;
	v6 =	vld.idx.msk [tilespmem:v7+s16+$0x0], $0xffff  }
0x201: {  	v7 =	vld [tilespmem:$0x1FFA0];
	_ =	sdelay $0x1  }
0x202: {  	v14 =	vld.idx.msk [tilespmem:v9+s14+$0x0], $0xffff  }
0x203: {  	v8 =	vld.idx.msk [tilespmem:v9+s16+$0x0], $0xffff;
	v9 =	vmul.f32 v12, v15;
	_ =	sdelay $0x1  }
0x204: {  	v0 =	vadd.f32 v9, v0;
	v7 =	vmul.f32 v7, v13  }
0x205: {  	v11 =	vld.idx.msk [tilespmem:v11+s16+$0x0], $0xffff  }
0x206: {  	v0 =	vadd.f32 v7, v0;
	v7 =	vld [tilespmem:$0x1FF90];
	_ =	sdelay $0x4  }
0x207: {  	v9 =	vld.idx.msk [tilespmem:v5+s14+$0x0], $0xffff;
	v2 =	vadd.f32 v4, v2;
	v4 =	vmul.f32 v11, v13;
	v7 =	vmul.f32 v7, v14  }
0x208: {  	v5 =	vld.idx.msk [tilespmem:v5+s16+$0x0], $0xffff  }
0x209: {  	v2 =	vadd.f32 v4, v2;
	v4 =	vmul.f32 v8, v14;
	v0 =	vadd.f32 v7, v0;
	v7 =	vld [tilespmem:$0x1FF80];
	_ =	sdelay $0x1  }
0x20a: {  	v2 =	vadd.f32 v4, v2;
	v4 =	vmul.f32 v6, v10;
	v6 =	vld [tilespmem:$0x1FF70]  }
0x20b: {  	v11 =	vld.idx.msk [tilespmem:v3+s14+$0x0], $0xffff  }
0x20c: {  	v2 =	vadd.f32 v4, v2;
	v4 =	vmul.f32 v5, v9;
	v5 =	vld [tilespmem:$0x1FF60]  }
0x20d: {  	v3 =	vld.idx.msk [tilespmem:v3+s16+$0x0], $0xffff;
	v7 =	vmul.f32 v7, v10;
	_ =	sdelay $0x1  }
0x20e: {  	v6 =	vmul.f32 v6, v9;
	v0 =	vadd.f32 v7, v0  }
0x20f: {  	v1 =	vshll.u32 v1, $0x3  }
0x210: {  	v5 =	vmul.f32 v5, v11;
	v0 =	vadd.f32 v6, v0;
	v6 =	vor.u32 $0x1, v1  }
0x211: {  	v3 =	vmul.f32 v3, v11;
	v2 =	vadd.f32 v4, v2  }
0x212: {  	v0 =	vadd.f32 v5, v0  }
0x213: {  	v2 =	vadd.f32 v3, v2  }
0x214: {  	[tilespmem:v1+s19+$0x0] =	vst.idx.msk $0xffff, v0  }
0x215: {  	[tilespmem:v6+s19+$0x0] =	vst.idx.msk $0xffff, v2  }
0x216: {  	_ =	swait.ge [sflag:s21], $0x1000  }
0x217: {  	s24 =	simm.s32 $0x100;
	[sflag:s21] =	ssyncset.done $0x0  }
0x218: {  	v1 =	vor.u32 s24, v63;
	[sflag:s21] =	ssyncadd.s32 $0xFFFFF000  }
0x219: {  	v46 =	vshll.u32 v1, $0x5;
	_ =	swait.ge [sflag:s21], $0x1000  }
0x21a: {  	v3 =	vor.u32 $0x1F, v46;
	[sflag:s21] =	ssyncset.done $0x0  }
0x21b: {  	v13 =	vor.u32 $0x1A, v46;
	[sflag:s21] =	ssyncadd.s32 $0xFFFFF000  }
0x21c: {  	v15 =	vor.u32 $0x19, v46;
	_ =	swait.ge [sflag:s21], $0x1000  }
0x21d: {  	v17 =	vor.u32 $0x18, v46;
	[sflag:s21] =	ssyncset.done $0x0  }
0x21e: {  	v19 =	vor.u32 $0x17, v46;
	[sflag:s21] =	ssyncadd.s32 $0xFFFFF000  }
0x21f: {  	v21 =	vor.u32 $0x16, v46;
	v0 =	vld.idx.msk [tilespmem:v3+s15+$0x0], $0xffff  }
0x220: {  	v23 =	vor.u32 $0x15, v46;
	v12 =	vld.idx.msk [tilespmem:v13+s15+$0x0], $0xffff  }
0x221: {  	v5 =	vor.u32 $0x1E, v46;
	v14 =	vld.idx.msk [tilespmem:v15+s15+$0x0], $0xffff  }
0x222: {  	v25 =	vor.u32 $0x14, v46;
	v16 =	vld.idx.msk [tilespmem:v17+s15+$0x0], $0xffff  }
0x223: {  	v27 =	vor.u32 $0x13, v46;
	v18 =	vld.idx.msk [tilespmem:v19+s15+$0x0], $0xffff  }
0x224: {  	v29 =	vor.u32 $0x12, v46;
	v20 =	vld.idx.msk [tilespmem:v21+s15+$0x0], $0xffff  }
0x225: {  	v31 =	vor.u32 $0x11, v46;
	v22 =	vld.idx.msk [tilespmem:v23+s15+$0x0], $0xffff  }
0x226: {  	v7 =	vor.u32 $0x1D, v46;
	[tilespmem:$0x1FF10] =	vst v0;
	v0 =	vld.idx.msk [tilespmem:v5+s15+$0x0], $0xffff  }
0x227: {  	v33 =	vor.u32 $0x10, v46;
	v24 =	vld.idx.msk [tilespmem:v25+s15+$0x0], $0xffff  }
0x228: {  	v35 =	vor.u32 $0xF, v46;
	v26 =	vld.idx.msk [tilespmem:v27+s15+$0x0], $0xffff  }
0x229: {  	v37 =	vor.u32 $0xE, v46;
	v28 =	vld.idx.msk [tilespmem:v29+s15+$0x0], $0xffff  }
0x22a: {  	v39 =	vor.u32 $0xD, v46;
	v30 =	vld.idx.msk [tilespmem:v31+s15+$0x0], $0xffff  }
0x22b: {  	v9 =	vor.u32 $0x1C, v46;
	[tilespmem:$0x1FF20] =	vst v0;
	v0 =	vld.idx.msk [tilespmem:v7+s15+$0x0], $0xffff  }
0x22c: {  	v41 =	vor.u32 $0xC, v46;
	v32 =	vld.idx.msk [tilespmem:v33+s15+$0x0], $0xffff  }
0x22d: {  	v43 =	vor.u32 $0xB, v46;
	v34 =	vld.idx.msk [tilespmem:v35+s15+$0x0], $0xffff  }
0x22e: {  	v45 =	vor.u32 $0xA, v46;
	v36 =	vld.idx.msk [tilespmem:v37+s15+$0x0], $0xffff  }
0x22f: {  	v48 =	vor.u32 $0x9, v46;
	v38 =	vld.idx.msk [tilespmem:v39+s15+$0x0], $0xffff  }
0x230: {  	v11 =	vor.u32 $0x1B, v46;
	[tilespmem:$0x1FF30] =	vst v0;
	v0 =	vld.idx.msk [tilespmem:v9+s15+$0x0], $0xffff  }
0x231: {  	v50 =	vor.u32 $0x8, v46;
	v40 =	vld.idx.msk [tilespmem:v41+s15+$0x0], $0xffff  }
0x232: {  	v52 =	vor.u32 $0x7, v46;
	v42 =	vld.idx.msk [tilespmem:v43+s15+$0x0], $0xffff  }
0x233: {  	v54 =	vor.u32 $0x6, v46;
	v44 =	vld.idx.msk [tilespmem:v45+s15+$0x0], $0xffff  }
0x234: {  	v56 =	vor.u32 $0x5, v46;
	v47 =	vld.idx.msk [tilespmem:v48+s15+$0x0], $0xffff  }
0x235: {  	v58 =	vor.u32 $0x4, v46;
	[tilespmem:$0x1FF40] =	vst v0;
	v0 =	vld.idx.msk [tilespmem:v11+s15+$0x0], $0xffff  }
0x236: {  	v49 =	vld.idx.msk [tilespmem:v50+s15+$0x0], $0xffff  }
0x237: {  	v51 =	vld.idx.msk [tilespmem:v52+s15+$0x0], $0xffff  }
0x238: {  	v53 =	vld.idx.msk [tilespmem:v54+s15+$0x0], $0xffff  }
0x239: {  	v55 =	vld.idx.msk [tilespmem:v56+s15+$0x0], $0xffff  }
0x23a: {  	s24 =	simm.s32 $0x110;
	v59 =	vor.u32 $0x3, v46;
	v60 =	vor.u32 $0x2, v46;
	v61 =	vor.u32 $0x1, v46;
	v57 =	vld.idx.msk [tilespmem:v58+s15+$0x0], $0xffff;
	[tilespmem:$0x1FF50] =	vst v0  }
.LBB2_6:
0x23b: {  	_ =	sdelay $0x3  }
0x23c: {  	v0 =	vld.idx.msk [tilespmem:v59+s15+$0x0], $0xffff  }
0x23d: {  	v62 =	vld.idx.msk [tilespmem:v60+s15+$0x0], $0xffff  }
0x23e: {  	v63 =	vld.idx.msk [tilespmem:v61+s15+$0x0], $0xffff  }
0x23f: {  	v2 =	vld.idx.msk [tilespmem:v46+s15+$0x0], $0xffff  }
0x240: {  	v4 =	vld.idx.msk [tilespmem:v46+s14+$0x0], $0xffff  }
0x241: {  	v46 =	vld.idx.msk [tilespmem:v46+s16+$0x0], $0xffff  }
0x242: {  	v6 =	vld.idx.msk [tilespmem:v61+s14+$0x0], $0xffff  }
0x243: {  	v61 =	vld.idx.msk [tilespmem:v61+s16+$0x0], $0xffff  }
0x244: {  	v8 =	vld.idx.msk [tilespmem:v60+s14+$0x0], $0xffff  }
0x245: {  	v60 =	vld.idx.msk [tilespmem:v60+s16+$0x0], $0xffff;
	v2 =	vmul.f32 v2, v4  }
0x246: {  	v10 =	vld.idx.msk [tilespmem:v59+s14+$0x0], $0xffff;
	v4 =	vmul.f32 v46, v4  }
0x247: {  	v46 =	vld.idx.msk [tilespmem:v59+s16+$0x0], $0xffff;
	v59 =	vmul.f32 v63, v6;
	v2 =	vadd.f32 $0.0e+00, v2  }
0x248: {  	v63 =	vld.idx.msk [tilespmem:v58+s14+$0x0], $0xffff;
	v6 =	vmul.f32 v61, v6;
	v4 =	vadd.f32 $0.0e+00, v4  }
0x249: {  	v58 =	vld.idx.msk [tilespmem:v58+s16+$0x0], $0xffff;
	v2 =	vadd.f32 v59, v2;
	v59 =	vmul.f32 v62, v8  }
0x24a: {  	v61 =	vld.idx.msk [tilespmem:v56+s14+$0x0], $0xffff;
	v4 =	vadd.f32 v6, v4;
	v6 =	vmul.f32 v60, v8  }
0x24b: {  	v0 =	vmul.f32 v0, v10;
	v8 =	vld.idx.msk [tilespmem:v56+s16+$0x0], $0xffff;
	v2 =	vadd.f32 v59, v2  }
0x24c: {  	v56 =	vld.idx.msk [tilespmem:v54+s14+$0x0], $0xffff;
	v4 =	vadd.f32 v6, v4;
	v6 =	vmul.f32 v46, v10  }
0x24d: {  	v10 =	vld.idx.msk [tilespmem:v54+s16+$0x0], $0xffff;
	v0 =	vadd.f32 v0, v2;
	v2 =	vmul.f32 v57, v63  }
0x24e: {  	v57 =	vld.idx.msk [tilespmem:v52+s14+$0x0], $0xffff;
	v4 =	vadd.f32 v6, v4;
	v6 =	vmul.f32 v58, v63  }
0x24f: {  	v59 =	vld.idx.msk [tilespmem:v52+s16+$0x0], $0xffff;
	v0 =	vadd.f32 v2, v0;
	v2 =	vmul.f32 v55, v61  }
0x250: {  	v60 =	vld.idx.msk [tilespmem:v50+s14+$0x0], $0xffff;
	v4 =	vadd.f32 v6, v4;
	v6 =	vmul.f32 v8, v61  }
0x251: {  	v8 =	vld.idx.msk [tilespmem:v50+s16+$0x0], $0xffff;
	v0 =	vadd.f32 v2, v0;
	v2 =	vmul.f32 v53, v56  }
0x252: {  	v61 =	vld.idx.msk [tilespmem:v48+s14+$0x0], $0xffff;
	v4 =	vadd.f32 v6, v4;
	v6 =	vmul.f32 v10, v56  }
0x253: {  	v10 =	vld.idx.msk [tilespmem:v48+s16+$0x0], $0xffff;
	v0 =	vadd.f32 v2, v0;
	v2 =	vmul.f32 v51, v57  }
0x254: {  	v62 =	vld.idx.msk [tilespmem:v45+s14+$0x0], $0xffff;
	v4 =	vadd.f32 v6, v4;
	v6 =	vmul.f32 v59, v57  }
0x255: {  	v52 =	vld.idx.msk [tilespmem:v45+s16+$0x0], $0xffff;
	v0 =	vadd.f32 v2, v0;
	v2 =	vmul.f32 v49, v60  }
0x256: {  	v53 =	vld.idx.msk [tilespmem:v43+s14+$0x0], $0xffff;
	v4 =	vadd.f32 v6, v4;
	v6 =	vmul.f32 v8, v60  }
0x257: {  	v8 =	vld.idx.msk [tilespmem:v43+s16+$0x0], $0xffff;
	v0 =	vadd.f32 v2, v0;
	v2 =	vmul.f32 v47, v61  }
0x258: {  	v55 =	vld.idx.msk [tilespmem:v41+s14+$0x0], $0xffff;
	v4 =	vadd.f32 v6, v4;
	v6 =	vmul.f32 v10, v61  }
0x259: {  	v10 =	vld.idx.msk [tilespmem:v41+s16+$0x0], $0xffff;
	v0 =	vadd.f32 v2, v0;
	v2 =	vmul.f32 v44, v62  }
0x25a: {  	v56 =	vld.idx.msk [tilespmem:v39+s14+$0x0], $0xffff;
	v4 =	vadd.f32 v6, v4;
	v6 =	vmul.f32 v52, v62  }
0x25b: {  	v57 =	vld.idx.msk [tilespmem:v39+s16+$0x0], $0xffff;
	v0 =	vadd.f32 v2, v0;
	v2 =	vmul.f32 v42, v53  }
0x25c: {  	v58 =	vld.idx.msk [tilespmem:v37+s14+$0x0], $0xffff;
	v4 =	vadd.f32 v6, v4;
	v6 =	vmul.f32 v8, v53  }
0x25d: {  	v8 =	vld.idx.msk [tilespmem:v37+s16+$0x0], $0xffff;
	v0 =	vadd.f32 v2, v0;
	v2 =	vmul.f32 v40, v55  }
0x25e: {  	v59 =	vld.idx.msk [tilespmem:v35+s14+$0x0], $0xffff;
	v4 =	vadd.f32 v6, v4;
	v6 =	vmul.f32 v10, v55  }
0x25f: {  	v10 =	vld.idx.msk [tilespmem:v35+s16+$0x0], $0xffff;
	v0 =	vadd.f32 v2, v0;
	v2 =	vmul.f32 v38, v56  }
0x260: {  	v60 =	vld.idx.msk [tilespmem:v33+s14+$0x0], $0xffff;
	v4 =	vadd.f32 v6, v4;
	v6 =	vmul.f32 v57, v56  }
0x261: {  	v61 =	vld.idx.msk [tilespmem:v33+s16+$0x0], $0xffff;
	v0 =	vadd.f32 v2, v0;
	v2 =	vmul.f32 v36, v58  }
0x262: {  	v62 =	vld.idx.msk [tilespmem:v31+s14+$0x0], $0xffff;
	v4 =	vadd.f32 v6, v4;
	v6 =	vmul.f32 v8, v58  }
0x263: {  	v8 =	vld.idx.msk [tilespmem:v31+s16+$0x0], $0xffff;
	v0 =	vadd.f32 v2, v0;
	v2 =	vmul.f32 v34, v59  }
0x264: {  	v31 =	vld.idx.msk [tilespmem:v29+s14+$0x0], $0xffff;
	v4 =	vadd.f32 v6, v4;
	v6 =	vmul.f32 v10, v59  }
0x265: {  	v10 =	vld.idx.msk [tilespmem:v29+s16+$0x0], $0xffff;
	v0 =	vadd.f32 v2, v0;
	v2 =	vmul.f32 v32, v60  }
0x266: {  	v29 =	vld.idx.msk [tilespmem:v27+s14+$0x0], $0xffff;
	v4 =	vadd.f32 v6, v4;
	v6 =	vmul.f32 v61, v60  }
0x267: {  	v27 =	vld.idx.msk [tilespmem:v27+s16+$0x0], $0xffff;
	v0 =	vadd.f32 v2, v0;
	v2 =	vmul.f32 v30, v62  }
0x268: {  	v30 =	vld.idx.msk [tilespmem:v25+s14+$0x0], $0xffff;
	v4 =	vadd.f32 v6, v4;
	v6 =	vmul.f32 v8, v62  }
0x269: {  	v8 =	vld.idx.msk [tilespmem:v25+s16+$0x0], $0xffff;
	v0 =	vadd.f32 v2, v0;
	v2 =	vmul.f32 v28, v31  }
0x26a: {  	v25 =	vld.idx.msk [tilespmem:v23+s14+$0x0], $0xffff;
	v4 =	vadd.f32 v6, v4;
	v6 =	vmul.f32 v10, v31  }
0x26b: {  	v10 =	vld.idx.msk [tilespmem:v23+s16+$0x0], $0xffff;
	v0 =	vadd.f32 v2, v0;
	v2 =	vmul.f32 v26, v29  }
0x26c: {  	v23 =	vld.idx.msk [tilespmem:v21+s14+$0x0], $0xffff;
	v4 =	vadd.f32 v6, v4;
	v6 =	vmul.f32 v27, v29  }
0x26d: {  	v21 =	vld.idx.msk [tilespmem:v21+s16+$0x0], $0xffff;
	v0 =	vadd.f32 v2, v0;
	v2 =	vmul.f32 v24, v30  }
0x26e: {  	v24 =	vld.idx.msk [tilespmem:v19+s14+$0x0], $0xffff;
	v4 =	vadd.f32 v6, v4;
	v6 =	vmul.f32 v8, v30  }
0x26f: {  	v8 =	vld.idx.msk [tilespmem:v19+s16+$0x0], $0xffff;
	v0 =	vadd.f32 v2, v0;
	v2 =	vmul.f32 v22, v25  }
0x270: {  	v19 =	vld.idx.msk [tilespmem:v17+s14+$0x0], $0xffff;
	v4 =	vadd.f32 v6, v4  }
0x271: {  	v6 =	vmul.f32 v10, v25;
	v10 =	vld.idx.msk [tilespmem:v17+s16+$0x0], $0xffff;
	v0 =	vadd.f32 v2, v0;
	v2 =	vmul.f32 v20, v23  }
0x272: {  	v17 =	vld.idx.msk [tilespmem:v15+s14+$0x0], $0xffff  }
0x273: {  	v0 =	vadd.f32 v2, v0;
	v2 =	vmul.f32 v18, v24  }
0x274: {  	v18 =	vld.idx.msk [tilespmem:v13+s14+$0x0], $0xffff  }
0x275: {  	v0 =	vadd.f32 v2, v0;
	v2 =	vmul.f32 v16, v19  }
0x276: {  	v4 =	vadd.f32 v6, v4;
	v6 =	vmul.f32 v21, v23  }
0x277: {  	v0 =	vadd.f32 v2, v0;
	v2 =	vmul.f32 v14, v17  }
0x278: {  	v4 =	vadd.f32 v6, v4  }
0x279: {  	v6 =	vmul.f32 v8, v24;
	v8 =	vld.idx.msk [tilespmem:v13+s16+$0x0], $0xffff;
	v0 =	vadd.f32 v2, v0;
	v2 =	vmul.f32 v12, v18  }
0x27a: {  	v13 =	vld.idx.msk [tilespmem:v11+s14+$0x0], $0xffff  }
0x27b: {  	v0 =	vadd.f32 v2, v0;
	v2 =	vld [tilespmem:$0x1FF50];
	_ =	sdelay $0x4  }
0x27c: {  	v4 =	vadd.f32 v6, v4;
	v6 =	vmul.f32 v10, v19;
	v10 =	vld.idx.msk [tilespmem:v11+s16+$0x0], $0xffff;
	v2 =	vmul.f32 v2, v13  }
0x27d: {  	v11 =	vld.idx.msk [tilespmem:v9+s14+$0x0], $0xffff  }
0x27e: {  	v0 =	vadd.f32 v2, v0;
	v2 =	vld [tilespmem:$0x1FF40];
	_ =	sdelay $0x4  }
0x27f: {  	v15 =	vld.idx.msk [tilespmem:v15+s16+$0x0], $0xffff;
	v2 =	vmul.f32 v2, v11  }
0x280: {  	v12 =	vld.idx.msk [tilespmem:v7+s14+$0x0], $0xffff  }
0x281: {  	v0 =	vadd.f32 v2, v0;
	v2 =	vld [tilespmem:$0x1FF30];
	_ =	sdelay $0x3  }
0x282: {  	v4 =	vadd.f32 v6, v4;
	v6 =	vmul.f32 v15, v17  }
0x283: {  	v2 =	vmul.f32 v2, v12  }
0x284: {  	v4 =	vadd.f32 v6, v4;
	v6 =	vmul.f32 v8, v18;
	v8 =	vld.idx.msk [tilespmem:v5+s14+$0x0], $0xffff  }
0x285: {  	v0 =	vadd.f32 v2, v0;
	v2 =	vld [tilespmem:$0x1FF20];
	_ =	sdelay $0x1  }
0x286: {  	v9 =	vld.idx.msk [tilespmem:v9+s16+$0x0], $0xffff;
	_ =	sdelay $0x1  }
0x287: {  	v7 =	vld.idx.msk [tilespmem:v7+s16+$0x0], $0xffff  }
0x288: {  	v5 =	vld.idx.msk [tilespmem:v5+s16+$0x0], $0xffff;
	v4 =	vadd.f32 v6, v4;
	v6 =	vmul.f32 v10, v13;
	v2 =	vmul.f32 v2, v8  }
0x289: {  	v10 =	vld.idx.msk [tilespmem:v3+s14+$0x0], $0xffff  }
0x28a: {  	v4 =	vadd.f32 v6, v4;
	v6 =	vmul.f32 v9, v11;
	v0 =	vadd.f32 v2, v0;
	v2 =	vld [tilespmem:$0x1FF10]  }
0x28b: {  	v9 =	vld.idx.msk [tilespmem:v3+s16+$0x0], $0xffff  }
0x28c: {  	v63 =	vlaneseq.u32;
	v4 =	vadd.f32 v6, v4;
	v6 =	vmul.f32 v7, v12  }
0x28d: {  	v3 =	vor.u32 s24, v63  }
0x28e: {  	v5 =	vmul.f32 v5, v8;
	v4 =	vadd.f32 v6, v4;
	v11 =	vshll.u32 v1, $0x3;
	v1 =	vmovc v3  }
0x28f: {  	v46 =	vshll.u32 v1, $0x5;
	v6 =	vor.u32 $0x1, v11;
	v2 =	vmul.f32 v2, v10  }
0x290: {  	v4 =	vadd.f32 v5, v4;
	v3 =	vor.u32 $0x1F, v46;
	v8 =	vmul.f32 v9, v10  }
0x291: {  	v13 =	vor.u32 $0x1A, v46;
	v0 =	vadd.f32 v2, v0  }
0x292: {  	v15 =	vor.u32 $0x19, v46;
	v2 =	vadd.f32 v8, v4  }
0x293: {  	v17 =	vor.u32 $0x18, v46;
	[tilespmem:v11+s19+$0x0] =	vst.idx.msk $0xffff, v0  }
0x294: {  	v19 =	vor.u32 $0x17, v46;
	[tilespmem:v6+s19+$0x0] =	vst.idx.msk $0xffff, v2  }
0x295: {  	v21 =	vor.u32 $0x16, v46;
	v0 =	vld.idx.msk [tilespmem:v3+s15+$0x0], $0xffff  }
0x296: {  	v23 =	vor.u32 $0x15, v46;
	v12 =	vld.idx.msk [tilespmem:v13+s15+$0x0], $0xffff  }
0x297: {  	v5 =	vor.u32 $0x1E, v46;
	v14 =	vld.idx.msk [tilespmem:v15+s15+$0x0], $0xffff  }
0x298: {  	v25 =	vor.u32 $0x14, v46;
	v16 =	vld.idx.msk [tilespmem:v17+s15+$0x0], $0xffff  }
0x299: {  	v27 =	vor.u32 $0x13, v46;
	v18 =	vld.idx.msk [tilespmem:v19+s15+$0x0], $0xffff  }
0x29a: {  	v29 =	vor.u32 $0x12, v46;
	v20 =	vld.idx.msk [tilespmem:v21+s15+$0x0], $0xffff  }
0x29b: {  	v31 =	vor.u32 $0x11, v46;
	v22 =	vld.idx.msk [tilespmem:v23+s15+$0x0], $0xffff  }
0x29c: {  	v7 =	vor.u32 $0x1D, v46;
	[tilespmem:$0x1FF10] =	vst v0;
	v0 =	vld.idx.msk [tilespmem:v5+s15+$0x0], $0xffff  }
0x29d: {  	v33 =	vor.u32 $0x10, v46;
	v24 =	vld.idx.msk [tilespmem:v25+s15+$0x0], $0xffff  }
0x29e: {  	v35 =	vor.u32 $0xF, v46;
	v26 =	vld.idx.msk [tilespmem:v27+s15+$0x0], $0xffff  }
0x29f: {  	v37 =	vor.u32 $0xE, v46;
	v28 =	vld.idx.msk [tilespmem:v29+s15+$0x0], $0xffff  }
0x2a0: {  	v39 =	vor.u32 $0xD, v46;
	v30 =	vld.idx.msk [tilespmem:v31+s15+$0x0], $0xffff  }
0x2a1: {  	v9 =	vor.u32 $0x1C, v46;
	[tilespmem:$0x1FF20] =	vst v0;
	v0 =	vld.idx.msk [tilespmem:v7+s15+$0x0], $0xffff  }
0x2a2: {  	v41 =	vor.u32 $0xC, v46;
	v32 =	vld.idx.msk [tilespmem:v33+s15+$0x0], $0xffff  }
0x2a3: {  	v43 =	vor.u32 $0xB, v46;
	v34 =	vld.idx.msk [tilespmem:v35+s15+$0x0], $0xffff  }
0x2a4: {  	v45 =	vor.u32 $0xA, v46;
	v36 =	vld.idx.msk [tilespmem:v37+s15+$0x0], $0xffff  }
0x2a5: {  	v48 =	vor.u32 $0x9, v46;
	v38 =	vld.idx.msk [tilespmem:v39+s15+$0x0], $0xffff  }
0x2a6: {  	v11 =	vor.u32 $0x1B, v46;
	[tilespmem:$0x1FF30] =	vst v0;
	v0 =	vld.idx.msk [tilespmem:v9+s15+$0x0], $0xffff  }
0x2a7: {  	v50 =	vor.u32 $0x8, v46;
	v40 =	vld.idx.msk [tilespmem:v41+s15+$0x0], $0xffff  }
0x2a8: {  	v52 =	vor.u32 $0x7, v46;
	v42 =	vld.idx.msk [tilespmem:v43+s15+$0x0], $0xffff  }
0x2a9: {  	v54 =	vor.u32 $0x6, v46;
	v44 =	vld.idx.msk [tilespmem:v45+s15+$0x0], $0xffff  }
0x2aa: {  	v56 =	vor.u32 $0x5, v46;
	v47 =	vld.idx.msk [tilespmem:v48+s15+$0x0], $0xffff  }
0x2ab: {  	p0 =	sne.s32 s24, $0x170;
	v58 =	vor.u32 $0x4, v46;
	[tilespmem:$0x1FF40] =	vst v0;
	v0 =	vld.idx.msk [tilespmem:v11+s15+$0x0], $0xffff  }
.Ltmp2:
0x2ac: {  	v49 =	vld.idx.msk [tilespmem:v50+s15+$0x0], $0xffff;
	(pc) =	sbr.rel @p0 .LBB2_6-.Ltmp2, $4  }
0x2ad: {  	v51 =	vld.idx.msk [tilespmem:v52+s15+$0x0], $0xffff  }
0x2ae: {  	v53 =	vld.idx.msk [tilespmem:v54+s15+$0x0], $0xffff  }
0x2af: {  	v55 =	vld.idx.msk [tilespmem:v56+s15+$0x0], $0xffff  }
0x2b0: {  	s24 =	sadd.s32 $0x10, s24;
	v59 =	vor.u32 $0x3, v46;
	v60 =	vor.u32 $0x2, v46;
	v61 =	vor.u32 $0x1, v46;
	v57 =	vld.idx.msk [tilespmem:v58+s15+$0x0], $0xffff;
	[tilespmem:$0x1FF50] =	vst v0  }
0x2b1: {  	_ =	sdelay $0x3  }
0x2b2: {  	v0 =	vld.idx.msk [tilespmem:v61+s15+$0x0], $0xffff  }
0x2b3: {  	v2 =	vld.idx.msk [tilespmem:v46+s15+$0x0], $0xffff  }
0x2b4: {  	v4 =	vld.idx.msk [tilespmem:v46+s14+$0x0], $0xffff  }
0x2b5: {  	v6 =	vld.idx.msk [tilespmem:v46+s16+$0x0], $0xffff  }
0x2b6: {  	v8 =	vld.idx.msk [tilespmem:v61+s14+$0x0], $0xffff  }
0x2b7: {  	v10 =	vld.idx.msk [tilespmem:v61+s16+$0x0], $0xffff  }
0x2b8: {  	v46 =	vld.idx.msk [tilespmem:v60+s15+$0x0], $0xffff  }
0x2b9: {  	v61 =	vld.idx.msk [tilespmem:v60+s14+$0x0], $0xffff  }
0x2ba: {  	v60 =	vld.idx.msk [tilespmem:v60+s16+$0x0], $0xffff  }
0x2bb: {  	v62 =	vld.idx.msk [tilespmem:v59+s15+$0x0], $0xffff;
	v2 =	vmul.f32 v2, v4  }
0x2bc: {  	v4 =	vmul.f32 v6, v4;
	v6 =	vld.idx.msk [tilespmem:v59+s14+$0x0], $0xffff  }
0x2bd: {  	v59 =	vld.idx.msk [tilespmem:v59+s16+$0x0], $0xffff;
	v0 =	vmul.f32 v0, v8;
	v2 =	vadd.f32 $0.0e+00, v2  }
0x2be: {  	v8 =	vmul.f32 v10, v8;
	v10 =	vld.idx.msk [tilespmem:v58+s14+$0x0], $0xffff;
	v4 =	vadd.f32 $0.0e+00, v4  }
0x2bf: {  	v46 =	vmul.f32 v46, v61;
	v0 =	vadd.f32 v0, v2;
	v2 =	vld.idx.msk [tilespmem:v58+s16+$0x0], $0xffff  }
0x2c0: {  	v4 =	vadd.f32 v8, v4;
	v8 =	vmul.f32 v60, v61;
	v58 =	vld.idx.msk [tilespmem:v56+s14+$0x0], $0xffff  }
0x2c1: {  	v60 =	vmul.f32 v62, v6;
	v0 =	vadd.f32 v46, v0;
	v46 =	vld.idx.msk [tilespmem:v56+s16+$0x0], $0xffff  }
0x2c2: {  	v6 =	vmul.f32 v59, v6;
	v4 =	vadd.f32 v8, v4;
	v8 =	vld.idx.msk [tilespmem:v54+s14+$0x0], $0xffff  }
0x2c3: {  	v61 =	vld.idx.msk [tilespmem:v54+s16+$0x0], $0xffff;
	v62 =	vmul.f32 v57, v10;
	v0 =	vadd.f32 v60, v0  }
0x2c4: {  	v4 =	vadd.f32 v6, v4;
	v6 =	vld.idx.msk [tilespmem:v52+s14+$0x0], $0xffff;
	v2 =	vmul.f32 v2, v10  }
0x2c5: {  	v10 =	vld.idx.msk [tilespmem:v52+s16+$0x0], $0xffff;
	v56 =	vmul.f32 v55, v58;
	v0 =	vadd.f32 v62, v0  }
0x2c6: {  	v2 =	vadd.f32 v2, v4;
	v4 =	vld.idx.msk [tilespmem:v50+s14+$0x0], $0xffff;
	v46 =	vmul.f32 v46, v58  }
0x2c7: {  	v57 =	vld.idx.msk [tilespmem:v50+s16+$0x0], $0xffff;
	v58 =	vmul.f32 v53, v8;
	v0 =	vadd.f32 v56, v0  }
0x2c8: {  	v59 =	vld.idx.msk [tilespmem:v48+s14+$0x0], $0xffff;
	v8 =	vmul.f32 v61, v8;
	v2 =	vadd.f32 v46, v2  }
0x2c9: {  	v60 =	vld.idx.msk [tilespmem:v48+s16+$0x0], $0xffff;
	v61 =	vmul.f32 v51, v6;
	v0 =	vadd.f32 v58, v0  }
0x2ca: {  	v62 =	vld.idx.msk [tilespmem:v45+s14+$0x0], $0xffff;
	v6 =	vmul.f32 v10, v6;
	v2 =	vadd.f32 v8, v2  }
0x2cb: {  	v8 =	vld.idx.msk [tilespmem:v45+s16+$0x0], $0xffff;
	v0 =	vadd.f32 v61, v0;
	v10 =	vmul.f32 v49, v4  }
0x2cc: {  	v52 =	vld.idx.msk [tilespmem:v43+s14+$0x0], $0xffff;
	v4 =	vmul.f32 v57, v4;
	v2 =	vadd.f32 v6, v2  }
0x2cd: {  	v6 =	vld.idx.msk [tilespmem:v43+s16+$0x0], $0xffff;
	v0 =	vadd.f32 v10, v0;
	v10 =	vmul.f32 v47, v59  }
0x2ce: {  	v54 =	vld.idx.msk [tilespmem:v41+s14+$0x0], $0xffff;
	v2 =	vadd.f32 v4, v2;
	v4 =	vmul.f32 v60, v59  }
0x2cf: {  	v55 =	vld.idx.msk [tilespmem:v41+s16+$0x0], $0xffff;
	v0 =	vadd.f32 v10, v0;
	v10 =	vmul.f32 v44, v62  }
0x2d0: {  	v56 =	vld.idx.msk [tilespmem:v39+s14+$0x0], $0xffff;
	v2 =	vadd.f32 v4, v2;
	v4 =	vmul.f32 v8, v62  }
0x2d1: {  	v8 =	vld.idx.msk [tilespmem:v39+s16+$0x0], $0xffff;
	v0 =	vadd.f32 v10, v0;
	v10 =	vmul.f32 v42, v52  }
0x2d2: {  	v57 =	vld.idx.msk [tilespmem:v37+s14+$0x0], $0xffff;
	v2 =	vadd.f32 v4, v2;
	v4 =	vmul.f32 v6, v52  }
0x2d3: {  	v6 =	vld.idx.msk [tilespmem:v37+s16+$0x0], $0xffff;
	v0 =	vadd.f32 v10, v0;
	v10 =	vmul.f32 v40, v54  }
0x2d4: {  	v58 =	vld.idx.msk [tilespmem:v35+s14+$0x0], $0xffff;
	v2 =	vadd.f32 v4, v2;
	v4 =	vmul.f32 v55, v54  }
0x2d5: {  	v59 =	vld.idx.msk [tilespmem:v35+s16+$0x0], $0xffff;
	v0 =	vadd.f32 v10, v0;
	v10 =	vmul.f32 v38, v56  }
0x2d6: {  	v60 =	vld.idx.msk [tilespmem:v33+s14+$0x0], $0xffff;
	v2 =	vadd.f32 v4, v2;
	v4 =	vmul.f32 v8, v56  }
0x2d7: {  	v8 =	vld.idx.msk [tilespmem:v33+s16+$0x0], $0xffff;
	v0 =	vadd.f32 v10, v0;
	v10 =	vmul.f32 v36, v57  }
0x2d8: {  	v61 =	vld.idx.msk [tilespmem:v31+s14+$0x0], $0xffff;
	v2 =	vadd.f32 v4, v2;
	v4 =	vmul.f32 v6, v57  }
0x2d9: {  	v6 =	vld.idx.msk [tilespmem:v31+s16+$0x0], $0xffff;
	v0 =	vadd.f32 v10, v0;
	v10 =	vmul.f32 v34, v58  }
0x2da: {  	v31 =	vld.idx.msk [tilespmem:v29+s14+$0x0], $0xffff;
	v2 =	vadd.f32 v4, v2;
	v4 =	vmul.f32 v59, v58  }
0x2db: {  	v29 =	vld.idx.msk [tilespmem:v29+s16+$0x0], $0xffff;
	v0 =	vadd.f32 v10, v0;
	v10 =	vmul.f32 v32, v60  }
0x2dc: {  	v62 =	vld.idx.msk [tilespmem:v27+s14+$0x0], $0xffff;
	v2 =	vadd.f32 v4, v2;
	v4 =	vmul.f32 v8, v60  }
0x2dd: {  	v8 =	vld.idx.msk [tilespmem:v27+s16+$0x0], $0xffff;
	v0 =	vadd.f32 v10, v0;
	v10 =	vmul.f32 v30, v61  }
0x2de: {  	v27 =	vld.idx.msk [tilespmem:v25+s14+$0x0], $0xffff;
	v2 =	vadd.f32 v4, v2;
	v4 =	vmul.f32 v6, v61  }
0x2df: {  	v6 =	vld.idx.msk [tilespmem:v25+s16+$0x0], $0xffff;
	v0 =	vadd.f32 v10, v0;
	v10 =	vmul.f32 v28, v31  }
0x2e0: {  	v25 =	vld.idx.msk [tilespmem:v23+s14+$0x0], $0xffff;
	v2 =	vadd.f32 v4, v2;
	v4 =	vmul.f32 v29, v31  }
0x2e1: {  	v23 =	vld.idx.msk [tilespmem:v23+s16+$0x0], $0xffff;
	v0 =	vadd.f32 v10, v0;
	v10 =	vmul.f32 v26, v62  }
0x2e2: {  	v26 =	vld.idx.msk [tilespmem:v21+s14+$0x0], $0xffff;
	v2 =	vadd.f32 v4, v2;
	v4 =	vmul.f32 v8, v62  }
0x2e3: {  	v8 =	vld.idx.msk [tilespmem:v21+s16+$0x0], $0xffff;
	v0 =	vadd.f32 v10, v0;
	v10 =	vmul.f32 v24, v27  }
0x2e4: {  	v21 =	vld.idx.msk [tilespmem:v19+s14+$0x0], $0xffff;
	v2 =	vadd.f32 v4, v2;
	v4 =	vmul.f32 v6, v27  }
0x2e5: {  	v6 =	vld.idx.msk [tilespmem:v19+s16+$0x0], $0xffff;
	v0 =	vadd.f32 v10, v0;
	v10 =	vmul.f32 v22, v25  }
0x2e6: {  	v19 =	vld.idx.msk [tilespmem:v17+s14+$0x0], $0xffff;
	v2 =	vadd.f32 v4, v2;
	v4 =	vmul.f32 v23, v25  }
0x2e7: {  	v17 =	vld.idx.msk [tilespmem:v17+s16+$0x0], $0xffff;
	v0 =	vadd.f32 v10, v0;
	v10 =	vmul.f32 v20, v26  }
0x2e8: {  	v20 =	vld.idx.msk [tilespmem:v15+s14+$0x0], $0xffff;
	v2 =	vadd.f32 v4, v2;
	v4 =	vmul.f32 v8, v26  }
0x2e9: {  	v8 =	vld.idx.msk [tilespmem:v15+s16+$0x0], $0xffff;
	v0 =	vadd.f32 v10, v0;
	v10 =	vmul.f32 v18, v21  }
0x2ea: {  	v15 =	vld.idx.msk [tilespmem:v13+s14+$0x0], $0xffff;
	v2 =	vadd.f32 v4, v2;
	v4 =	vmul.f32 v6, v21  }
0x2eb: {  	v6 =	vld.idx.msk [tilespmem:v13+s16+$0x0], $0xffff;
	v0 =	vadd.f32 v10, v0;
	v10 =	vmul.f32 v16, v19  }
0x2ec: {  	v2 =	vadd.f32 v4, v2;
	v4 =	vmul.f32 v17, v19  }
0x2ed: {  	v0 =	vadd.f32 v10, v0;
	v10 =	vmul.f32 v14, v20  }
0x2ee: {  	v13 =	vld.idx.msk [tilespmem:v11+s14+$0x0], $0xffff;
	v2 =	vadd.f32 v4, v2;
	v4 =	vmul.f32 v8, v20  }
0x2ef: {  	v0 =	vadd.f32 v10, v0;
	v10 =	vld.idx.msk [tilespmem:v7+s14+$0x0], $0xffff  }
0x2f0: {  	v2 =	vadd.f32 v4, v2;
	v4 =	vmul.f32 v6, v15;
	v6 =	vld.idx.msk [tilespmem:v7+s16+$0x0], $0xffff  }
0x2f1: {  	v7 =	vld [tilespmem:$0x1FF50];
	_ =	sdelay $0x1  }
0x2f2: {  	v14 =	vld.idx.msk [tilespmem:v9+s14+$0x0], $0xffff  }
0x2f3: {  	v8 =	vld.idx.msk [tilespmem:v9+s16+$0x0], $0xffff;
	v9 =	vmul.f32 v12, v15;
	_ =	sdelay $0x1  }
0x2f4: {  	v0 =	vadd.f32 v9, v0;
	v7 =	vmul.f32 v7, v13  }
0x2f5: {  	v11 =	vld.idx.msk [tilespmem:v11+s16+$0x0], $0xffff  }
0x2f6: {  	v0 =	vadd.f32 v7, v0;
	v7 =	vld [tilespmem:$0x1FF40];
	_ =	sdelay $0x4  }
0x2f7: {  	v9 =	vld.idx.msk [tilespmem:v5+s14+$0x0], $0xffff;
	v2 =	vadd.f32 v4, v2;
	v4 =	vmul.f32 v11, v13;
	v7 =	vmul.f32 v7, v14  }
0x2f8: {  	v5 =	vld.idx.msk [tilespmem:v5+s16+$0x0], $0xffff  }
0x2f9: {  	v2 =	vadd.f32 v4, v2;
	v4 =	vmul.f32 v8, v14;
	v0 =	vadd.f32 v7, v0;
	v7 =	vld [tilespmem:$0x1FF30];
	_ =	sdelay $0x1  }
0x2fa: {  	v2 =	vadd.f32 v4, v2;
	v4 =	vmul.f32 v6, v10;
	v6 =	vld [tilespmem:$0x1FF20]  }
0x2fb: {  	v11 =	vld.idx.msk [tilespmem:v3+s14+$0x0], $0xffff  }
0x2fc: {  	v2 =	vadd.f32 v4, v2;
	v4 =	vmul.f32 v5, v9;
	v5 =	vld [tilespmem:$0x1FF10]  }
0x2fd: {  	v3 =	vld.idx.msk [tilespmem:v3+s16+$0x0], $0xffff;
	v7 =	vmul.f32 v7, v10;
	_ =	sdelay $0x1  }
0x2fe: {  	v6 =	vmul.f32 v6, v9;
	v0 =	vadd.f32 v7, v0  }
0x2ff: {  	v1 =	vshll.u32 v1, $0x3  }
0x300: {  	v5 =	vmul.f32 v5, v11;
	v0 =	vadd.f32 v6, v0;
	v6 =	vor.u32 $0x1, v1  }
0x301: {  	v3 =	vmul.f32 v3, v11;
	v2 =	vadd.f32 v4, v2  }
0x302: {  	v0 =	vadd.f32 v5, v0  }
0x303: {  	v2 =	vadd.f32 v3, v2  }
0x304: {  	[tilespmem:v1+s19+$0x0] =	vst.idx.msk $0xffff, v0  }
0x305: {  	[tilespmem:v6+s19+$0x0] =	vst.idx.msk $0xffff, v2  }
0x306: {  	_ =	swait.ge [sflag:s22], $0x1000  }
0x307: {  	s24 =	simm.s32 $0x180;
	[sflag:s22] =	ssyncset.done $0x0  }
0x308: {  	v1 =	vor.u32 s24, v63;
	[sflag:s22] =	ssyncadd.s32 $0xFFFFF000  }
0x309: {  	v46 =	vshll.u32 v1, $0x5;
	_ =	swait.ge [sflag:s22], $0x1000  }
0x30a: {  	v3 =	vor.u32 $0x1F, v46;
	[sflag:s22] =	ssyncset.done $0x0  }
0x30b: {  	v13 =	vor.u32 $0x1A, v46;
	[sflag:s22] =	ssyncadd.s32 $0xFFFFF000  }
0x30c: {  	v15 =	vor.u32 $0x19, v46;
	_ =	swait.ge [sflag:s22], $0x1000  }
0x30d: {  	v17 =	vor.u32 $0x18, v46;
	[sflag:s22] =	ssyncset.done $0x0  }
0x30e: {  	v19 =	vor.u32 $0x17, v46;
	[sflag:s22] =	ssyncadd.s32 $0xFFFFF000  }
0x30f: {  	v21 =	vor.u32 $0x16, v46;
	v0 =	vld.idx.msk [tilespmem:v3+s15+$0x0], $0xffff  }
0x310: {  	v23 =	vor.u32 $0x15, v46;
	v12 =	vld.idx.msk [tilespmem:v13+s15+$0x0], $0xffff  }
0x311: {  	v5 =	vor.u32 $0x1E, v46;
	v14 =	vld.idx.msk [tilespmem:v15+s15+$0x0], $0xffff  }
0x312: {  	v25 =	vor.u32 $0x14, v46;
	v16 =	vld.idx.msk [tilespmem:v17+s15+$0x0], $0xffff  }
0x313: {  	v27 =	vor.u32 $0x13, v46;
	v18 =	vld.idx.msk [tilespmem:v19+s15+$0x0], $0xffff  }
0x314: {  	v29 =	vor.u32 $0x12, v46;
	v20 =	vld.idx.msk [tilespmem:v21+s15+$0x0], $0xffff  }
0x315: {  	v31 =	vor.u32 $0x11, v46;
	v22 =	vld.idx.msk [tilespmem:v23+s15+$0x0], $0xffff  }
0x316: {  	v7 =	vor.u32 $0x1D, v46;
	[tilespmem:$0x1FEC0] =	vst v0;
	v0 =	vld.idx.msk [tilespmem:v5+s15+$0x0], $0xffff  }
0x317: {  	v33 =	vor.u32 $0x10, v46;
	v24 =	vld.idx.msk [tilespmem:v25+s15+$0x0], $0xffff  }
0x318: {  	v35 =	vor.u32 $0xF, v46;
	v26 =	vld.idx.msk [tilespmem:v27+s15+$0x0], $0xffff  }
0x319: {  	v37 =	vor.u32 $0xE, v46;
	v28 =	vld.idx.msk [tilespmem:v29+s15+$0x0], $0xffff  }
0x31a: {  	v39 =	vor.u32 $0xD, v46;
	v30 =	vld.idx.msk [tilespmem:v31+s15+$0x0], $0xffff  }
0x31b: {  	v9 =	vor.u32 $0x1C, v46;
	[tilespmem:$0x1FED0] =	vst v0;
	v0 =	vld.idx.msk [tilespmem:v7+s15+$0x0], $0xffff  }
0x31c: {  	v41 =	vor.u32 $0xC, v46;
	v32 =	vld.idx.msk [tilespmem:v33+s15+$0x0], $0xffff  }
0x31d: {  	v43 =	vor.u32 $0xB, v46;
	v34 =	vld.idx.msk [tilespmem:v35+s15+$0x0], $0xffff  }
0x31e: {  	v45 =	vor.u32 $0xA, v46;
	v36 =	vld.idx.msk [tilespmem:v37+s15+$0x0], $0xffff  }
0x31f: {  	v48 =	vor.u32 $0x9, v46;
	v38 =	vld.idx.msk [tilespmem:v39+s15+$0x0], $0xffff  }
0x320: {  	v11 =	vor.u32 $0x1B, v46;
	[tilespmem:$0x1FEE0] =	vst v0;
	v0 =	vld.idx.msk [tilespmem:v9+s15+$0x0], $0xffff  }
0x321: {  	v50 =	vor.u32 $0x8, v46;
	v40 =	vld.idx.msk [tilespmem:v41+s15+$0x0], $0xffff  }
0x322: {  	v52 =	vor.u32 $0x7, v46;
	v42 =	vld.idx.msk [tilespmem:v43+s15+$0x0], $0xffff  }
0x323: {  	v54 =	vor.u32 $0x6, v46;
	v44 =	vld.idx.msk [tilespmem:v45+s15+$0x0], $0xffff  }
0x324: {  	v56 =	vor.u32 $0x5, v46;
	v47 =	vld.idx.msk [tilespmem:v48+s15+$0x0], $0xffff  }
0x325: {  	v58 =	vor.u32 $0x4, v46;
	[tilespmem:$0x1FEF0] =	vst v0;
	v0 =	vld.idx.msk [tilespmem:v11+s15+$0x0], $0xffff  }
0x326: {  	v49 =	vld.idx.msk [tilespmem:v50+s15+$0x0], $0xffff  }
0x327: {  	v51 =	vld.idx.msk [tilespmem:v52+s15+$0x0], $0xffff  }
0x328: {  	v53 =	vld.idx.msk [tilespmem:v54+s15+$0x0], $0xffff  }
0x329: {  	v55 =	vld.idx.msk [tilespmem:v56+s15+$0x0], $0xffff  }
0x32a: {  	s24 =	simm.s32 $0x190;
	v59 =	vor.u32 $0x3, v46;
	v60 =	vor.u32 $0x2, v46;
	v61 =	vor.u32 $0x1, v46;
	v57 =	vld.idx.msk [tilespmem:v58+s15+$0x0], $0xffff;
	[tilespmem:$0x1FF00] =	vst v0  }
.LBB2_8:
0x32b: {  	_ =	sdelay $0x3  }
0x32c: {  	v0 =	vld.idx.msk [tilespmem:v59+s15+$0x0], $0xffff  }
0x32d: {  	v62 =	vld.idx.msk [tilespmem:v60+s15+$0x0], $0xffff  }
0x32e: {  	v63 =	vld.idx.msk [tilespmem:v61+s15+$0x0], $0xffff  }
0x32f: {  	v2 =	vld.idx.msk [tilespmem:v46+s15+$0x0], $0xffff  }
0x330: {  	v4 =	vld.idx.msk [tilespmem:v46+s14+$0x0], $0xffff  }
0x331: {  	v46 =	vld.idx.msk [tilespmem:v46+s16+$0x0], $0xffff  }
0x332: {  	v6 =	vld.idx.msk [tilespmem:v61+s14+$0x0], $0xffff  }
0x333: {  	v61 =	vld.idx.msk [tilespmem:v61+s16+$0x0], $0xffff  }
0x334: {  	v8 =	vld.idx.msk [tilespmem:v60+s14+$0x0], $0xffff  }
0x335: {  	v60 =	vld.idx.msk [tilespmem:v60+s16+$0x0], $0xffff;
	v2 =	vmul.f32 v2, v4  }
0x336: {  	v10 =	vld.idx.msk [tilespmem:v59+s14+$0x0], $0xffff;
	v4 =	vmul.f32 v46, v4  }
0x337: {  	v46 =	vld.idx.msk [tilespmem:v59+s16+$0x0], $0xffff;
	v59 =	vmul.f32 v63, v6;
	v2 =	vadd.f32 $0.0e+00, v2  }
0x338: {  	v63 =	vld.idx.msk [tilespmem:v58+s14+$0x0], $0xffff;
	v6 =	vmul.f32 v61, v6;
	v4 =	vadd.f32 $0.0e+00, v4  }
0x339: {  	v58 =	vld.idx.msk [tilespmem:v58+s16+$0x0], $0xffff;
	v2 =	vadd.f32 v59, v2;
	v59 =	vmul.f32 v62, v8  }
0x33a: {  	v61 =	vld.idx.msk [tilespmem:v56+s14+$0x0], $0xffff;
	v4 =	vadd.f32 v6, v4;
	v6 =	vmul.f32 v60, v8  }
0x33b: {  	v0 =	vmul.f32 v0, v10;
	v8 =	vld.idx.msk [tilespmem:v56+s16+$0x0], $0xffff;
	v2 =	vadd.f32 v59, v2  }
0x33c: {  	v56 =	vld.idx.msk [tilespmem:v54+s14+$0x0], $0xffff;
	v4 =	vadd.f32 v6, v4;
	v6 =	vmul.f32 v46, v10  }
0x33d: {  	v10 =	vld.idx.msk [tilespmem:v54+s16+$0x0], $0xffff;
	v0 =	vadd.f32 v0, v2;
	v2 =	vmul.f32 v57, v63  }
0x33e: {  	v57 =	vld.idx.msk [tilespmem:v52+s14+$0x0], $0xffff;
	v4 =	vadd.f32 v6, v4;
	v6 =	vmul.f32 v58, v63  }
0x33f: {  	v59 =	vld.idx.msk [tilespmem:v52+s16+$0x0], $0xffff;
	v0 =	vadd.f32 v2, v0;
	v2 =	vmul.f32 v55, v61  }
0x340: {  	v60 =	vld.idx.msk [tilespmem:v50+s14+$0x0], $0xffff;
	v4 =	vadd.f32 v6, v4;
	v6 =	vmul.f32 v8, v61  }
0x341: {  	v8 =	vld.idx.msk [tilespmem:v50+s16+$0x0], $0xffff;
	v0 =	vadd.f32 v2, v0;
	v2 =	vmul.f32 v53, v56  }
0x342: {  	v61 =	vld.idx.msk [tilespmem:v48+s14+$0x0], $0xffff;
	v4 =	vadd.f32 v6, v4;
	v6 =	vmul.f32 v10, v56  }
0x343: {  	v10 =	vld.idx.msk [tilespmem:v48+s16+$0x0], $0xffff;
	v0 =	vadd.f32 v2, v0;
	v2 =	vmul.f32 v51, v57  }
0x344: {  	v62 =	vld.idx.msk [tilespmem:v45+s14+$0x0], $0xffff;
	v4 =	vadd.f32 v6, v4;
	v6 =	vmul.f32 v59, v57  }
0x345: {  	v52 =	vld.idx.msk [tilespmem:v45+s16+$0x0], $0xffff;
	v0 =	vadd.f32 v2, v0;
	v2 =	vmul.f32 v49, v60  }
0x346: {  	v53 =	vld.idx.msk [tilespmem:v43+s14+$0x0], $0xffff;
	v4 =	vadd.f32 v6, v4;
	v6 =	vmul.f32 v8, v60  }
0x347: {  	v8 =	vld.idx.msk [tilespmem:v43+s16+$0x0], $0xffff;
	v0 =	vadd.f32 v2, v0;
	v2 =	vmul.f32 v47, v61  }
0x348: {  	v55 =	vld.idx.msk [tilespmem:v41+s14+$0x0], $0xffff;
	v4 =	vadd.f32 v6, v4;
	v6 =	vmul.f32 v10, v61  }
0x349: {  	v10 =	vld.idx.msk [tilespmem:v41+s16+$0x0], $0xffff;
	v0 =	vadd.f32 v2, v0;
	v2 =	vmul.f32 v44, v62  }
0x34a: {  	v56 =	vld.idx.msk [tilespmem:v39+s14+$0x0], $0xffff;
	v4 =	vadd.f32 v6, v4;
	v6 =	vmul.f32 v52, v62  }
0x34b: {  	v57 =	vld.idx.msk [tilespmem:v39+s16+$0x0], $0xffff;
	v0 =	vadd.f32 v2, v0;
	v2 =	vmul.f32 v42, v53  }
0x34c: {  	v58 =	vld.idx.msk [tilespmem:v37+s14+$0x0], $0xffff;
	v4 =	vadd.f32 v6, v4;
	v6 =	vmul.f32 v8, v53  }
0x34d: {  	v8 =	vld.idx.msk [tilespmem:v37+s16+$0x0], $0xffff;
	v0 =	vadd.f32 v2, v0;
	v2 =	vmul.f32 v40, v55  }
0x34e: {  	v59 =	vld.idx.msk [tilespmem:v35+s14+$0x0], $0xffff;
	v4 =	vadd.f32 v6, v4;
	v6 =	vmul.f32 v10, v55  }
0x34f: {  	v10 =	vld.idx.msk [tilespmem:v35+s16+$0x0], $0xffff;
	v0 =	vadd.f32 v2, v0;
	v2 =	vmul.f32 v38, v56  }
0x350: {  	v60 =	vld.idx.msk [tilespmem:v33+s14+$0x0], $0xffff;
	v4 =	vadd.f32 v6, v4;
	v6 =	vmul.f32 v57, v56  }
0x351: {  	v61 =	vld.idx.msk [tilespmem:v33+s16+$0x0], $0xffff;
	v0 =	vadd.f32 v2, v0;
	v2 =	vmul.f32 v36, v58  }
0x352: {  	v62 =	vld.idx.msk [tilespmem:v31+s14+$0x0], $0xffff;
	v4 =	vadd.f32 v6, v4;
	v6 =	vmul.f32 v8, v58  }
0x353: {  	v8 =	vld.idx.msk [tilespmem:v31+s16+$0x0], $0xffff;
	v0 =	vadd.f32 v2, v0;
	v2 =	vmul.f32 v34, v59  }
0x354: {  	v31 =	vld.idx.msk [tilespmem:v29+s14+$0x0], $0xffff;
	v4 =	vadd.f32 v6, v4;
	v6 =	vmul.f32 v10, v59  }
0x355: {  	v10 =	vld.idx.msk [tilespmem:v29+s16+$0x0], $0xffff;
	v0 =	vadd.f32 v2, v0;
	v2 =	vmul.f32 v32, v60  }
0x356: {  	v29 =	vld.idx.msk [tilespmem:v27+s14+$0x0], $0xffff;
	v4 =	vadd.f32 v6, v4;
	v6 =	vmul.f32 v61, v60  }
0x357: {  	v27 =	vld.idx.msk [tilespmem:v27+s16+$0x0], $0xffff;
	v0 =	vadd.f32 v2, v0;
	v2 =	vmul.f32 v30, v62  }
0x358: {  	v30 =	vld.idx.msk [tilespmem:v25+s14+$0x0], $0xffff;
	v4 =	vadd.f32 v6, v4;
	v6 =	vmul.f32 v8, v62  }
0x359: {  	v8 =	vld.idx.msk [tilespmem:v25+s16+$0x0], $0xffff;
	v0 =	vadd.f32 v2, v0;
	v2 =	vmul.f32 v28, v31  }
0x35a: {  	v25 =	vld.idx.msk [tilespmem:v23+s14+$0x0], $0xffff;
	v4 =	vadd.f32 v6, v4;
	v6 =	vmul.f32 v10, v31  }
0x35b: {  	v10 =	vld.idx.msk [tilespmem:v23+s16+$0x0], $0xffff;
	v0 =	vadd.f32 v2, v0;
	v2 =	vmul.f32 v26, v29  }
0x35c: {  	v23 =	vld.idx.msk [tilespmem:v21+s14+$0x0], $0xffff;
	v4 =	vadd.f32 v6, v4;
	v6 =	vmul.f32 v27, v29  }
0x35d: {  	v21 =	vld.idx.msk [tilespmem:v21+s16+$0x0], $0xffff;
	v0 =	vadd.f32 v2, v0;
	v2 =	vmul.f32 v24, v30  }
0x35e: {  	v24 =	vld.idx.msk [tilespmem:v19+s14+$0x0], $0xffff;
	v4 =	vadd.f32 v6, v4;
	v6 =	vmul.f32 v8, v30  }
0x35f: {  	v8 =	vld.idx.msk [tilespmem:v19+s16+$0x0], $0xffff;
	v0 =	vadd.f32 v2, v0;
	v2 =	vmul.f32 v22, v25  }
0x360: {  	v19 =	vld.idx.msk [tilespmem:v17+s14+$0x0], $0xffff;
	v4 =	vadd.f32 v6, v4  }
0x361: {  	v6 =	vmul.f32 v10, v25;
	v10 =	vld.idx.msk [tilespmem:v17+s16+$0x0], $0xffff;
	v0 =	vadd.f32 v2, v0;
	v2 =	vmul.f32 v20, v23  }
0x362: {  	v17 =	vld.idx.msk [tilespmem:v15+s14+$0x0], $0xffff  }
0x363: {  	v0 =	vadd.f32 v2, v0;
	v2 =	vmul.f32 v18, v24  }
0x364: {  	v18 =	vld.idx.msk [tilespmem:v13+s14+$0x0], $0xffff  }
0x365: {  	v0 =	vadd.f32 v2, v0;
	v2 =	vmul.f32 v16, v19  }
0x366: {  	v4 =	vadd.f32 v6, v4;
	v6 =	vmul.f32 v21, v23  }
0x367: {  	v0 =	vadd.f32 v2, v0;
	v2 =	vmul.f32 v14, v17  }
0x368: {  	v4 =	vadd.f32 v6, v4  }
0x369: {  	v6 =	vmul.f32 v8, v24;
	v8 =	vld.idx.msk [tilespmem:v13+s16+$0x0], $0xffff;
	v0 =	vadd.f32 v2, v0;
	v2 =	vmul.f32 v12, v18  }
0x36a: {  	v13 =	vld.idx.msk [tilespmem:v11+s14+$0x0], $0xffff  }
0x36b: {  	v0 =	vadd.f32 v2, v0;
	v2 =	vld [tilespmem:$0x1FF00];
	_ =	sdelay $0x4  }
0x36c: {  	v4 =	vadd.f32 v6, v4;
	v6 =	vmul.f32 v10, v19;
	v10 =	vld.idx.msk [tilespmem:v11+s16+$0x0], $0xffff;
	v2 =	vmul.f32 v2, v13  }
0x36d: {  	v11 =	vld.idx.msk [tilespmem:v9+s14+$0x0], $0xffff  }
0x36e: {  	v0 =	vadd.f32 v2, v0;
	v2 =	vld [tilespmem:$0x1FEF0];
	_ =	sdelay $0x4  }
0x36f: {  	v15 =	vld.idx.msk [tilespmem:v15+s16+$0x0], $0xffff;
	v2 =	vmul.f32 v2, v11  }
0x370: {  	v12 =	vld.idx.msk [tilespmem:v7+s14+$0x0], $0xffff  }
0x371: {  	v0 =	vadd.f32 v2, v0;
	v2 =	vld [tilespmem:$0x1FEE0];
	_ =	sdelay $0x3  }
0x372: {  	v4 =	vadd.f32 v6, v4;
	v6 =	vmul.f32 v15, v17  }
0x373: {  	v2 =	vmul.f32 v2, v12  }
0x374: {  	v4 =	vadd.f32 v6, v4;
	v6 =	vmul.f32 v8, v18;
	v8 =	vld.idx.msk [tilespmem:v5+s14+$0x0], $0xffff  }
0x375: {  	v0 =	vadd.f32 v2, v0;
	v2 =	vld [tilespmem:$0x1FED0];
	_ =	sdelay $0x1  }
0x376: {  	v9 =	vld.idx.msk [tilespmem:v9+s16+$0x0], $0xffff;
	_ =	sdelay $0x1  }
0x377: {  	v7 =	vld.idx.msk [tilespmem:v7+s16+$0x0], $0xffff  }
0x378: {  	v5 =	vld.idx.msk [tilespmem:v5+s16+$0x0], $0xffff;
	v4 =	vadd.f32 v6, v4;
	v6 =	vmul.f32 v10, v13;
	v2 =	vmul.f32 v2, v8  }
0x379: {  	v10 =	vld.idx.msk [tilespmem:v3+s14+$0x0], $0xffff  }
0x37a: {  	v4 =	vadd.f32 v6, v4;
	v6 =	vmul.f32 v9, v11;
	v0 =	vadd.f32 v2, v0;
	v2 =	vld [tilespmem:$0x1FEC0]  }
0x37b: {  	v9 =	vld.idx.msk [tilespmem:v3+s16+$0x0], $0xffff  }
0x37c: {  	v63 =	vlaneseq.u32;
	v4 =	vadd.f32 v6, v4;
	v6 =	vmul.f32 v7, v12  }
0x37d: {  	v3 =	vor.u32 s24, v63  }
0x37e: {  	v5 =	vmul.f32 v5, v8;
	v4 =	vadd.f32 v6, v4;
	v11 =	vshll.u32 v1, $0x3;
	v1 =	vmovc v3  }
0x37f: {  	v46 =	vshll.u32 v1, $0x5;
	v6 =	vor.u32 $0x1, v11;
	v2 =	vmul.f32 v2, v10  }
0x380: {  	v4 =	vadd.f32 v5, v4;
	v3 =	vor.u32 $0x1F, v46;
	v8 =	vmul.f32 v9, v10  }
0x381: {  	v13 =	vor.u32 $0x1A, v46;
	v0 =	vadd.f32 v2, v0  }
0x382: {  	v15 =	vor.u32 $0x19, v46;
	v2 =	vadd.f32 v8, v4  }
0x383: {  	v17 =	vor.u32 $0x18, v46;
	[tilespmem:v11+s19+$0x0] =	vst.idx.msk $0xffff, v0  }
0x384: {  	v19 =	vor.u32 $0x17, v46;
	[tilespmem:v6+s19+$0x0] =	vst.idx.msk $0xffff, v2  }
0x385: {  	v21 =	vor.u32 $0x16, v46;
	v0 =	vld.idx.msk [tilespmem:v3+s15+$0x0], $0xffff  }
0x386: {  	v23 =	vor.u32 $0x15, v46;
	v12 =	vld.idx.msk [tilespmem:v13+s15+$0x0], $0xffff  }
0x387: {  	v5 =	vor.u32 $0x1E, v46;
	v14 =	vld.idx.msk [tilespmem:v15+s15+$0x0], $0xffff  }
0x388: {  	v25 =	vor.u32 $0x14, v46;
	v16 =	vld.idx.msk [tilespmem:v17+s15+$0x0], $0xffff  }
0x389: {  	v27 =	vor.u32 $0x13, v46;
	v18 =	vld.idx.msk [tilespmem:v19+s15+$0x0], $0xffff  }
0x38a: {  	v29 =	vor.u32 $0x12, v46;
	v20 =	vld.idx.msk [tilespmem:v21+s15+$0x0], $0xffff  }
0x38b: {  	v31 =	vor.u32 $0x11, v46;
	v22 =	vld.idx.msk [tilespmem:v23+s15+$0x0], $0xffff  }
0x38c: {  	v7 =	vor.u32 $0x1D, v46;
	[tilespmem:$0x1FEC0] =	vst v0;
	v0 =	vld.idx.msk [tilespmem:v5+s15+$0x0], $0xffff  }
0x38d: {  	v33 =	vor.u32 $0x10, v46;
	v24 =	vld.idx.msk [tilespmem:v25+s15+$0x0], $0xffff  }
0x38e: {  	v35 =	vor.u32 $0xF, v46;
	v26 =	vld.idx.msk [tilespmem:v27+s15+$0x0], $0xffff  }
0x38f: {  	v37 =	vor.u32 $0xE, v46;
	v28 =	vld.idx.msk [tilespmem:v29+s15+$0x0], $0xffff  }
0x390: {  	v39 =	vor.u32 $0xD, v46;
	v30 =	vld.idx.msk [tilespmem:v31+s15+$0x0], $0xffff  }
0x391: {  	v9 =	vor.u32 $0x1C, v46;
	[tilespmem:$0x1FED0] =	vst v0;
	v0 =	vld.idx.msk [tilespmem:v7+s15+$0x0], $0xffff  }
0x392: {  	v41 =	vor.u32 $0xC, v46;
	v32 =	vld.idx.msk [tilespmem:v33+s15+$0x0], $0xffff  }
0x393: {  	v43 =	vor.u32 $0xB, v46;
	v34 =	vld.idx.msk [tilespmem:v35+s15+$0x0], $0xffff  }
0x394: {  	v45 =	vor.u32 $0xA, v46;
	v36 =	vld.idx.msk [tilespmem:v37+s15+$0x0], $0xffff  }
0x395: {  	v48 =	vor.u32 $0x9, v46;
	v38 =	vld.idx.msk [tilespmem:v39+s15+$0x0], $0xffff  }
0x396: {  	v11 =	vor.u32 $0x1B, v46;
	[tilespmem:$0x1FEE0] =	vst v0;
	v0 =	vld.idx.msk [tilespmem:v9+s15+$0x0], $0xffff  }
0x397: {  	v50 =	vor.u32 $0x8, v46;
	v40 =	vld.idx.msk [tilespmem:v41+s15+$0x0], $0xffff  }
0x398: {  	v52 =	vor.u32 $0x7, v46;
	v42 =	vld.idx.msk [tilespmem:v43+s15+$0x0], $0xffff  }
0x399: {  	v54 =	vor.u32 $0x6, v46;
	v44 =	vld.idx.msk [tilespmem:v45+s15+$0x0], $0xffff  }
0x39a: {  	v56 =	vor.u32 $0x5, v46;
	v47 =	vld.idx.msk [tilespmem:v48+s15+$0x0], $0xffff  }
0x39b: {  	p0 =	sne.s32 s24, $0x1F0;
	v58 =	vor.u32 $0x4, v46;
	[tilespmem:$0x1FEF0] =	vst v0;
	v0 =	vld.idx.msk [tilespmem:v11+s15+$0x0], $0xffff  }
.Ltmp3:
0x39c: {  	v49 =	vld.idx.msk [tilespmem:v50+s15+$0x0], $0xffff;
	(pc) =	sbr.rel @p0 .LBB2_8-.Ltmp3, $4  }
0x39d: {  	v51 =	vld.idx.msk [tilespmem:v52+s15+$0x0], $0xffff  }
0x39e: {  	v53 =	vld.idx.msk [tilespmem:v54+s15+$0x0], $0xffff  }
0x39f: {  	v55 =	vld.idx.msk [tilespmem:v56+s15+$0x0], $0xffff  }
0x3a0: {  	s24 =	sadd.s32 $0x10, s24;
	v59 =	vor.u32 $0x3, v46;
	v60 =	vor.u32 $0x2, v46;
	v61 =	vor.u32 $0x1, v46;
	v57 =	vld.idx.msk [tilespmem:v58+s15+$0x0], $0xffff;
	[tilespmem:$0x1FF00] =	vst v0  }
0x3a1: {  	_ =	sdelay $0x3  }
0x3a2: {  	v0 =	vld.idx.msk [tilespmem:v61+s15+$0x0], $0xffff  }
0x3a3: {  	v2 =	vld.idx.msk [tilespmem:v46+s15+$0x0], $0xffff  }
0x3a4: {  	v4 =	vld.idx.msk [tilespmem:v46+s14+$0x0], $0xffff  }
0x3a5: {  	v6 =	vld.idx.msk [tilespmem:v46+s16+$0x0], $0xffff  }
0x3a6: {  	v8 =	vld.idx.msk [tilespmem:v61+s14+$0x0], $0xffff  }
0x3a7: {  	v10 =	vld.idx.msk [tilespmem:v61+s16+$0x0], $0xffff  }
0x3a8: {  	v46 =	vld.idx.msk [tilespmem:v60+s15+$0x0], $0xffff  }
0x3a9: {  	v61 =	vld.idx.msk [tilespmem:v60+s14+$0x0], $0xffff  }
0x3aa: {  	v60 =	vld.idx.msk [tilespmem:v60+s16+$0x0], $0xffff  }
0x3ab: {  	v62 =	vld.idx.msk [tilespmem:v59+s15+$0x0], $0xffff  }
0x3ac: {  	v2 =	vmul.f32 v2, v4;
	v4 =	vmul.f32 v6, v4;
	v6 =	vld.idx.msk [tilespmem:v59+s14+$0x0], $0xffff  }
0x3ad: {  	v59 =	vld.idx.msk [tilespmem:v59+s16+$0x0], $0xffff  }
0x3ae: {  	v0 =	vmul.f32 v0, v8;
	v8 =	vmul.f32 v10, v8;
	v10 =	vld.idx.msk [tilespmem:v58+s14+$0x0], $0xffff;
	v2 =	vadd.f32 $0.0e+00, v2  }
0x3af: {  	v46 =	vmul.f32 v46, v61;
	v61 =	vmul.f32 v60, v61;
	v60 =	vld.idx.msk [tilespmem:v54+s16+$0x0], $0xffff  }
0x3b0: {  	v4 =	vadd.f32 $0.0e+00, v4;
	v0 =	vadd.f32 v0, v2;
	v2 =	vld.idx.msk [tilespmem:v58+s16+$0x0], $0xffff  }
0x3b1: {  	v58 =	vld.idx.msk [tilespmem:v56+s14+$0x0], $0xffff  }
0x3b2: {  	v4 =	vadd.f32 v8, v4;
	v8 =	vld.idx.msk [tilespmem:v54+s14+$0x0], $0xffff  }
0x3b3: {  	v54 =	vld.idx.msk [tilespmem:v45+s16+$0x0], $0xffff;
	v62 =	vmul.f32 v62, v6  }
0x3b4: {  	v6 =	vmul.f32 v59, v6;
	v0 =	vadd.f32 v46, v0;
	v46 =	vld.idx.msk [tilespmem:v56+s16+$0x0], $0xffff;
	v4 =	vadd.f32 v61, v4  }
0x3b5: {  	v61 =	vmul.f32 v57, v10;
	v57 =	vld.idx.msk [tilespmem:v50+s14+$0x0], $0xffff  }
0x3b6: {  	v4 =	vadd.f32 v6, v4;
	v6 =	vld.idx.msk [tilespmem:v52+s14+$0x0], $0xffff  }
0x3b7: {  	v2 =	vmul.f32 v2, v10;
	v10 =	vld.idx.msk [tilespmem:v52+s16+$0x0], $0xffff  }
0x3b8: {  	v0 =	vadd.f32 v62, v0;
	v59 =	vmul.f32 v53, v8;
	v53 =	vld.idx.msk [tilespmem:v45+s14+$0x0], $0xffff  }
0x3b9: {  	v45 =	vld.idx.msk [tilespmem:v29+s16+$0x0], $0xffff  }
0x3ba: {  	v62 =	vmul.f32 v55, v58;
	v0 =	vadd.f32 v61, v0;
	v61 =	vld.idx.msk [tilespmem:v48+s14+$0x0], $0xffff  }
0x3bb: {  	v2 =	vadd.f32 v2, v4;
	v56 =	vmul.f32 v46, v58;
	v58 =	vld.idx.msk [tilespmem:v50+s16+$0x0], $0xffff  }
0x3bc: {  	v55 =	vmul.f32 v49, v57;
	v49 =	vld.idx.msk [tilespmem:v39+s16+$0x0], $0xffff;
	v0 =	vadd.f32 v62, v0  }
0x3bd: {  	v60 =	vmul.f32 v60, v8;
	v62 =	vld.idx.msk [tilespmem:v48+s16+$0x0], $0xffff;
	v2 =	vadd.f32 v56, v2;
	v51 =	vmul.f32 v51, v6  }
0x3be: {  	v48 =	vld.idx.msk [tilespmem:v39+s14+$0x0], $0xffff;
	v0 =	vadd.f32 v59, v0;
	v52 =	vmul.f32 v10, v6;
	v44 =	vmul.f32 v44, v53  }
0x3bf: {  	v2 =	vadd.f32 v60, v2;
	v59 =	vmul.f32 v47, v61;
	v47 =	vmul.f32 v54, v53;
	v53 =	vld.idx.msk [tilespmem:v37+s16+$0x0], $0xffff  }
0x3c0: {  	v0 =	vadd.f32 v51, v0;
	v56 =	vmul.f32 v58, v57;
	v57 =	vld.idx.msk [tilespmem:v43+s14+$0x0], $0xffff  }
0x3c1: {  	v58 =	vld.idx.msk [tilespmem:v43+s16+$0x0], $0xffff;
	v2 =	vadd.f32 v52, v2  }
0x3c2: {  	v60 =	vmul.f32 v62, v61;
	v61 =	vld.idx.msk [tilespmem:v41+s14+$0x0], $0xffff;
	v0 =	vadd.f32 v55, v0  }
0x3c3: {  	v62 =	vld.idx.msk [tilespmem:v41+s16+$0x0], $0xffff;
	v2 =	vadd.f32 v56, v2  }
0x3c4: {  	v52 =	vld.idx.msk [tilespmem:v37+s14+$0x0], $0xffff;
	v0 =	vadd.f32 v59, v0  }
0x3c5: {  	v41 =	vld.idx.msk [tilespmem:v31+s16+$0x0], $0xffff;
	v2 =	vadd.f32 v60, v2  }
0x3c6: {  	v37 =	vld.idx.msk [tilespmem:v13+s16+$0x0], $0xffff;
	v50 =	vmul.f32 v42, v57;
	v0 =	vadd.f32 v44, v0  }
0x3c7: {  	v56 =	vld.idx.msk [tilespmem:v35+s14+$0x0], $0xffff;
	v51 =	vmul.f32 v58, v57;
	v2 =	vadd.f32 v47, v2  }
0x3c8: {  	v59 =	vld.idx.msk [tilespmem:v33+s14+$0x0], $0xffff;
	v54 =	vmul.f32 v40, v61;
	v0 =	vadd.f32 v50, v0  }
0x3c9: {  	v57 =	vld.idx.msk [tilespmem:v35+s16+$0x0], $0xffff;
	v55 =	vmul.f32 v62, v61;
	v2 =	vadd.f32 v51, v2  }
0x3ca: {  	v38 =	vmul.f32 v38, v48;
	v60 =	vld.idx.msk [tilespmem:v33+s16+$0x0], $0xffff;
	v0 =	vadd.f32 v54, v0  }
0x3cb: {  	v58 =	vmul.f32 v49, v48;
	v48 =	vld.idx.msk [tilespmem:v27+s16+$0x0], $0xffff;
	v2 =	vadd.f32 v55, v2  }
0x3cc: {  	v33 =	vld.idx.msk [tilespmem:v15+s16+$0x0], $0xffff;
	v61 =	vmul.f32 v36, v52;
	v0 =	vadd.f32 v38, v0  }
0x3cd: {  	v62 =	vmul.f32 v53, v52;
	v40 =	vld.idx.msk [tilespmem:v31+s14+$0x0], $0xffff;
	v2 =	vadd.f32 v58, v2  }
0x3ce: {  	v44 =	vld.idx.msk [tilespmem:v29+s14+$0x0], $0xffff;
	v42 =	vmul.f32 v34, v56;
	v0 =	vadd.f32 v61, v0  }
0x3cf: {  	v52 =	vld.idx.msk [tilespmem:v25+s16+$0x0], $0xffff;
	v43 =	vmul.f32 v57, v56;
	v2 =	vadd.f32 v62, v2  }
0x3d0: {  	v29 =	vld.idx.msk [tilespmem:v17+s14+$0x0], $0xffff;
	v32 =	vmul.f32 v32, v59;
	v0 =	vadd.f32 v42, v0  }
0x3d1: {  	v47 =	vld.idx.msk [tilespmem:v27+s14+$0x0], $0xffff;
	v46 =	vmul.f32 v60, v59;
	v2 =	vadd.f32 v43, v2  }
0x3d2: {  	v36 =	vld.idx.msk [tilespmem:v13+s14+$0x0], $0xffff;
	v49 =	vmul.f32 v30, v40;
	v0 =	vadd.f32 v32, v0  }
0x3d3: {  	v51 =	vld.idx.msk [tilespmem:v25+s14+$0x0], $0xffff;
	v50 =	vmul.f32 v41, v40;
	v2 =	vadd.f32 v46, v2  }
0x3d4: {  	v56 =	vld.idx.msk [tilespmem:v23+s16+$0x0], $0xffff;
	v53 =	vmul.f32 v28, v44;
	v0 =	vadd.f32 v49, v0  }
0x3d5: {  	v54 =	vmul.f32 v45, v44;
	v55 =	vld.idx.msk [tilespmem:v23+s14+$0x0], $0xffff;
	v2 =	vadd.f32 v50, v2  }
0x3d6: {  	v59 =	vld.idx.msk [tilespmem:v21+s16+$0x0], $0xffff;
	v26 =	vmul.f32 v26, v47;
	v0 =	vadd.f32 v53, v0  }
0x3d7: {  	v57 =	vmul.f32 v48, v47;
	v58 =	vld.idx.msk [tilespmem:v21+s14+$0x0], $0xffff;
	v2 =	vadd.f32 v54, v2  }
0x3d8: {  	v30 =	vld.idx.msk [tilespmem:v17+s16+$0x0], $0xffff;
	v60 =	vmul.f32 v24, v51;
	v0 =	vadd.f32 v26, v0  }
0x3d9: {  	v61 =	vmul.f32 v52, v51;
	v62 =	vld.idx.msk [tilespmem:v19+s14+$0x0], $0xffff;
	v2 =	vadd.f32 v57, v2  }
0x3da: {  	v27 =	vmul.f32 v22, v55;
	v26 =	vld.idx.msk [tilespmem:v19+s16+$0x0], $0xffff;
	v0 =	vadd.f32 v60, v0  }
0x3db: {  	v40 =	vld.idx.msk [tilespmem:v11+s14+$0x0], $0xffff;
	v28 =	vmul.f32 v56, v55;
	v2 =	vadd.f32 v61, v2  }
0x3dc: {  	v41 =	vld.idx.msk [tilespmem:v11+s16+$0x0], $0xffff;
	v20 =	vmul.f32 v20, v58;
	v0 =	vadd.f32 v27, v0  }
0x3dd: {  	v31 =	vmul.f32 v59, v58;
	v32 =	vld.idx.msk [tilespmem:v15+s14+$0x0], $0xffff;
	v2 =	vadd.f32 v28, v2  }
0x3de: {  	v44 =	vld.idx.msk [tilespmem:v9+s16+$0x0], $0xffff;
	v34 =	vmul.f32 v18, v62;
	v0 =	vadd.f32 v20, v0  }
0x3df: {  	v47 =	vld.idx.msk [tilespmem:v7+s14+$0x0], $0xffff;
	v35 =	vmul.f32 v26, v62;
	v2 =	vadd.f32 v31, v2  }
0x3e0: {  	v38 =	vmul.f32 v16, v29;
	v48 =	vld.idx.msk [tilespmem:v7+s16+$0x0], $0xffff;
	v0 =	vadd.f32 v34, v0  }
0x3e1: {  	v39 =	vmul.f32 v30, v29;
	v49 =	vld [tilespmem:$0x1FF00];
	v2 =	vadd.f32 v35, v2  }
0x3e2: {  	v43 =	vld.idx.msk [tilespmem:v9+s14+$0x0], $0xffff;
	v14 =	vmul.f32 v14, v32;
	v0 =	vadd.f32 v38, v0  }
0x3e3: {  	v53 =	vld [tilespmem:$0x1FEF0];
	v42 =	vmul.f32 v33, v32;
	v2 =	vadd.f32 v39, v2  }
0x3e4: {  	v45 =	vmul.f32 v12, v36;
	v51 =	vld.idx.msk [tilespmem:v5+s14+$0x0], $0xffff;
	v0 =	vadd.f32 v14, v0  }
0x3e5: {  	v46 =	vmul.f32 v37, v36;
	v57 =	vld [tilespmem:$0x1FEE0];
	v2 =	vadd.f32 v42, v2  }
0x3e6: {  	v52 =	vld.idx.msk [tilespmem:v5+s16+$0x0], $0xffff;
	v10 =	vmul.f32 v49, v40;
	v0 =	vadd.f32 v45, v0  }
0x3e7: {  	v59 =	vld [tilespmem:$0x1FED0];
	v50 =	vmul.f32 v41, v40;
	v2 =	vadd.f32 v46, v2  }
0x3e8: {  	v55 =	vld.idx.msk [tilespmem:v3+s14+$0x0], $0xffff;
	v0 =	vadd.f32 v10, v0;
	v10 =	vmul.f32 v53, v43  }
0x3e9: {  	v54 =	vmul.f32 v44, v43;
	v61 =	vld [tilespmem:$0x1FEC0];
	v2 =	vadd.f32 v50, v2  }
0x3ea: {  	v56 =	vld.idx.msk [tilespmem:v3+s16+$0x0], $0xffff;
	v9 =	vmul.f32 v57, v47;
	v0 =	vadd.f32 v10, v0  }
0x3eb: {  	v58 =	vmul.f32 v48, v47;
	v2 =	vadd.f32 v54, v2  }
0x3ec: {  	v7 =	vmul.f32 v59, v51;
	v0 =	vadd.f32 v9, v0  }
0x3ed: {  	v1 =	vshll.u32 v1, $0x3;
	v60 =	vmul.f32 v52, v51;
	v2 =	vadd.f32 v58, v2  }
0x3ee: {  	v62 =	vor.u32 $0x1, v1;
	v5 =	vmul.f32 v61, v55;
	v0 =	vadd.f32 v7, v0  }
0x3ef: {  	v3 =	vmul.f32 v56, v55;
	v2 =	vadd.f32 v60, v2  }
0x3f0: {  	v0 =	vadd.f32 v5, v0  }
0x3f1: {  	s23 =	sadd.s32 $0x1, s23;
	v2 =	vadd.f32 v3, v2  }
0x3f2: {  	p0 =	sne.s32 s23, s9;
	[tilespmem:v1+s19+$0x0] =	vst.idx.msk $0xffff, v0  }
.Ltmp4:
0x3f3: {  	[tilespmem:v62+s19+$0x0] =	vst.idx.msk $0xffff, v2;
	(pc) =	sbr.rel @p0 .LBB2_1-.Ltmp4, $4  }
0x3f4: {  	[hbm4b:s8+s2] =	stream.linear.scatter [tilespmem:s19], [sflag:$0x5], $0x1000, $0x38;
	[tilespmem:$0xD600] =	vst v63  }
0x3f5: {  	_ =	swait.ge [sflag:s10], $0x1000  }
0x3f6: {  	[sflag:s10] =	ssyncset.done $0x0  }
0x3f7: {  	[sflag:s10] =	ssyncadd.s32 $0xFFFFF000  }
0x3f8: {  	_ =	sfence.sel $0x180000  }
0x3f9: {  	[bflag:$0x0] =	sbarrier.arrive $0xFFFF  }
0x3fa: {  	_ =	strace $0x90000047  }
0x3fb: {  	s0 =	stileid.u32;
	[bflag:$0x2] =	sbarrier.arrive $0xFFFF  }
0x3fc: {  	p0 =	sne.s32 s0, $0x0;
	s0 =	rddreg [dreg:$0x4]  }
0x3fd: {  	s0 =	sadd.s32 @!p0 $0x100000, s0  }
0x3fe: {  	[sflag:s0] =	ssyncadd.tile.s32 @!p0 $0x1;
	_ =	shalt  }
.Lfunc_end2:
_tile_overlayer_lowered:
.L_overlay_start_2:
0x3ff: {  	(tag) =	ssettag $0x2  }
0x400: {  	s0 =	rddreg [dreg:$0x0];
	s2 =	stileid.u32  }
0x401: {  	s1 =	rddreg [dreg:$0x1];
	p0 =	sne.s32 s2, $0x0  }
0x402: {  	s3 =	rddreg [dreg:$0x2];
	[bflag:$0x3] =	sbarrier.arrive $0xFFFF;
	s2 =	simm.s32 @!p0 $0x1C05  }
0x403: {  	[timem:s3], [sflag:s2] =	dma.local @!p0 [hbm:s0], s1  }
0x404: {  	s0 =	simm.s32 @!p0 $0x5  }
0x405: {  	_ =	swait.ge @!p0 [sflag:s0], s1  }
0x406: {  	s1 =	ssub.s32 @!p0 $0x0, s1;
	[sflag:s0] =	ssyncset.done @!p0 $0x0  }
0x407: {  	[sflag:s0] =	ssyncadd.s32 @!p0 s1  }
0x408: {  	[bflag:$0x3] =	sbarrier.arrive $0xFFFF  }
0x409: {  	_ =	shalt  }

</sc_bundles>
